<compile_context>
chip_gen: v7x
topology: tpu7x:2x2x1
jax: 0.10.2.dev20260603
libtpu: 0.0.44.dev20260713+nightly
codegen_flags: <defaults>
</compile_context>

<pallas_src>
import functools

import jax
import jax.numpy as jnp
from jax import lax
from jax.experimental import pallas as pl
from jax.experimental.pallas import tpu as pltpu
from jax.experimental.pallas import tpu_sc as plsc

G = 64
BN_EPS = 1e-5
CHUNK = 128
NCORES = 2
NSUB = 16
NTILES = NCORES * NSUB
NEG = -1e30



def _embed_body(x_ref, w_ref, b_ref, o_ref):
    o_ref[...] = (
        jnp.dot(x_ref[...], w_ref[...], preferred_element_type=jnp.float32)
        + b_ref[...]
    )


def _edge_embed_body(ea_ref, w_ref, b_ref, o_ref, *, rows, n_rows_real):
    pid = pl.program_id(0)
    z = (jnp.dot(ea_ref[...], w_ref[...],
                 preferred_element_type=jnp.float32) + b_ref[...])
    rid = pid * rows + lax.broadcasted_iota(jnp.int32, (rows, 1), 0)
    ok = rid < n_rows_real
    for a in range(4):
        o_ref[a] = jnp.where(ok, z[:, 128 * a:128 * (a + 1)], NEG)


def _mlp_stats_body(h_ref, a_ref, w1_ref, b1_ref, w2_ref, b2_ref,
                    z_ref, s_ref, acc, *, nblk):
    i = pl.program_id(0)
    u = h_ref[...] + (a_ref[0] + a_ref[1])
    t = jnp.maximum(
        jnp.dot(u, w1_ref[...], preferred_element_type=jnp.float32)
        + b1_ref[...], 0.0)
    z = (jnp.dot(t, w2_ref[...], preferred_element_type=jnp.float32)
         + b2_ref[...])
    z_ref[...] = z

    @pl.when(i == 0)
    def _():
        acc[...] = jnp.zeros_like(acc)

    acc[...] += jnp.sum(z, axis=0, keepdims=True)

    @pl.when(i == nblk - 1)
    def _():
        s_ref[...] = acc[...]


def _bn_body(z_ref, s_ref, g_ref, be_ref, o_ref, accv, *, n, nblk):
    p = pl.program_id(0)
    i = pl.program_id(1)
    mu = s_ref[...] / n
    zc = z_ref[...] - mu

    @pl.when(p == 0)
    def _():
        @pl.when(i == 0)
        def _():
            accv[...] = jnp.zeros_like(accv)
        accv[...] += jnp.sum(zc * zc, axis=0, keepdims=True)

    @pl.when(p == 1)
    def _():
        sd = jnp.sqrt(accv[...] / n + BN_EPS)
        o_ref[...] = jnp.maximum(zc / sd * g_ref[...] + be_ref[...], 0.0)


def _pool_head_body(z_ref, s_ref, g_ref, be_ref, bf_ref,
                    wl1_ref, bl1_ref, wl2_ref, bl2_ref,
                    o_ref, accv, accs, accc, *, n, nblk, blk):
    p = pl.program_id(0)
    i = pl.program_id(1)
    mu = s_ref[...] / n
    zc = z_ref[...] - mu

    @pl.when(p == 0)
    def _():
        @pl.when(i == 0)
        def _():
            accv[...] = jnp.zeros_like(accv)
        accv[...] += jnp.sum(zc * zc, axis=0, keepdims=True)

    @pl.when(p == 1)
    def _():
        sd = jnp.sqrt(accv[...] / n + BN_EPS)
        h = jnp.maximum(zc / sd * g_ref[...] + be_ref[...], 0.0)
        gid = bf_ref[...]
        iota = lax.broadcasted_iota(jnp.int32, (blk, G), 1)
        onehot = jnp.where(gid == iota, 1.0, 0.0)
        gs = lax.dot_general(onehot, h, (((0,), (0,)), ((), ())),
                             preferred_element_type=jnp.float32)
        cnt = lax.dot_general(onehot, jnp.ones((blk, 1), jnp.float32),
                              (((0,), (0,)), ((), ())),
                              preferred_element_type=jnp.float32)

        @pl.when(i == 0)
        def _():
            accs[...] = jnp.zeros_like(accs)
            accc[...] = jnp.zeros_like(accc)

        accs[...] += gs
        accc[...] += cnt

        @pl.when(i == nblk - 1)
        def _():
            gx = accs[...] / jnp.maximum(accc[...], 1.0)
            t = jnp.maximum(
                jnp.dot(gx, wl1_ref[...],
                        preferred_element_type=jnp.float32)
                + bl1_ref[...], 0.0)
            o_ref[...] = (
                jnp.dot(t, wl2_ref[...],
                        preferred_element_type=jnp.float32)
                + bl2_ref[...])


def _full(shape):
    return pl.BlockSpec(shape, lambda *_: tuple(0 for _ in shape))



def _make_sc_agg(n, h_dim, cpt, e_pad):
    mesh = plsc.VectorSubcoreMesh(core_axis_name="c", subcore_axis_name="s")
    rows_per_tile = -(-n // (NSUB * CHUNK)) * CHUNK
    n_pad = NSUB * rows_per_tile
    nq = h_dim // 16

    @functools.partial(
        pl.kernel,
        out_type=jax.ShapeDtypeStruct((NCORES, n_pad, h_dim), jnp.float32),
        mesh=mesh,
        scratch_types=[
            pltpu.VMEM((cpt, CHUNK), jnp.int32),
            pltpu.VMEM((cpt, CHUNK), jnp.int32),
            pltpu.VMEM((CHUNK, h_dim), jnp.float32),
            pltpu.VMEM((4, CHUNK * h_dim // 512, 128), jnp.float32),
            pltpu.VMEM_SHARED((n_pad, h_dim), jnp.float32),
            pltpu.SemaphoreType.DMA,
            pltpu.SemaphoreType.DMA,
        ],
        compiler_params=pltpu.CompilerParams(use_tc_tiling_on_sc=False),
    )
    def sc_agg(h_hbm, e_hbm, src_hbm, dst_hbm, out_hbm,
               src_v, dst_v, hs_v, e_v, agg_sh, sem_g, sem_e):
        c = lax.axis_index("c")
        s = lax.axis_index("s")
        wid = c * NSUB + s
        pltpu.sync_copy(src_hbm.at[wid], src_v)
        pltpu.sync_copy(dst_hbm.at[wid], dst_v)

        def zrow(i, carry):
            for q in range(nq):
                hs_v[i, pl.ds(q * 16, 16)] = jnp.zeros((16,), jnp.float32)
            return carry
        lax.fori_loop(0, CHUNK, zrow, 0)

        def zcp(k, carry):
            pltpu.sync_copy(
                hs_v,
                agg_sh.at[pl.ds(s * rows_per_tile + k * CHUNK, CHUNK)])
            return carry
        lax.fori_loop(0, rows_per_tile // CHUNK, zcp, 0)
        plsc.subcore_barrier()

        erows = CHUNK * h_dim // 512

        def chunk_body(j, carry):
            cg = pltpu.async_copy(h_hbm.at[src_v.at[j]], hs_v, sem_g)
            ce = pltpu.async_copy(
                e_hbm.at[:, pl.ds((wid * cpt + j) * erows, erows), :],
                e_v, sem_e)
            cg.wait()
            ce.wait()

            def crow(p, cc):
                for c in range(8):
                    i = 8 * p + c
                    for q in range(nq):
                        sl = pl.ds(q * 16, 16)
                        sle = pl.ds(64 * (c % 2) + q * 16, 16)
                        hs_v[i, sl] = jnp.maximum(
                            hs_v[i, sl] + e_v[c // 2, p, sle], 0.0)
                return cc
            lax.fori_loop(0, CHUNK // 8, crow, 0)
            pltpu.sync_copy(hs_v, agg_sh.at[dst_v.at[j]], add=True)
            return carry
        lax.fori_loop(0, cpt, chunk_body, 0)

        plsc.subcore_barrier()
        pltpu.sync_copy(
            agg_sh.at[pl.ds(s * rows_per_tile, rows_per_tile)],
            out_hbm.at[c, pl.ds(s * rows_per_tile, rows_per_tile)])

    return sc_agg



def kernel(x, edge_index, edge_attr, batch,
           W_node, b_node, W_edge, b_edge,
           W1_0, b1_0, W2_0, b2_0, g_0, be_0,
           W1_1, b1_1, W2_1, b2_1, g_1, be_1,
           W_lin1, b_lin1, W_lin2, b_lin2):
    n, df = x.shape
    e_cnt, de = edge_attr.shape
    h_dim = W_node.shape[1]
    f32 = jnp.float32

    ei = edge_index.astype(jnp.int32)
    cpt = -(-e_cnt // (NTILES * CHUNK))
    cpt = -(-cpt // 8) * 8
    e_pad = NTILES * cpt * CHUNK
    pad = e_pad - e_cnt
    zi = jnp.zeros((pad,), jnp.int32)
    src_p = jnp.concatenate([ei[0], zi]).reshape(NTILES, cpt, CHUNK)
    dst_p = jnp.concatenate([ei[1], zi]).reshape(NTILES, cpt, CHUNK)
    batch_f = batch.astype(jnp.int32).reshape(n, 1)
    b_node2 = b_node.reshape(1, -1)
    b_edge2 = b_edge.reshape(1, -1)
    b1_0_2, b2_0_2 = b1_0.reshape(1, -1), b2_0.reshape(1, -1)
    b1_1_2, b2_1_2 = b1_1.reshape(1, -1), b2_1.reshape(1, -1)
    g_0_2, be_0_2 = g_0.reshape(1, -1), be_0.reshape(1, -1)
    g_1_2, be_1_2 = g_1.reshape(1, -1), be_1.reshape(1, -1)
    bl1_2, bl2_2 = b_lin1.reshape(1, -1), b_lin2.reshape(1, -1)

    h0 = pl.pallas_call(
        _embed_body,
        out_shape=jax.ShapeDtypeStruct((n, h_dim), f32),
    )(x, W_node, b_node2)

    epr = 128 // de
    olanes = epr * h_dim
    ea128 = edge_attr.reshape(e_cnt // epr, 128)
    w_kron = jnp.kron(jnp.eye(epr, dtype=f32), W_edge)
    b_kron = jnp.tile(b_edge, epr).reshape(1, olanes)
    erows = 1024
    egrid = e_pad // (erows * epr)
    e_emb = pl.pallas_call(
        functools.partial(_edge_embed_body, rows=erows,
                          n_rows_real=e_cnt // epr),
        grid=(egrid,),
        in_specs=[
            pl.BlockSpec((erows, 128), lambda i: (i, 0)),
            _full((128, olanes)),
            _full((1, olanes)),
        ],
        out_specs=pl.BlockSpec((4, erows, 128), lambda i: (0, i, 0)),
        out_shape=jax.ShapeDtypeStruct((4, e_pad // epr, 128), f32),
    )(ea128, w_kron, b_kron)

    sc_agg = _make_sc_agg(n, h_dim, cpt, e_pad)

    nblk = 1000
    ngrid = n // nblk

    def mlp_stats(h, agg2, w1, b1r, w2, b2r):
        d2 = w1.shape[1]
        return pl.pallas_call(
            functools.partial(_mlp_stats_body, nblk=ngrid),
            grid=(ngrid,),
            in_specs=[
                pl.BlockSpec((nblk, h_dim), lambda i: (i, 0)),
                pl.BlockSpec((NCORES, nblk, h_dim), lambda i: (0, i, 0)),
                _full((h_dim, d2)),
                _full((1, d2)),
                _full((d2, h_dim)),
                _full((1, h_dim)),
            ],
            out_specs=[
                pl.BlockSpec((nblk, h_dim), lambda i: (i, 0)),
                _full((1, h_dim)),
            ],
            out_shape=[
                jax.ShapeDtypeStruct((n, h_dim), f32),
                jax.ShapeDtypeStruct((1, h_dim), f32),
            ],
            scratch_shapes=[pltpu.VMEM((1, h_dim), f32)],
        )(h, agg2, w1, b1r, w2, b2r)

    def bn_apply(z, stats, gr, ber):
        return pl.pallas_call(
            functools.partial(_bn_body, n=float(n), nblk=ngrid),
            grid=(2, ngrid),
            in_specs=[
                pl.BlockSpec((nblk, h_dim), lambda p, i: (i, 0)),
                _full((1, h_dim)),
                _full((1, h_dim)),
                _full((1, h_dim)),
            ],
            out_specs=pl.BlockSpec((nblk, h_dim), lambda p, i: (i, 0)),
            out_shape=jax.ShapeDtypeStruct((n, h_dim), f32),
            scratch_shapes=[pltpu.VMEM((1, h_dim), f32)],
        )(z, stats, gr, ber)

    agg0 = sc_agg(h0, e_emb, src_p, dst_p)
    z0, s0 = mlp_stats(h0, agg0, W1_0, b1_0_2, W2_0, b2_0_2)
    h1 = bn_apply(z0, s0, g_0_2, be_0_2)

    agg1 = sc_agg(h1, e_emb, src_p, dst_p)
    z1, s1 = mlp_stats(h1, agg1, W1_1, b1_1_2, W2_1, b2_1_2)

    out = pl.pallas_call(
        functools.partial(_pool_head_body, n=float(n), nblk=ngrid, blk=nblk),
        grid=(2, ngrid),
        in_specs=[
            pl.BlockSpec((nblk, h_dim), lambda p, i: (i, 0)),
            _full((1, h_dim)),
            _full((1, h_dim)),
            _full((1, h_dim)),
            pl.BlockSpec((nblk, 1), lambda p, i: (i, 0)),
            _full((h_dim, W_lin1.shape[1])),
            _full((1, W_lin1.shape[1])),
            _full((W_lin1.shape[1], 1)),
            _full((1, 1)),
        ],
        out_specs=_full((G, 1)),
        out_shape=jax.ShapeDtypeStruct((G, 1), f32),
        scratch_shapes=[
            pltpu.VMEM((1, h_dim), f32),
            pltpu.VMEM((G, h_dim), f32),
            pltpu.VMEM((G, 1), f32),
        ],
    )(z1, s1, g_1_2, be_1_2, batch_f,
      W_lin1, bl1_2, W_lin2, bl2_2)
    return out

# --- scband reference (transcript-rebuilt; emitter-appended) ---
"""Pipeline reference for scband-gnn-56401510531191 (READ-ONLY COPY).

The authoritative reference and input builder live on the scoring server;
editing this copy changes nothing except your own understanding.
"""

import jax, jax.numpy as jnp
import numpy as np

N = 10000
E = 320000
DF = 128
DE = 16
H = 64
G = 64


def setup_inputs(seed: int = 0) -> dict:
    key = jax.random.key(seed)
    ks = jax.random.split(key, 16)

    def w(k, shape, fan):
        return jax.random.normal(k, shape, dtype=jnp.float32) / np.sqrt(fan)

    inp = {}
    inp["x"] = jax.random.normal(ks[0], (N, DF), dtype=jnp.float32)
    inp["edge_index"] = jax.random.randint(ks[1], (2, E), 0, N, dtype=jnp.int64)
    inp["edge_attr"] = jax.random.normal(ks[2], (E, DE), dtype=jnp.float32)
    inp["batch"] = jnp.sort(jax.random.randint(ks[3], (N,), 0, G, dtype=jnp.int64))
    # node_emb / edge_emb
    inp["W_node"] = w(ks[4], (DF, H), DF); inp["b_node"] = jnp.zeros((H,), jnp.float32)
    inp["W_edge"] = w(ks[5], (DE, H), DE); inp["b_edge"] = jnp.zeros((H,), jnp.float32)
    # GINE layer 0 MLP: Lin(H, 2H) -> ReLU -> Lin(2H, H); BatchNorm params
    inp["W1_0"] = w(ks[6], (H, 2 * H), H); inp["b1_0"] = jnp.zeros((2 * H,), jnp.float32)
    inp["W2_0"] = w(ks[7], (2 * H, H), 2 * H); inp["b2_0"] = jnp.zeros((H,), jnp.float32)
    inp["g_0"] = jnp.ones((H,), jnp.float32); inp["be_0"] = jnp.zeros((H,), jnp.float32)
    # GINE layer 1
    inp["W1_1"] = w(ks[8], (H, 2 * H), H); inp["b1_1"] = jnp.zeros((2 * H,), jnp.float32)
    inp["W2_1"] = w(ks[9], (2 * H, H), 2 * H); inp["b2_1"] = jnp.zeros((H,), jnp.float32)
    inp["g_1"] = jnp.ones((H,), jnp.float32); inp["be_1"] = jnp.zeros((H,), jnp.float32)
    # prediction head
    inp["W_lin1"] = w(ks[10], (H, H // 2), H); inp["b_lin1"] = jnp.zeros((H // 2,), jnp.float32)
    inp["W_lin2"] = w(ks[11], (H // 2, 1), H // 2); inp["b_lin2"] = jnp.zeros((1,), jnp.float32)
    return inp


def reference(x, edge_index, edge_attr, batch,
              W_node, b_node, W_edge, b_edge,
              W1_0, b1_0, W2_0, b2_0, g_0, be_0,
              W1_1, b1_1, W2_1, b2_1, g_1, be_1,
              W_lin1, b_lin1, W_lin2, b_lin2):
    # node_emb / edge_emb
    h = x @ W_node + b_node
    e = edge_attr @ W_edge + b_edge
    src = edge_index[0]
    dst = edge_index[1]
    layers = [(W1_0, b1_0, W2_0, b2_0, g_0, be_0), (W1_1, b1_1, W2_1, b2_1, g_1, be_1)]
    for (W1, b1, W2, b2, g, be) in layers:
        # GINEConv: out = nn((1+eps)*x_i + sum_j ReLU(x_j + e_ij)), eps=0
        m = jax.nn.relu(h[src] + e)
        agg = jax.ops.segment_sum(m, dst, num_segments=N)
        h = h + agg
        h = jax.nn.relu(h @ W1 + b1) @ W2 + b2
        # BatchNorm (training-mode batch statistics)
        mu = jnp.mean(h, axis=0)
        var = jnp.var(h, axis=0)
        h = (h - mu) / jnp.sqrt(var + 1e-5) * g + be
        h = jax.nn.relu(h)
    # global_mean_pool
    sums = jax.ops.segment_sum(h, batch, num_segments=G)
    counts = jax.ops.segment_sum(jnp.ones((N, 1), jnp.float32), batch, num_segments=G)
    gx = sums / jnp.clip(counts, 1.0)
    # get_pred: lin1 -> relu -> lin2
    out = jax.nn.relu(gx @ W_lin1 + b_lin1) @ W_lin2 + b_lin2
    return out

if __name__ == "__main__":
    import jax
    _d = setup_inputs()
    print(jax.jit(kernel)(*tuple(_d.values())))

</pallas_src>

<mosaic_0001>
#map = affine_map<(d0, d1) -> (0, 0)>
#map1 = affine_map<(d0, d1) -> (0, 0, 0)>
module attributes {stable_mosaic.version = 14 : i64} {
  func.func @sc_agg(%arg0: i32, %arg1: i32, %arg2: memref<10000x64xf32, #tpu.memory_space<hbm>>, %arg3: memref<4x40960x128xf32, #tpu.memory_space<hbm>>, %arg4: memref<32x80x128xi32, #tpu.memory_space<hbm>>, %arg5: memref<32x80x128xi32, #tpu.memory_space<hbm>>, %arg6: memref<2x10240x64xf32, #tpu.memory_space<hbm>>, %arg7: memref<80x128xi32, #tpu.memory_space<vmem>>, %arg8: memref<80x128xi32, #tpu.memory_space<vmem>>, %arg9: memref<128x64xf32, #tpu.memory_space<vmem>>, %arg10: memref<4x16x128xf32, #tpu.memory_space<vmem>>, %arg11: memref<10240x64xf32, #tpu.memory_space<vmem_shared>>, %arg12: memref<!tpu.dma_semaphore, #tpu.memory_space<semaphore_mem>>, %arg13: memref<!tpu.dma_semaphore, #tpu.memory_space<semaphore_mem>>) attributes {dimension_semantics = [#tpu.dimension_semantics<core_parallel>, #tpu.dimension_semantics<subcore_parallel>], iteration_bounds = array<i64: 2, 16>, scalar_prefetch = 0 : i64, scratch_operands = 7 : i64, tpu.core_type = #tpu.core_type<sc_vector_subcore>, window_params = [{transform_indices = #map}, {transform_indices = #map1}, {transform_indices = #map1}, {transform_indices = #map1}, {transform_indices = #map1}]} {
    %mul3A = arith.constant 16 : i32
    %mul3A_0 = arith.muli %arg0, %mul3A : i32
    %add3A = arith.addi %mul3A_0, %arg1 : i32
    "tpu.region"() ({
      %run_scoped3A = tpu.sem_alloc : memref<!tpu.dma_semaphore, #tpu.memory_space<semaphore_mem>>
      %dma_start3A = arith.constant 0 : i32
      %dma_start3A_23 = arith.constant 0 : i32
      %dma_start3A_24 = tpu.memref_slice %arg4[%add3A, %dma_start3A, %dma_start3A_23] : memref<32x80x128xi32, #tpu.memory_space<hbm>> -> memref<1x80x128xi32, #tpu.memory_space<hbm>>
      %dma_start3A_25 = tpu.memref_squeeze %dma_start3A_24 : memref<1x80x128xi32, #tpu.memory_space<hbm>> -> memref<80x128xi32, #tpu.memory_space<hbm>>
      %dma_start3A_26 = arith.constant 0 : i32
      %dma_start3A_27 = arith.constant 0 : i32
      %dma_start3A_28 = tpu.memref_slice %arg4[%add3A, %dma_start3A_26, %dma_start3A_27] : memref<32x80x128xi32, #tpu.memory_space<hbm>> -> memref<1x80x128xi32, #tpu.memory_space<hbm>>
      %dma_start3A_29 = tpu.memref_squeeze %dma_start3A_28 : memref<1x80x128xi32, #tpu.memory_space<hbm>> -> memref<80x128xi32, #tpu.memory_space<hbm>>
      tpu.enqueue_dma source(%dma_start3A_29 : memref<80x128xi32, #tpu.memory_space<hbm>>) target(%arg7 : memref<80x128xi32, #tpu.memory_space<vmem>>) target_semaphore(%run_scoped3A : memref<!tpu.dma_semaphore, #tpu.memory_space<semaphore_mem>>)
      %dma_wait3A = arith.constant 0 : i32
      %dma_wait3A_30 = arith.constant 0 : i32
      %dma_wait3A_31 = tpu.memref_slice %arg4[%add3A, %dma_wait3A, %dma_wait3A_30] : memref<32x80x128xi32, #tpu.memory_space<hbm>> -> memref<1x80x128xi32, #tpu.memory_space<hbm>>
      %dma_wait3A_32 = tpu.memref_squeeze %dma_wait3A_31 : memref<1x80x128xi32, #tpu.memory_space<hbm>> -> memref<80x128xi32, #tpu.memory_space<hbm>>
      %dma_wait3A_33 = arith.constant 0 : i32
      %dma_wait3A_34 = arith.constant 0 : i32
      %dma_wait3A_35 = tpu.memref_slice %arg4[%add3A, %dma_wait3A_33, %dma_wait3A_34] : memref<32x80x128xi32, #tpu.memory_space<hbm>> -> memref<1x80x128xi32, #tpu.memory_space<hbm>>
      %dma_wait3A_36 = tpu.memref_squeeze %dma_wait3A_35 : memref<1x80x128xi32, #tpu.memory_space<hbm>> -> memref<80x128xi32, #tpu.memory_space<hbm>>
      tpu.wait_dma2 semaphore(%run_scoped3A : memref<!tpu.dma_semaphore, #tpu.memory_space<semaphore_mem>>) src(%dma_wait3A_36 : memref<80x128xi32, #tpu.memory_space<hbm>>) dst(%arg7 : memref<80x128xi32, #tpu.memory_space<vmem>>)
      tpu.yield
    }) : () -> ()
    "tpu.region"() ({
      %run_scoped3A = tpu.sem_alloc : memref<!tpu.dma_semaphore, #tpu.memory_space<semaphore_mem>>
      %dma_start3A = arith.constant 0 : i32
      %dma_start3A_23 = arith.constant 0 : i32
      %dma_start3A_24 = tpu.memref_slice %arg5[%add3A, %dma_start3A, %dma_start3A_23] : memref<32x80x128xi32, #tpu.memory_space<hbm>> -> memref<1x80x128xi32, #tpu.memory_space<hbm>>
      %dma_start3A_25 = tpu.memref_squeeze %dma_start3A_24 : memref<1x80x128xi32, #tpu.memory_space<hbm>> -> memref<80x128xi32, #tpu.memory_space<hbm>>
      %dma_start3A_26 = arith.constant 0 : i32
      %dma_start3A_27 = arith.constant 0 : i32
      %dma_start3A_28 = tpu.memref_slice %arg5[%add3A, %dma_start3A_26, %dma_start3A_27] : memref<32x80x128xi32, #tpu.memory_space<hbm>> -> memref<1x80x128xi32, #tpu.memory_space<hbm>>
      %dma_start3A_29 = tpu.memref_squeeze %dma_start3A_28 : memref<1x80x128xi32, #tpu.memory_space<hbm>> -> memref<80x128xi32, #tpu.memory_space<hbm>>
      tpu.enqueue_dma source(%dma_start3A_29 : memref<80x128xi32, #tpu.memory_space<hbm>>) target(%arg8 : memref<80x128xi32, #tpu.memory_space<vmem>>) target_semaphore(%run_scoped3A : memref<!tpu.dma_semaphore, #tpu.memory_space<semaphore_mem>>)
      %dma_wait3A = arith.constant 0 : i32
      %dma_wait3A_30 = arith.constant 0 : i32
      %dma_wait3A_31 = tpu.memref_slice %arg5[%add3A, %dma_wait3A, %dma_wait3A_30] : memref<32x80x128xi32, #tpu.memory_space<hbm>> -> memref<1x80x128xi32, #tpu.memory_space<hbm>>
      %dma_wait3A_32 = tpu.memref_squeeze %dma_wait3A_31 : memref<1x80x128xi32, #tpu.memory_space<hbm>> -> memref<80x128xi32, #tpu.memory_space<hbm>>
      %dma_wait3A_33 = arith.constant 0 : i32
      %dma_wait3A_34 = arith.constant 0 : i32
      %dma_wait3A_35 = tpu.memref_slice %arg5[%add3A, %dma_wait3A_33, %dma_wait3A_34] : memref<32x80x128xi32, #tpu.memory_space<hbm>> -> memref<1x80x128xi32, #tpu.memory_space<hbm>>
      %dma_wait3A_36 = tpu.memref_squeeze %dma_wait3A_35 : memref<1x80x128xi32, #tpu.memory_space<hbm>> -> memref<80x128xi32, #tpu.memory_space<hbm>>
      tpu.wait_dma2 semaphore(%run_scoped3A : memref<!tpu.dma_semaphore, #tpu.memory_space<semaphore_mem>>) src(%dma_wait3A_36 : memref<80x128xi32, #tpu.memory_space<hbm>>) dst(%arg8 : memref<80x128xi32, #tpu.memory_space<vmem>>)
      tpu.yield
    }) : () -> ()
    %scan3A = arith.constant 0 : i32
    %scan3A_1 = arith.constant 0 : i32
    %scan3A_2 = arith.constant 128 : i32
    %scan3A_3 = arith.addi %scan3A_1, %scan3A_2 : i32
    %scan3A_4 = arith.constant 1 : i32
    scf.for %scan3A_23 = %scan3A_1 to %scan3A_3 step %scan3A_4  : i32 {
      %broadcast_in_dim3A = arith.constant 0.000000e+00 : f32
      %broadcast_in_dim3A_24 = vector.broadcast %broadcast_in_dim3A : f32 to vector<16xf32>
      %swap3A = arith.index_cast %scan3A_23 : i32 to index
      %swap3A_25 = arith.constant 0 : index
      %swap3A_26 = tpu.vector_load %arg9[%swap3A, %swap3A_25] {strides = array<i32>} : memref<128x64xf32, #tpu.memory_space<vmem>>, vector<1x16xf32>,
      %swap3A_27 = vector.shape_cast %swap3A_26 : vector<1x16xf32> to vector<16xf32>
      %swap3A_28 = vector.shape_cast %broadcast_in_dim3A_24 : vector<16xf32> to vector<1x16xf32>
      tpu.vector_store %arg9[%swap3A, %swap3A_25], %swap3A_28 {strides = array<i32>} : memref<128x64xf32, #tpu.memory_space<vmem>>, vector<1x16xf32>,
      %broadcast_in_dim3A_29 = arith.constant 0.000000e+00 : f32
      %broadcast_in_dim3A_30 = vector.broadcast %broadcast_in_dim3A_29 : f32 to vector<16xf32>
      %swap3A_31 = arith.index_cast %scan3A_23 : i32 to index
      %swap3A_32 = arith.constant 16 : index
      %swap3A_33 = tpu.vector_load %arg9[%swap3A_31, %swap3A_32] {strides = array<i32>} : memref<128x64xf32, #tpu.memory_space<vmem>>, vector<1x16xf32>,
      %swap3A_34 = vector.shape_cast %swap3A_33 : vector<1x16xf32> to vector<16xf32>
      %swap3A_35 = vector.shape_cast %broadcast_in_dim3A_30 : vector<16xf32> to vector<1x16xf32>
      tpu.vector_store %arg9[%swap3A_31, %swap3A_32], %swap3A_35 {strides = array<i32>} : memref<128x64xf32, #tpu.memory_space<vmem>>, vector<1x16xf32>,
      %broadcast_in_dim3A_36 = arith.constant 0.000000e+00 : f32
      %broadcast_in_dim3A_37 = vector.broadcast %broadcast_in_dim3A_36 : f32 to vector<16xf32>
      %swap3A_38 = arith.index_cast %scan3A_23 : i32 to index
      %swap3A_39 = arith.constant 32 : index
      %swap3A_40 = tpu.vector_load %arg9[%swap3A_38, %swap3A_39] {strides = array<i32>} : memref<128x64xf32, #tpu.memory_space<vmem>>, vector<1x16xf32>,
      %swap3A_41 = vector.shape_cast %swap3A_40 : vector<1x16xf32> to vector<16xf32>
      %swap3A_42 = vector.shape_cast %broadcast_in_dim3A_37 : vector<16xf32> to vector<1x16xf32>
      tpu.vector_store %arg9[%swap3A_38, %swap3A_39], %swap3A_42 {strides = array<i32>} : memref<128x64xf32, #tpu.memory_space<vmem>>, vector<1x16xf32>,
      %broadcast_in_dim3A_43 = arith.constant 0.000000e+00 : f32
      %broadcast_in_dim3A_44 = vector.broadcast %broadcast_in_dim3A_43 : f32 to vector<16xf32>
      %swap3A_45 = arith.index_cast %scan3A_23 : i32 to index
      %swap3A_46 = arith.constant 48 : index
      %swap3A_47 = tpu.vector_load %arg9[%swap3A_45, %swap3A_46] {strides = array<i32>} : memref<128x64xf32, #tpu.memory_space<vmem>>, vector<1x16xf32>,
      %swap3A_48 = vector.shape_cast %swap3A_47 : vector<1x16xf32> to vector<16xf32>
      %swap3A_49 = vector.shape_cast %broadcast_in_dim3A_44 : vector<16xf32> to vector<1x16xf32>
      tpu.vector_store %arg9[%swap3A_45, %swap3A_46], %swap3A_49 {strides = array<i32>} : memref<128x64xf32, #tpu.memory_space<vmem>>, vector<1x16xf32>,
    }
    %scan3A_5 = arith.constant 128 : i32
    %scan3A_6 = arith.constant 0 : i32
    %scan3A_7 = arith.constant 0 : i32
    %scan3A_8 = arith.constant 5 : i32
    %scan3A_9 = arith.addi %scan3A_7, %scan3A_8 : i32
    %scan3A_10 = arith.constant 1 : i32
    scf.for %scan3A_23 = %scan3A_7 to %scan3A_9 step %scan3A_10  : i32 {
      %mul3A_24 = arith.constant 640 : i32
      %mul3A_25 = arith.muli %arg1, %mul3A_24 : i32
      %mul3A_26 = arith.constant 128 : i32
      %mul3A_27 = arith.muli %scan3A_23, %mul3A_26 : i32
      %add3A_28 = arith.addi %mul3A_25, %mul3A_27 : i32
      "tpu.region"() ({
        %run_scoped3A = tpu.sem_alloc : memref<!tpu.dma_semaphore, #tpu.memory_space<semaphore_mem>>
        %dma_start3A = arith.constant 0 : i32
        %dma_start3A_29 = tpu.memref_slice %arg11[%add3A_28, %dma_start3A] : memref<10240x64xf32, #tpu.memory_space<vmem_shared>> -> memref<128x64xf32, #tpu.memory_space<vmem_shared>>
        %dma_start3A_30 = arith.constant 0 : i32
        %dma_start3A_31 = tpu.memref_slice %arg11[%add3A_28, %dma_start3A_30] : memref<10240x64xf32, #tpu.memory_space<vmem_shared>> -> memref<128x64xf32, #tpu.memory_space<vmem_shared>>
        tpu.enqueue_dma source(%arg9 : memref<128x64xf32, #tpu.memory_space<vmem>>) target(%dma_start3A_31 : memref<128x64xf32, #tpu.memory_space<vmem_shared>>) target_semaphore(%run_scoped3A : memref<!tpu.dma_semaphore, #tpu.memory_space<semaphore_mem>>)
        %dma_wait3A = arith.constant 0 : i32
        %dma_wait3A_32 = tpu.memref_slice %arg11[%add3A_28, %dma_wait3A] : memref<10240x64xf32, #tpu.memory_space<vmem_shared>> -> memref<128x64xf32, #tpu.memory_space<vmem_shared>>
        %dma_wait3A_33 = arith.constant 0 : i32
        %dma_wait3A_34 = tpu.memref_slice %arg11[%add3A_28, %dma_wait3A_33] : memref<10240x64xf32, #tpu.memory_space<vmem_shared>> -> memref<128x64xf32, #tpu.memory_space<vmem_shared>>
        tpu.wait_dma2 semaphore(%run_scoped3A : memref<!tpu.dma_semaphore, #tpu.memory_space<semaphore_mem>>) src(%arg9 : memref<128x64xf32, #tpu.memory_space<vmem>>) dst(%dma_wait3A_34 : memref<128x64xf32, #tpu.memory_space<vmem_shared>>)
        tpu.yield
      }) : () -> ()
    }
    %scan3A_11 = arith.constant 5 : i32
    %barrier3A = arith.constant 0 : index
    tpu.barrier barrier_id(%barrier3A)
    %scan3A_12 = arith.constant 0 : i32
    %scan3A_13 = arith.constant 0 : i32
    %scan3A_14 = arith.constant 80 : i32
    %scan3A_15 = arith.addi %scan3A_13, %scan3A_14 : i32
    %scan3A_16 = arith.constant 1 : i32
    scf.for %scan3A_23 = %scan3A_13 to %scan3A_15 step %scan3A_16  : i32 {
      %dma_start3A = arith.constant 0 : i32
      %dma_start3A_24 = tpu.memref_slice %arg7[%scan3A_23, %dma_start3A] : memref<80x128xi32, #tpu.memory_space<vmem>> -> memref<1x128xi32, #tpu.memory_space<vmem>>
      %dma_start3A_25 = tpu.memref_squeeze %dma_start3A_24 : memref<1x128xi32, #tpu.memory_space<vmem>> -> memref<128xi32, #tpu.memory_space<vmem>>
      %dma_start3A_26 = arith.constant 0 : i32
      %dma_start3A_27 = arith.constant 0 : i32
      %dma_start3A_28 = tpu.memref_slice %arg2[%dma_start3A_26, %dma_start3A_27] : memref<10000x64xf32, #tpu.memory_space<hbm>> -> memref<10000x64xf32, #tpu.memory_space<hbm>>
      tpu.enqueue_indirect_dma source(%dma_start3A_28 : memref<10000x64xf32, #tpu.memory_space<hbm>>) target(%arg9 : memref<128x64xf32, #tpu.memory_space<vmem>>) offsets(%dma_start3A_25 : memref<128xi32, #tpu.memory_space<vmem>>) semaphore(%arg12 : memref<!tpu.dma_semaphore, #tpu.memory_space<semaphore_mem>>)
      %mul3A_29 = arith.constant 80 : i32
      %mul3A_30 = arith.muli %add3A, %mul3A_29 : i32
      %add3A_31 = arith.addi %mul3A_30, %scan3A_23 : i32
      %mul3A_32 = arith.constant 16 : i32
      %mul3A_33 = arith.muli %add3A_31, %mul3A_32 : i32
      %dma_start3A_34 = arith.constant 0 : i32
      %dma_start3A_35 = arith.constant 0 : i32
      %dma_start3A_36 = tpu.memref_slice %arg3[%dma_start3A_34, %mul3A_33, %dma_start3A_35] : memref<4x40960x128xf32, #tpu.memory_space<hbm>> -> memref<4x16x128xf32, #tpu.memory_space<hbm>>
      %dma_start3A_37 = arith.constant 0 : i32
      %dma_start3A_38 = arith.constant 0 : i32
      %dma_start3A_39 = tpu.memref_slice %arg3[%dma_start3A_37, %mul3A_33, %dma_start3A_38] : memref<4x40960x128xf32, #tpu.memory_space<hbm>> -> memref<4x16x128xf32, #tpu.memory_space<hbm>>
      tpu.enqueue_dma source(%dma_start3A_39 : memref<4x16x128xf32, #tpu.memory_space<hbm>>) target(%arg10 : memref<4x16x128xf32, #tpu.memory_space<vmem>>) target_semaphore(%arg13 : memref<!tpu.dma_semaphore, #tpu.memory_space<semaphore_mem>>)
      %dma_wait3A = arith.constant 0 : i32
      %dma_wait3A_40 = tpu.memref_slice %arg7[%scan3A_23, %dma_wait3A] : memref<80x128xi32, #tpu.memory_space<vmem>> -> memref<1x128xi32, #tpu.memory_space<vmem>>
      %dma_wait3A_41 = tpu.memref_squeeze %dma_wait3A_40 : memref<1x128xi32, #tpu.memory_space<vmem>> -> memref<128xi32, #tpu.memory_space<vmem>>
      %dma_wait3A_42 = arith.constant 0 : i32
      %dma_wait3A_43 = arith.constant 0 : i32
      %dma_wait3A_44 = tpu.memref_slice %arg2[%dma_wait3A_42, %dma_wait3A_43] : memref<10000x64xf32, #tpu.memory_space<hbm>> -> memref<10000x64xf32, #tpu.memory_space<hbm>>
      tpu.wait_indirect_dma semaphore(%arg12 : memref<!tpu.dma_semaphore, #tpu.memory_space<semaphore_mem>>) src(%dma_wait3A_44 : memref<10000x64xf32, #tpu.memory_space<hbm>>) dst(%arg9 : memref<128x64xf32, #tpu.memory_space<vmem>>)
      %dma_wait3A_45 = arith.constant 0 : i32
      %dma_wait3A_46 = arith.constant 0 : i32
      %dma_wait3A_47 = tpu.memref_slice %arg3[%dma_wait3A_45, %mul3A_33, %dma_wait3A_46] : memref<4x40960x128xf32, #tpu.memory_space<hbm>> -> memref<4x16x128xf32, #tpu.memory_space<hbm>>
      %dma_wait3A_48 = arith.constant 0 : i32
      %dma_wait3A_49 = arith.constant 0 : i32
      %dma_wait3A_50 = tpu.memref_slice %arg3[%dma_wait3A_48, %mul3A_33, %dma_wait3A_49] : memref<4x40960x128xf32, #tpu.memory_space<hbm>> -> memref<4x16x128xf32, #tpu.memory_space<hbm>>
      tpu.wait_dma2 semaphore(%arg13 : memref<!tpu.dma_semaphore, #tpu.memory_space<semaphore_mem>>) src(%dma_wait3A_50 : memref<4x16x128xf32, #tpu.memory_space<hbm>>) dst(%arg10 : memref<4x16x128xf32, #tpu.memory_space<vmem>>)
      %scan3A_51 = arith.constant 0 : i32
      %scan3A_52 = arith.constant 0 : i32
      %scan3A_53 = arith.constant 16 : i32
      %scan3A_54 = arith.addi %scan3A_52, %scan3A_53 : i32
      %scan3A_55 = arith.constant 1 : i32
      scf.for %scan3A_57 = %scan3A_52 to %scan3A_54 step %scan3A_55  : i32 {
        %mul3A_58 = arith.constant 8 : i32
        %mul3A_59 = arith.muli %mul3A_58, %scan3A_57 : i32
        %add3A_60 = arith.constant 0 : i32
        %add3A_61 = arith.addi %mul3A_59, %add3A_60 : i32
        %get3A = arith.index_cast %add3A_61 : i32 to index
        %get3A_62 = arith.constant 0 : index
        %get3A_63 = tpu.vector_load %arg9[%get3A, %get3A_62] {strides = array<i32>} : memref<128x64xf32, #tpu.memory_space<vmem>>, vector<1x16xf32>,
        %get3A_64 = vector.shape_cast %get3A_63 : vector<1x16xf32> to vector<16xf32>
        %get3A_65 = arith.constant 0 : i32
        %get3A_66 = arith.index_cast %get3A_65 : i32 to index
        %get3A_67 = arith.index_cast %scan3A_57 : i32 to index
        %get3A_68 = arith.constant 0 : index
        %get3A_69 = tpu.vector_load %arg10[%get3A_66, %get3A_67, %get3A_68] {strides = array<i32>} : memref<4x16x128xf32, #tpu.memory_space<vmem>>, vector<1x1x16xf32>,
        %get3A_70 = vector.shape_cast %get3A_69 : vector<1x1x16xf32> to vector<16xf32>
        %add3A_71 = arith.addf %get3A_64, %get3A_70 : vector<16xf32>
        %max3A = arith.constant 0.000000e+00 : f32
        %max3A_72 = vector.broadcast %max3A : f32 to vector<16xf32>
        %max3A_73 = arith.maximumf %add3A_71, %max3A_72 : vector<16xf32>
        %swap3A = arith.index_cast %add3A_61 : i32 to index
        %swap3A_74 = arith.constant 0 : index
        %swap3A_75 = tpu.vector_load %arg9[%swap3A, %swap3A_74] {strides = array<i32>} : memref<128x64xf32, #tpu.memory_space<vmem>>, vector<1x16xf32>,
        %swap3A_76 = vector.shape_cast %swap3A_75 : vector<1x16xf32> to vector<16xf32>
        %swap3A_77 = vector.shape_cast %max3A_73 : vector<16xf32> to vector<1x16xf32>
        tpu.vector_store %arg9[%swap3A, %swap3A_74], %swap3A_77 {strides = array<i32>} : memref<128x64xf32, #tpu.memory_space<vmem>>, vector<1x16xf32>,
        %get3A_78 = arith.index_cast %add3A_61 : i32 to index
        %get3A_79 = arith.constant 16 : index
        %get3A_80 = tpu.vector_load %arg9[%get3A_78, %get3A_79] {strides = array<i32>} : memref<128x64xf32, #tpu.memory_space<vmem>>, vector<1x16xf32>,
        %get3A_81 = vector.shape_cast %get3A_80 : vector<1x16xf32> to vector<16xf32>
        %get3A_82 = arith.constant 0 : i32
        %get3A_83 = arith.index_cast %get3A_82 : i32 to index
        %get3A_84 = arith.index_cast %scan3A_57 : i32 to index
        %get3A_85 = arith.constant 16 : index
        %get3A_86 = tpu.vector_load %arg10[%get3A_83, %get3A_84, %get3A_85] {strides = array<i32>} : memref<4x16x128xf32, #tpu.memory_space<vmem>>, vector<1x1x16xf32>,
        %get3A_87 = vector.shape_cast %get3A_86 : vector<1x1x16xf32> to vector<16xf32>
        %add3A_88 = arith.addf %get3A_81, %get3A_87 : vector<16xf32>
        %max3A_89 = arith.constant 0.000000e+00 : f32
        %max3A_90 = vector.broadcast %max3A_89 : f32 to vector<16xf32>
        %max3A_91 = arith.maximumf %add3A_88, %max3A_90 : vector<16xf32>
        %swap3A_92 = arith.index_cast %add3A_61 : i32 to index
        %swap3A_93 = arith.constant 16 : index
        %swap3A_94 = tpu.vector_load %arg9[%swap3A_92, %swap3A_93] {strides = array<i32>} : memref<128x64xf32, #tpu.memory_space<vmem>>, vector<1x16xf32>,
        %swap3A_95 = vector.shape_cast %swap3A_94 : vector<1x16xf32> to vector<16xf32>
        %swap3A_96 = vector.shape_cast %max3A_91 : vector<16xf32> to vector<1x16xf32>
        tpu.vector_store %arg9[%swap3A_92, %swap3A_93], %swap3A_96 {strides = array<i32>} : memref<128x64xf32, #tpu.memory_space<vmem>>, vector<1x16xf32>,
        %get3A_97 = arith.index_cast %add3A_61 : i32 to index
        %get3A_98 = arith.constant 32 : index
        %get3A_99 = tpu.vector_load %arg9[%get3A_97, %get3A_98] {strides = array<i32>} : memref<128x64xf32, #tpu.memory_space<vmem>>, vector<1x16xf32>,
        %get3A_100 = vector.shape_cast %get3A_99 : vector<1x16xf32> to vector<16xf32>
        %get3A_101 = arith.constant 0 : i32
        %get3A_102 = arith.index_cast %get3A_101 : i32 to index
        %get3A_103 = arith.index_cast %scan3A_57 : i32 to index
        %get3A_104 = arith.constant 32 : index
        %get3A_105 = tpu.vector_load %arg10[%get3A_102, %get3A_103, %get3A_104] {strides = array<i32>} : memref<4x16x128xf32, #tpu.memory_space<vmem>>, vector<1x1x16xf32>,
        %get3A_106 = vector.shape_cast %get3A_105 : vector<1x1x16xf32> to vector<16xf32>
        %add3A_107 = arith.addf %get3A_100, %get3A_106 : vector<16xf32>
        %max3A_108 = arith.constant 0.000000e+00 : f32
        %max3A_109 = vector.broadcast %max3A_108 : f32 to vector<16xf32>
        %max3A_110 = arith.maximumf %add3A_107, %max3A_109 : vector<16xf32>
        %swap3A_111 = arith.index_cast %add3A_61 : i32 to index
        %swap3A_112 = arith.constant 32 : index
        %swap3A_113 = tpu.vector_load %arg9[%swap3A_111, %swap3A_112] {strides = array<i32>} : memref<128x64xf32, #tpu.memory_space<vmem>>, vector<1x16xf32>,
        %swap3A_114 = vector.shape_cast %swap3A_113 : vector<1x16xf32> to vector<16xf32>
        %swap3A_115 = vector.shape_cast %max3A_110 : vector<16xf32> to vector<1x16xf32>
        tpu.vector_store %arg9[%swap3A_111, %swap3A_112], %swap3A_115 {strides = array<i32>} : memref<128x64xf32, #tpu.memory_space<vmem>>, vector<1x16xf32>,
        %get3A_116 = arith.index_cast %add3A_61 : i32 to index
        %get3A_117 = arith.constant 48 : index
        %get3A_118 = tpu.vector_load %arg9[%get3A_116, %get3A_117] {strides = array<i32>} : memref<128x64xf32, #tpu.memory_space<vmem>>, vector<1x16xf32>,
        %get3A_119 = vector.shape_cast %get3A_118 : vector<1x16xf32> to vector<16xf32>
        %get3A_120 = arith.constant 0 : i32
        %get3A_121 = arith.index_cast %get3A_120 : i32 to index
        %get3A_122 = arith.index_cast %scan3A_57 : i32 to index
        %get3A_123 = arith.constant 48 : index
        %get3A_124 = tpu.vector_load %arg10[%get3A_121, %get3A_122, %get3A_123] {strides = array<i32>} : memref<4x16x128xf32, #tpu.memory_space<vmem>>, vector<1x1x16xf32>,
        %get3A_125 = vector.shape_cast %get3A_124 : vector<1x1x16xf32> to vector<16xf32>
        %add3A_126 = arith.addf %get3A_119, %get3A_125 : vector<16xf32>
        %max3A_127 = arith.constant 0.000000e+00 : f32
        %max3A_128 = vector.broadcast %max3A_127 : f32 to vector<16xf32>
        %max3A_129 = arith.maximumf %add3A_126, %max3A_128 : vector<16xf32>
        %swap3A_130 = arith.index_cast %add3A_61 : i32 to index
        %swap3A_131 = arith.constant 48 : index
        %swap3A_132 = tpu.vector_load %arg9[%swap3A_130, %swap3A_131] {strides = array<i32>} : memref<128x64xf32, #tpu.memory_space<vmem>>, vector<1x16xf32>,
        %swap3A_133 = vector.shape_cast %swap3A_132 : vector<1x16xf32> to vector<16xf32>
        %swap3A_134 = vector.shape_cast %max3A_129 : vector<16xf32> to vector<1x16xf32>
        tpu.vector_store %arg9[%swap3A_130, %swap3A_131], %swap3A_134 {strides = array<i32>} : memref<128x64xf32, #tpu.memory_space<vmem>>, vector<1x16xf32>,
        %mul3A_135 = arith.constant 8 : i32
        %mul3A_136 = arith.muli %mul3A_135, %scan3A_57 : i32
        %add3A_137 = arith.constant 1 : i32
        %add3A_138 = arith.addi %mul3A_136, %add3A_137 : i32
        %get3A_139 = arith.index_cast %add3A_138 : i32 to index
        %get3A_140 = arith.constant 0 : index
        %get3A_141 = tpu.vector_load %arg9[%get3A_139, %get3A_140] {strides = array<i32>} : memref<128x64xf32, #tpu.memory_space<vmem>>, vector<1x16xf32>,
        %get3A_142 = vector.shape_cast %get3A_141 : vector<1x16xf32> to vector<16xf32>
        %get3A_143 = arith.constant 0 : i32
        %get3A_144 = arith.index_cast %get3A_143 : i32 to index
        %get3A_145 = arith.index_cast %scan3A_57 : i32 to index
        %get3A_146 = arith.constant 64 : index
        %get3A_147 = tpu.vector_load %arg10[%get3A_144, %get3A_145, %get3A_146] {strides = array<i32>} : memref<4x16x128xf32, #tpu.memory_space<vmem>>, vector<1x1x16xf32>,
        %get3A_148 = vector.shape_cast %get3A_147 : vector<1x1x16xf32> to vector<16xf32>
        %add3A_149 = arith.addf %get3A_142, %get3A_148 : vector<16xf32>
        %max3A_150 = arith.constant 0.000000e+00 : f32
        %max3A_151 = vector.broadcast %max3A_150 : f32 to vector<16xf32>
        %max3A_152 = arith.maximumf %add3A_149, %max3A_151 : vector<16xf32>
        %swap3A_153 = arith.index_cast %add3A_138 : i32 to index
        %swap3A_154 = arith.constant 0 : index
        %swap3A_155 = tpu.vector_load %arg9[%swap3A_153, %swap3A_154] {strides = array<i32>} : memref<128x64xf32, #tpu.memory_space<vmem>>, vector<1x16xf32>,
        %swap3A_156 = vector.shape_cast %swap3A_155 : vector<1x16xf32> to vector<16xf32>
        %swap3A_157 = vector.shape_cast %max3A_152 : vector<16xf32> to vector<1x16xf32>
        tpu.vector_store %arg9[%swap3A_153, %swap3A_154], %swap3A_157 {strides = array<i32>} : memref<128x64xf32, #tpu.memory_space<vmem>>, vector<1x16xf32>,
        %get3A_158 = arith.index_cast %add3A_138 : i32 to index
        %get3A_159 = arith.constant 16 : index
        %get3A_160 = tpu.vector_load %arg9[%get3A_158, %get3A_159] {strides = array<i32>} : memref<128x64xf32, #tpu.memory_space<vmem>>, vector<1x16xf32>,
        %get3A_161 = vector.shape_cast %get3A_160 : vector<1x16xf32> to vector<16xf32>
        %get3A_162 = arith.constant 0 : i32
        %get3A_163 = arith.index_cast %get3A_162 : i32 to index
        %get3A_164 = arith.index_cast %scan3A_57 : i32 to index
        %get3A_165 = arith.constant 80 : index
        %get3A_166 = tpu.vector_load %arg10[%get3A_163, %get3A_164, %get3A_165] {strides = array<i32>} : memref<4x16x128xf32, #tpu.memory_space<vmem>>, vector<1x1x16xf32>,
        %get3A_167 = vector.shape_cast %get3A_166 : vector<1x1x16xf32> to vector<16xf32>
        %add3A_168 = arith.addf %get3A_161, %get3A_167 : vector<16xf32>
        %max3A_169 = arith.constant 0.000000e+00 : f32
        %max3A_170 = vector.broadcast %max3A_169 : f32 to vector<16xf32>
        %max3A_171 = arith.maximumf %add3A_168, %max3A_170 : vector<16xf32>
        %swap3A_172 = arith.index_cast %add3A_138 : i32 to index
        %swap3A_173 = arith.constant 16 : index
        %swap3A_174 = tpu.vector_load %arg9[%swap3A_172, %swap3A_173] {strides = array<i32>} : memref<128x64xf32, #tpu.memory_space<vmem>>, vector<1x16xf32>,
        %swap3A_175 = vector.shape_cast %swap3A_174 : vector<1x16xf32> to vector<16xf32>
        %swap3A_176 = vector.shape_cast %max3A_171 : vector<16xf32> to vector<1x16xf32>
        tpu.vector_store %arg9[%swap3A_172, %swap3A_173], %swap3A_176 {strides = array<i32>} : memref<128x64xf32, #tpu.memory_space<vmem>>, vector<1x16xf32>,
        %get3A_177 = arith.index_cast %add3A_138 : i32 to index
        %get3A_178 = arith.constant 32 : index
        %get3A_179 = tpu.vector_load %arg9[%get3A_177, %get3A_178] {strides = array<i32>} : memref<128x64xf32, #tpu.memory_space<vmem>>, vector<1x16xf32>,
        %get3A_180 = vector.shape_cast %get3A_179 : vector<1x16xf32> to vector<16xf32>
        %get3A_181 = arith.constant 0 : i32
        %get3A_182 = arith.index_cast %get3A_181 : i32 to index
        %get3A_183 = arith.index_cast %scan3A_57 : i32 to index
        %get3A_184 = arith.constant 96 : index
        %get3A_185 = tpu.vector_load %arg10[%get3A_182, %get3A_183, %get3A_184] {strides = array<i32>} : memref<4x16x128xf32, #tpu.memory_space<vmem>>, vector<1x1x16xf32>,
        %get3A_186 = vector.shape_cast %get3A_185 : vector<1x1x16xf32> to vector<16xf32>
        %add3A_187 = arith.addf %get3A_180, %get3A_186 : vector<16xf32>
        %max3A_188 = arith.constant 0.000000e+00 : f32
        %max3A_189 = vector.broadcast %max3A_188 : f32 to vector<16xf32>
        %max3A_190 = arith.maximumf %add3A_187, %max3A_189 : vector<16xf32>
        %swap3A_191 = arith.index_cast %add3A_138 : i32 to index
        %swap3A_192 = arith.constant 32 : index
        %swap3A_193 = tpu.vector_load %arg9[%swap3A_191, %swap3A_192] {strides = array<i32>} : memref<128x64xf32, #tpu.memory_space<vmem>>, vector<1x16xf32>,
        %swap3A_194 = vector.shape_cast %swap3A_193 : vector<1x16xf32> to vector<16xf32>
        %swap3A_195 = vector.shape_cast %max3A_190 : vector<16xf32> to vector<1x16xf32>
        tpu.vector_store %arg9[%swap3A_191, %swap3A_192], %swap3A_195 {strides = array<i32>} : memref<128x64xf32, #tpu.memory_space<vmem>>, vector<1x16xf32>,
        %get3A_196 = arith.index_cast %add3A_138 : i32 to index
        %get3A_197 = arith.constant 48 : index
        %get3A_198 = tpu.vector_load %arg9[%get3A_196, %get3A_197] {strides = array<i32>} : memref<128x64xf32, #tpu.memory_space<vmem>>, vector<1x16xf32>,
        %get3A_199 = vector.shape_cast %get3A_198 : vector<1x16xf32> to vector<16xf32>
        %get3A_200 = arith.constant 0 : i32
        %get3A_201 = arith.index_cast %get3A_200 : i32 to index
        %get3A_202 = arith.index_cast %scan3A_57 : i32 to index
        %get3A_203 = arith.constant 112 : index
        %get3A_204 = tpu.vector_load %arg10[%get3A_201, %get3A_202, %get3A_203] {strides = array<i32>} : memref<4x16x128xf32, #tpu.memory_space<vmem>>, vector<1x1x16xf32>,
        %get3A_205 = vector.shape_cast %get3A_204 : vector<1x1x16xf32> to vector<16xf32>
        %add3A_206 = arith.addf %get3A_199, %get3A_205 : vector<16xf32>
        %max3A_207 = arith.constant 0.000000e+00 : f32
        %max3A_208 = vector.broadcast %max3A_207 : f32 to vector<16xf32>
        %max3A_209 = arith.maximumf %add3A_206, %max3A_208 : vector<16xf32>
        %swap3A_210 = arith.index_cast %add3A_138 : i32 to index
        %swap3A_211 = arith.constant 48 : index
        %swap3A_212 = tpu.vector_load %arg9[%swap3A_210, %swap3A_211] {strides = array<i32>} : memref<128x64xf32, #tpu.memory_space<vmem>>, vector<1x16xf32>,
        %swap3A_213 = vector.shape_cast %swap3A_212 : vector<1x16xf32> to vector<16xf32>
        %swap3A_214 = vector.shape_cast %max3A_209 : vector<16xf32> to vector<1x16xf32>
        tpu.vector_store %arg9[%swap3A_210, %swap3A_211], %swap3A_214 {strides = array<i32>} : memref<128x64xf32, #tpu.memory_space<vmem>>, vector<1x16xf32>,
        %mul3A_215 = arith.constant 8 : i32
        %mul3A_216 = arith.muli %mul3A_215, %scan3A_57 : i32
        %add3A_217 = arith.constant 2 : i32
        %add3A_218 = arith.addi %mul3A_216, %add3A_217 : i32
        %get3A_219 = arith.index_cast %add3A_218 : i32 to index
        %get3A_220 = arith.constant 0 : index
        %get3A_221 = tpu.vector_load %arg9[%get3A_219, %get3A_220] {strides = array<i32>} : memref<128x64xf32, #tpu.memory_space<vmem>>, vector<1x16xf32>,
        %get3A_222 = vector.shape_cast %get3A_221 : vector<1x16xf32> to vector<16xf32>
        %get3A_223 = arith.constant 1 : i32
        %get3A_224 = arith.index_cast %get3A_223 : i32 to index
        %get3A_225 = arith.index_cast %scan3A_57 : i32 to index
        %get3A_226 = arith.constant 0 : index
        %get3A_227 = tpu.vector_load %arg10[%get3A_224, %get3A_225, %get3A_226] {strides = array<i32>} : memref<4x16x128xf32, #tpu.memory_space<vmem>>, vector<1x1x16xf32>,
        %get3A_228 = vector.shape_cast %get3A_227 : vector<1x1x16xf32> to vector<16xf32>
        %add3A_229 = arith.addf %get3A_222, %get3A_228 : vector<16xf32>
        %max3A_230 = arith.constant 0.000000e+00 : f32
        %max3A_231 = vector.broadcast %max3A_230 : f32 to vector<16xf32>
        %max3A_232 = arith.maximumf %add3A_229, %max3A_231 : vector<16xf32>
        %swap3A_233 = arith.index_cast %add3A_218 : i32 to index
        %swap3A_234 = arith.constant 0 : index
        %swap3A_235 = tpu.vector_load %arg9[%swap3A_233, %swap3A_234] {strides = array<i32>} : memref<128x64xf32, #tpu.memory_space<vmem>>, vector<1x16xf32>,
        %swap3A_236 = vector.shape_cast %swap3A_235 : vector<1x16xf32> to vector<16xf32>
        %swap3A_237 = vector.shape_cast %max3A_232 : vector<16xf32> to vector<1x16xf32>
        tpu.vector_store %arg9[%swap3A_233, %swap3A_234], %swap3A_237 {strides = array<i32>} : memref<128x64xf32, #tpu.memory_space<vmem>>, vector<1x16xf32>,
        %get3A_238 = arith.index_cast %add3A_218 : i32 to index
        %get3A_239 = arith.constant 16 : index
        %get3A_240 = tpu.vector_load %arg9[%get3A_238, %get3A_239] {strides = array<i32>} : memref<128x64xf32, #tpu.memory_space<vmem>>, vector<1x16xf32>,
        %get3A_241 = vector.shape_cast %get3A_240 : vector<1x16xf32> to vector<16xf32>
        %get3A_242 = arith.constant 1 : i32
        %get3A_243 = arith.index_cast %get3A_242 : i32 to index
        %get3A_244 = arith.index_cast %scan3A_57 : i32 to index
        %get3A_245 = arith.constant 16 : index
        %get3A_246 = tpu.vector_load %arg10[%get3A_243, %get3A_244, %get3A_245] {strides = array<i32>} : memref<4x16x128xf32, #tpu.memory_space<vmem>>, vector<1x1x16xf32>,
        %get3A_247 = vector.shape_cast %get3A_246 : vector<1x1x16xf32> to vector<16xf32>
        %add3A_248 = arith.addf %get3A_241, %get3A_247 : vector<16xf32>
        %max3A_249 = arith.constant 0.000000e+00 : f32
        %max3A_250 = vector.broadcast %max3A_249 : f32 to vector<16xf32>
        %max3A_251 = arith.maximumf %add3A_248, %max3A_250 : vector<16xf32>
        %swap3A_252 = arith.index_cast %add3A_218 : i32 to index
        %swap3A_253 = arith.constant 16 : index
        %swap3A_254 = tpu.vector_load %arg9[%swap3A_252, %swap3A_253] {strides = array<i32>} : memref<128x64xf32, #tpu.memory_space<vmem>>, vector<1x16xf32>,
        %swap3A_255 = vector.shape_cast %swap3A_254 : vector<1x16xf32> to vector<16xf32>
        %swap3A_256 = vector.shape_cast %max3A_251 : vector<16xf32> to vector<1x16xf32>
        tpu.vector_store %arg9[%swap3A_252, %swap3A_253], %swap3A_256 {strides = array<i32>} : memref<128x64xf32, #tpu.memory_space<vmem>>, vector<1x16xf32>,
        %get3A_257 = arith.index_cast %add3A_218 : i32 to index
        %get3A_258 = arith.constant 32 : index
        %get3A_259 = tpu.vector_load %arg9[%get3A_257, %get3A_258] {strides = array<i32>} : memref<128x64xf32, #tpu.memory_space<vmem>>, vector<1x16xf32>,
        %get3A_260 = vector.shape_cast %get3A_259 : vector<1x16xf32> to vector<16xf32>
        %get3A_261 = arith.constant 1 : i32
        %get3A_262 = arith.index_cast %get3A_261 : i32 to index
        %get3A_263 = arith.index_cast %scan3A_57 : i32 to index
        %get3A_264 = arith.constant 32 : index
        %get3A_265 = tpu.vector_load %arg10[%get3A_262, %get3A_263, %get3A_264] {strides = array<i32>} : memref<4x16x128xf32, #tpu.memory_space<vmem>>, vector<1x1x16xf32>,
        %get3A_266 = vector.shape_cast %get3A_265 : vector<1x1x16xf32> to vector<16xf32>
        %add3A_267 = arith.addf %get3A_260, %get3A_266 : vector<16xf32>
        %max3A_268 = arith.constant 0.000000e+00 : f32
        %max3A_269 = vector.broadcast %max3A_268 : f32 to vector<16xf32>
        %max3A_270 = arith.maximumf %add3A_267, %max3A_269 : vector<16xf32>
        %swap3A_271 = arith.index_cast %add3A_218 : i32 to index
        %swap3A_272 = arith.constant 32 : index
        %swap3A_273 = tpu.vector_load %arg9[%swap3A_271, %swap3A_272] {strides = array<i32>} : memref<128x64xf32, #tpu.memory_space<vmem>>, vector<1x16xf32>,
        %swap3A_274 = vector.shape_cast %swap3A_273 : vector<1x16xf32> to vector<16xf32>
        %swap3A_275 = vector.shape_cast %max3A_270 : vector<16xf32> to vector<1x16xf32>
        tpu.vector_store %arg9[%swap3A_271, %swap3A_272], %swap3A_275 {strides = array<i32>} : memref<128x64xf32, #tpu.memory_space<vmem>>, vector<1x16xf32>,
        %get3A_276 = arith.index_cast %add3A_218 : i32 to index
        %get3A_277 = arith.constant 48 : index
        %get3A_278 = tpu.vector_load %arg9[%get3A_276, %get3A_277] {strides = array<i32>} : memref<128x64xf32, #tpu.memory_space<vmem>>, vector<1x16xf32>,
        %get3A_279 = vector.shape_cast %get3A_278 : vector<1x16xf32> to vector<16xf32>
        %get3A_280 = arith.constant 1 : i32
        %get3A_281 = arith.index_cast %get3A_280 : i32 to index
        %get3A_282 = arith.index_cast %scan3A_57 : i32 to index
        %get3A_283 = arith.constant 48 : index
        %get3A_284 = tpu.vector_load %arg10[%get3A_281, %get3A_282, %get3A_283] {strides = array<i32>} : memref<4x16x128xf32, #tpu.memory_space<vmem>>, vector<1x1x16xf32>,
        %get3A_285 = vector.shape_cast %get3A_284 : vector<1x1x16xf32> to vector<16xf32>
        %add3A_286 = arith.addf %get3A_279, %get3A_285 : vector<16xf32>
        %max3A_287 = arith.constant 0.000000e+00 : f32
        %max3A_288 = vector.broadcast %max3A_287 : f32 to vector<16xf32>
        %max3A_289 = arith.maximumf %add3A_286, %max3A_288 : vector<16xf32>
        %swap3A_290 = arith.index_cast %add3A_218 : i32 to index
        %swap3A_291 = arith.constant 48 : index
        %swap3A_292 = tpu.vector_load %arg9[%swap3A_290, %swap3A_291] {strides = array<i32>} : memref<128x64xf32, #tpu.memory_space<vmem>>, vector<1x16xf32>,
        %swap3A_293 = vector.shape_cast %swap3A_292 : vector<1x16xf32> to vector<16xf32>
        %swap3A_294 = vector.shape_cast %max3A_289 : vector<16xf32> to vector<1x16xf32>
        tpu.vector_store %arg9[%swap3A_290, %swap3A_291], %swap3A_294 {strides = array<i32>} : memref<128x64xf32, #tpu.memory_space<vmem>>, vector<1x16xf32>,
        %mul3A_295 = arith.constant 8 : i32
        %mul3A_296 = arith.muli %mul3A_295, %scan3A_57 : i32
        %add3A_297 = arith.constant 3 : i32
        %add3A_298 = arith.addi %mul3A_296, %add3A_297 : i32
        %get3A_299 = arith.index_cast %add3A_298 : i32 to index
        %get3A_300 = arith.constant 0 : index
        %get3A_301 = tpu.vector_load %arg9[%get3A_299, %get3A_300] {strides = array<i32>} : memref<128x64xf32, #tpu.memory_space<vmem>>, vector<1x16xf32>,
        %get3A_302 = vector.shape_cast %get3A_301 : vector<1x16xf32> to vector<16xf32>
        %get3A_303 = arith.constant 1 : i32
        %get3A_304 = arith.index_cast %get3A_303 : i32 to index
        %get3A_305 = arith.index_cast %scan3A_57 : i32 to index
        %get3A_306 = arith.constant 64 : index
        %get3A_307 = tpu.vector_load %arg10[%get3A_304, %get3A_305, %get3A_306] {strides = array<i32>} : memref<4x16x128xf32, #tpu.memory_space<vmem>>, vector<1x1x16xf32>,
        %get3A_308 = vector.shape_cast %get3A_307 : vector<1x1x16xf32> to vector<16xf32>
        %add3A_309 = arith.addf %get3A_302, %get3A_308 : vector<16xf32>
        %max3A_310 = arith.constant 0.000000e+00 : f32
        %max3A_311 = vector.broadcast %max3A_310 : f32 to vector<16xf32>
        %max3A_312 = arith.maximumf %add3A_309, %max3A_311 : vector<16xf32>
        %swap3A_313 = arith.index_cast %add3A_298 : i32 to index
        %swap3A_314 = arith.constant 0 : index
        %swap3A_315 = tpu.vector_load %arg9[%swap3A_313, %swap3A_314] {strides = array<i32>} : memref<128x64xf32, #tpu.memory_space<vmem>>, vector<1x16xf32>,
        %swap3A_316 = vector.shape_cast %swap3A_315 : vector<1x16xf32> to vector<16xf32>
        %swap3A_317 = vector.shape_cast %max3A_312 : vector<16xf32> to vector<1x16xf32>
        tpu.vector_store %arg9[%swap3A_313, %swap3A_314], %swap3A_317 {strides = array<i32>} : memref<128x64xf32, #tpu.memory_space<vmem>>, vector<1x16xf32>,
        %get3A_318 = arith.index_cast %add3A_298 : i32 to index
        %get3A_319 = arith.constant 16 : index
        %get3A_320 = tpu.vector_load %arg9[%get3A_318, %get3A_319] {strides = array<i32>} : memref<128x64xf32, #tpu.memory_space<vmem>>, vector<1x16xf32>,
        %get3A_321 = vector.shape_cast %get3A_320 : vector<1x16xf32> to vector<16xf32>
        %get3A_322 = arith.constant 1 : i32
        %get3A_323 = arith.index_cast %get3A_322 : i32 to index
        %get3A_324 = arith.index_cast %scan3A_57 : i32 to index
        %get3A_325 = arith.constant 80 : index
        %get3A_326 = tpu.vector_load %arg10[%get3A_323, %get3A_324, %get3A_325] {strides = array<i32>} : memref<4x16x128xf32, #tpu.memory_space<vmem>>, vector<1x1x16xf32>,
        %get3A_327 = vector.shape_cast %get3A_326 : vector<1x1x16xf32> to vector<16xf32>
        %add3A_328 = arith.addf %get3A_321, %get3A_327 : vector<16xf32>
        %max3A_329 = arith.constant 0.000000e+00 : f32
        %max3A_330 = vector.broadcast %max3A_329 : f32 to vector<16xf32>
        %max3A_331 = arith.maximumf %add3A_328, %max3A_330 : vector<16xf32>
        %swap3A_332 = arith.index_cast %add3A_298 : i32 to index
        %swap3A_333 = arith.constant 16 : index
        %swap3A_334 = tpu.vector_load %arg9[%swap3A_332, %swap3A_333] {strides = array<i32>} : memref<128x64xf32, #tpu.memory_space<vmem>>, vector<1x16xf32>,
        %swap3A_335 = vector.shape_cast %swap3A_334 : vector<1x16xf32> to vector<16xf32>
        %swap3A_336 = vector.shape_cast %max3A_331 : vector<16xf32> to vector<1x16xf32>
        tpu.vector_store %arg9[%swap3A_332, %swap3A_333], %swap3A_336 {strides = array<i32>} : memref<128x64xf32, #tpu.memory_space<vmem>>, vector<1x16xf32>,
        %get3A_337 = arith.index_cast %add3A_298 : i32 to index
        %get3A_338 = arith.constant 32 : index
        %get3A_339 = tpu.vector_load %arg9[%get3A_337, %get3A_338] {strides = array<i32>} : memref<128x64xf32, #tpu.memory_space<vmem>>, vector<1x16xf32>,
        %get3A_340 = vector.shape_cast %get3A_339 : vector<1x16xf32> to vector<16xf32>
        %get3A_341 = arith.constant 1 : i32
        %get3A_342 = arith.index_cast %get3A_341 : i32 to index
        %get3A_343 = arith.index_cast %scan3A_57 : i32 to index
        %get3A_344 = arith.constant 96 : index
        %get3A_345 = tpu.vector_load %arg10[%get3A_342, %get3A_343, %get3A_344] {strides = array<i32>} : memref<4x16x128xf32, #tpu.memory_space<vmem>>, vector<1x1x16xf32>,
        %get3A_346 = vector.shape_cast %get3A_345 : vector<1x1x16xf32> to vector<16xf32>
        %add3A_347 = arith.addf %get3A_340, %get3A_346 : vector<16xf32>
        %max3A_348 = arith.constant 0.000000e+00 : f32
        %max3A_349 = vector.broadcast %max3A_348 : f32 to vector<16xf32>
        %max3A_350 = arith.maximumf %add3A_347, %max3A_349 : vector<16xf32>
        %swap3A_351 = arith.index_cast %add3A_298 : i32 to index
        %swap3A_352 = arith.constant 32 : index
        %swap3A_353 = tpu.vector_load %arg9[%swap3A_351, %swap3A_352] {strides = array<i32>} : memref<128x64xf32, #tpu.memory_space<vmem>>, vector<1x16xf32>,
        %swap3A_354 = vector.shape_cast %swap3A_353 : vector<1x16xf32> to vector<16xf32>
        %swap3A_355 = vector.shape_cast %max3A_350 : vector<16xf32> to vector<1x16xf32>
        tpu.vector_store %arg9[%swap3A_351, %swap3A_352], %swap3A_355 {strides = array<i32>} : memref<128x64xf32, #tpu.memory_space<vmem>>, vector<1x16xf32>,
        %get3A_356 = arith.index_cast %add3A_298 : i32 to index
        %get3A_357 = arith.constant 48 : index
        %get3A_358 = tpu.vector_load %arg9[%get3A_356, %get3A_357] {strides = array<i32>} : memref<128x64xf32, #tpu.memory_space<vmem>>, vector<1x16xf32>,
        %get3A_359 = vector.shape_cast %get3A_358 : vector<1x16xf32> to vector<16xf32>
        %get3A_360 = arith.constant 1 : i32
        %get3A_361 = arith.index_cast %get3A_360 : i32 to index
        %get3A_362 = arith.index_cast %scan3A_57 : i32 to index
        %get3A_363 = arith.constant 112 : index
        %get3A_364 = tpu.vector_load %arg10[%get3A_361, %get3A_362, %get3A_363] {strides = array<i32>} : memref<4x16x128xf32, #tpu.memory_space<vmem>>, vector<1x1x16xf32>,
        %get3A_365 = vector.shape_cast %get3A_364 : vector<1x1x16xf32> to vector<16xf32>
        %add3A_366 = arith.addf %get3A_359, %get3A_365 : vector<16xf32>
        %max3A_367 = arith.constant 0.000000e+00 : f32
        %max3A_368 = vector.broadcast %max3A_367 : f32 to vector<16xf32>
        %max3A_369 = arith.maximumf %add3A_366, %max3A_368 : vector<16xf32>
        %swap3A_370 = arith.index_cast %add3A_298 : i32 to index
        %swap3A_371 = arith.constant 48 : index
        %swap3A_372 = tpu.vector_load %arg9[%swap3A_370, %swap3A_371] {strides = array<i32>} : memref<128x64xf32, #tpu.memory_space<vmem>>, vector<1x16xf32>,
        %swap3A_373 = vector.shape_cast %swap3A_372 : vector<1x16xf32> to vector<16xf32>
        %swap3A_374 = vector.shape_cast %max3A_369 : vector<16xf32> to vector<1x16xf32>
        tpu.vector_store %arg9[%swap3A_370, %swap3A_371], %swap3A_374 {strides = array<i32>} : memref<128x64xf32, #tpu.memory_space<vmem>>, vector<1x16xf32>,
        %mul3A_375 = arith.constant 8 : i32
        %mul3A_376 = arith.muli %mul3A_375, %scan3A_57 : i32
        %add3A_377 = arith.constant 4 : i32
        %add3A_378 = arith.addi %mul3A_376, %add3A_377 : i32
        %get3A_379 = arith.index_cast %add3A_378 : i32 to index
        %get3A_380 = arith.constant 0 : index
        %get3A_381 = tpu.vector_load %arg9[%get3A_379, %get3A_380] {strides = array<i32>} : memref<128x64xf32, #tpu.memory_space<vmem>>, vector<1x16xf32>,
        %get3A_382 = vector.shape_cast %get3A_381 : vector<1x16xf32> to vector<16xf32>
        %get3A_383 = arith.constant 2 : i32
        %get3A_384 = arith.index_cast %get3A_383 : i32 to index
        %get3A_385 = arith.index_cast %scan3A_57 : i32 to index
        %get3A_386 = arith.constant 0 : index
        %get3A_387 = tpu.vector_load %arg10[%get3A_384, %get3A_385, %get3A_386] {strides = array<i32>} : memref<4x16x128xf32, #tpu.memory_space<vmem>>, vector<1x1x16xf32>,
        %get3A_388 = vector.shape_cast %get3A_387 : vector<1x1x16xf32> to vector<16xf32>
        %add3A_389 = arith.addf %get3A_382, %get3A_388 : vector<16xf32>
        %max3A_390 = arith.constant 0.000000e+00 : f32
        %max3A_391 = vector.broadcast %max3A_390 : f32 to vector<16xf32>
        %max3A_392 = arith.maximumf %add3A_389, %max3A_391 : vector<16xf32>
        %swap3A_393 = arith.index_cast %add3A_378 : i32 to index
        %swap3A_394 = arith.constant 0 : index
        %swap3A_395 = tpu.vector_load %arg9[%swap3A_393, %swap3A_394] {strides = array<i32>} : memref<128x64xf32, #tpu.memory_space<vmem>>, vector<1x16xf32>,
        %swap3A_396 = vector.shape_cast %swap3A_395 : vector<1x16xf32> to vector<16xf32>
        %swap3A_397 = vector.shape_cast %max3A_392 : vector<16xf32> to vector<1x16xf32>
        tpu.vector_store %arg9[%swap3A_393, %swap3A_394], %swap3A_397 {strides = array<i32>} : memref<128x64xf32, #tpu.memory_space<vmem>>, vector<1x16xf32>,
        %get3A_398 = arith.index_cast %add3A_378 : i32 to index
        %get3A_399 = arith.constant 16 : index
        %get3A_400 = tpu.vector_load %arg9[%get3A_398, %get3A_399] {strides = array<i32>} : memref<128x64xf32, #tpu.memory_space<vmem>>, vector<1x16xf32>,
        %get3A_401 = vector.shape_cast %get3A_400 : vector<1x16xf32> to vector<16xf32>
        %get3A_402 = arith.constant 2 : i32
        %get3A_403 = arith.index_cast %get3A_402 : i32 to index
        %get3A_404 = arith.index_cast %scan3A_57 : i32 to index
        %get3A_405 = arith.constant 16 : index
        %get3A_406 = tpu.vector_load %arg10[%get3A_403, %get3A_404, %get3A_405] {strides = array<i32>} : memref<4x16x128xf32, #tpu.memory_space<vmem>>, vector<1x1x16xf32>,
        %get3A_407 = vector.shape_cast %get3A_406 : vector<1x1x16xf32> to vector<16xf32>
        %add3A_408 = arith.addf %get3A_401, %get3A_407 : vector<16xf32>
        %max3A_409 = arith.constant 0.000000e+00 : f32
        %max3A_410 = vector.broadcast %max3A_409 : f32 to vector<16xf32>
        %max3A_411 = arith.maximumf %add3A_408, %max3A_410 : vector<16xf32>
        %swap3A_412 = arith.index_cast %add3A_378 : i32 to index
        %swap3A_413 = arith.constant 16 : index
        %swap3A_414 = tpu.vector_load %arg9[%swap3A_412, %swap3A_413] {strides = array<i32>} : memref<128x64xf32, #tpu.memory_space<vmem>>, vector<1x16xf32>,
        %swap3A_415 = vector.shape_cast %swap3A_414 : vector<1x16xf32> to vector<16xf32>
        %swap3A_416 = vector.shape_cast %max3A_411 : vector<16xf32> to vector<1x16xf32>
        tpu.vector_store %arg9[%swap3A_412, %swap3A_413], %swap3A_416 {strides = array<i32>} : memref<128x64xf32, #tpu.memory_space<vmem>>, vector<1x16xf32>,
        %get3A_417 = arith.index_cast %add3A_378 : i32 to index
        %get3A_418 = arith.constant 32 : index
        %get3A_419 = tpu.vector_load %arg9[%get3A_417, %get3A_418] {strides = array<i32>} : memref<128x64xf32, #tpu.memory_space<vmem>>, vector<1x16xf32>,
        %get3A_420 = vector.shape_cast %get3A_419 : vector<1x16xf32> to vector<16xf32>
        %get3A_421 = arith.constant 2 : i32
        %get3A_422 = arith.index_cast %get3A_421 : i32 to index
        %get3A_423 = arith.index_cast %scan3A_57 : i32 to index
        %get3A_424 = arith.constant 32 : index
        %get3A_425 = tpu.vector_load %arg10[%get3A_422, %get3A_423, %get3A_424] {strides = array<i32>} : memref<4x16x128xf32, #tpu.memory_space<vmem>>, vector<1x1x16xf32>,
        %get3A_426 = vector.shape_cast %get3A_425 : vector<1x1x16xf32> to vector<16xf32>
        %add3A_427 = arith.addf %get3A_420, %get3A_426 : vector<16xf32>
        %max3A_428 = arith.constant 0.000000e+00 : f32
        %max3A_429 = vector.broadcast %max3A_428 : f32 to vector<16xf32>
        %max3A_430 = arith.maximumf %add3A_427, %max3A_429 : vector<16xf32>
        %swap3A_431 = arith.index_cast %add3A_378 : i32 to index
        %swap3A_432 = arith.constant 32 : index
        %swap3A_433 = tpu.vector_load %arg9[%swap3A_431, %swap3A_432] {strides = array<i32>} : memref<128x64xf32, #tpu.memory_space<vmem>>, vector<1x16xf32>,
        %swap3A_434 = vector.shape_cast %swap3A_433 : vector<1x16xf32> to vector<16xf32>
        %swap3A_435 = vector.shape_cast %max3A_430 : vector<16xf32> to vector<1x16xf32>
        tpu.vector_store %arg9[%swap3A_431, %swap3A_432], %swap3A_435 {strides = array<i32>} : memref<128x64xf32, #tpu.memory_space<vmem>>, vector<1x16xf32>,
        %get3A_436 = arith.index_cast %add3A_378 : i32 to index
        %get3A_437 = arith.constant 48 : index
        %get3A_438 = tpu.vector_load %arg9[%get3A_436, %get3A_437] {strides = array<i32>} : memref<128x64xf32, #tpu.memory_space<vmem>>, vector<1x16xf32>,
        %get3A_439 = vector.shape_cast %get3A_438 : vector<1x16xf32> to vector<16xf32>
        %get3A_440 = arith.constant 2 : i32
        %get3A_441 = arith.index_cast %get3A_440 : i32 to index
        %get3A_442 = arith.index_cast %scan3A_57 : i32 to index
        %get3A_443 = arith.constant 48 : index
        %get3A_444 = tpu.vector_load %arg10[%get3A_441, %get3A_442, %get3A_443] {strides = array<i32>} : memref<4x16x128xf32, #tpu.memory_space<vmem>>, vector<1x1x16xf32>,
        %get3A_445 = vector.shape_cast %get3A_444 : vector<1x1x16xf32> to vector<16xf32>
        %add3A_446 = arith.addf %get3A_439, %get3A_445 : vector<16xf32>
        %max3A_447 = arith.constant 0.000000e+00 : f32
        %max3A_448 = vector.broadcast %max3A_447 : f32 to vector<16xf32>
        %max3A_449 = arith.maximumf %add3A_446, %max3A_448 : vector<16xf32>
        %swap3A_450 = arith.index_cast %add3A_378 : i32 to index
        %swap3A_451 = arith.constant 48 : index
        %swap3A_452 = tpu.vector_load %arg9[%swap3A_450, %swap3A_451] {strides = array<i32>} : memref<128x64xf32, #tpu.memory_space<vmem>>, vector<1x16xf32>,
        %swap3A_453 = vector.shape_cast %swap3A_452 : vector<1x16xf32> to vector<16xf32>
        %swap3A_454 = vector.shape_cast %max3A_449 : vector<16xf32> to vector<1x16xf32>
        tpu.vector_store %arg9[%swap3A_450, %swap3A_451], %swap3A_454 {strides = array<i32>} : memref<128x64xf32, #tpu.memory_space<vmem>>, vector<1x16xf32>,
        %mul3A_455 = arith.constant 8 : i32
        %mul3A_456 = arith.muli %mul3A_455, %scan3A_57 : i32
        %add3A_457 = arith.constant 5 : i32
        %add3A_458 = arith.addi %mul3A_456, %add3A_457 : i32
        %get3A_459 = arith.index_cast %add3A_458 : i32 to index
        %get3A_460 = arith.constant 0 : index
        %get3A_461 = tpu.vector_load %arg9[%get3A_459, %get3A_460] {strides = array<i32>} : memref<128x64xf32, #tpu.memory_space<vmem>>, vector<1x16xf32>,
        %get3A_462 = vector.shape_cast %get3A_461 : vector<1x16xf32> to vector<16xf32>
        %get3A_463 = arith.constant 2 : i32
        %get3A_464 = arith.index_cast %get3A_463 : i32 to index
        %get3A_465 = arith.index_cast %scan3A_57 : i32 to index
        %get3A_466 = arith.constant 64 : index
        %get3A_467 = tpu.vector_load %arg10[%get3A_464, %get3A_465, %get3A_466] {strides = array<i32>} : memref<4x16x128xf32, #tpu.memory_space<vmem>>, vector<1x1x16xf32>,
        %get3A_468 = vector.shape_cast %get3A_467 : vector<1x1x16xf32> to vector<16xf32>
        %add3A_469 = arith.addf %get3A_462, %get3A_468 : vector<16xf32>
        %max3A_470 = arith.constant 0.000000e+00 : f32
        %max3A_471 = vector.broadcast %max3A_470 : f32 to vector<16xf32>
        %max3A_472 = arith.maximumf %add3A_469, %max3A_471 : vector<16xf32>
        %swap3A_473 = arith.index_cast %add3A_458 : i32 to index
        %swap3A_474 = arith.constant 0 : index
        %swap3A_475 = tpu.vector_load %arg9[%swap3A_473, %swap3A_474] {strides = array<i32>} : memref<128x64xf32, #tpu.memory_space<vmem>>, vector<1x16xf32>,
        %swap3A_476 = vector.shape_cast %swap3A_475 : vector<1x16xf32> to vector<16xf32>
        %swap3A_477 = vector.shape_cast %max3A_472 : vector<16xf32> to vector<1x16xf32>
        tpu.vector_store %arg9[%swap3A_473, %swap3A_474], %swap3A_477 {strides = array<i32>} : memref<128x64xf32, #tpu.memory_space<vmem>>, vector<1x16xf32>,
        %get3A_478 = arith.index_cast %add3A_458 : i32 to index
        %get3A_479 = arith.constant 16 : index
        %get3A_480 = tpu.vector_load %arg9[%get3A_478, %get3A_479] {strides = array<i32>} : memref<128x64xf32, #tpu.memory_space<vmem>>, vector<1x16xf32>,
        %get3A_481 = vector.shape_cast %get3A_480 : vector<1x16xf32> to vector<16xf32>
        %get3A_482 = arith.constant 2 : i32
        %get3A_483 = arith.index_cast %get3A_482 : i32 to index
        %get3A_484 = arith.index_cast %scan3A_57 : i32 to index
        %get3A_485 = arith.constant 80 : index
        %get3A_486 = tpu.vector_load %arg10[%get3A_483, %get3A_484, %get3A_485] {strides = array<i32>} : memref<4x16x128xf32, #tpu.memory_space<vmem>>, vector<1x1x16xf32>,
        %get3A_487 = vector.shape_cast %get3A_486 : vector<1x1x16xf32> to vector<16xf32>
        %add3A_488 = arith.addf %get3A_481, %get3A_487 : vector<16xf32>
        %max3A_489 = arith.constant 0.000000e+00 : f32
        %max3A_490 = vector.broadcast %max3A_489 : f32 to vector<16xf32>
        %max3A_491 = arith.maximumf %add3A_488, %max3A_490 : vector<16xf32>
        %swap3A_492 = arith.index_cast %add3A_458 : i32 to index
        %swap3A_493 = arith.constant 16 : index
        %swap3A_494 = tpu.vector_load %arg9[%swap3A_492, %swap3A_493] {strides = array<i32>} : memref<128x64xf32, #tpu.memory_space<vmem>>, vector<1x16xf32>,
        %swap3A_495 = vector.shape_cast %swap3A_494 : vector<1x16xf32> to vector<16xf32>
        %swap3A_496 = vector.shape_cast %max3A_491 : vector<16xf32> to vector<1x16xf32>
        tpu.vector_store %arg9[%swap3A_492, %swap3A_493], %swap3A_496 {strides = array<i32>} : memref<128x64xf32, #tpu.memory_space<vmem>>, vector<1x16xf32>,
        %get3A_497 = arith.index_cast %add3A_458 : i32 to index
        %get3A_498 = arith.constant 32 : index
        %get3A_499 = tpu.vector_load %arg9[%get3A_497, %get3A_498] {strides = array<i32>} : memref<128x64xf32, #tpu.memory_space<vmem>>, vector<1x16xf32>,
        %get3A_500 = vector.shape_cast %get3A_499 : vector<1x16xf32> to vector<16xf32>
        %get3A_501 = arith.constant 2 : i32
        %get3A_502 = arith.index_cast %get3A_501 : i32 to index
        %get3A_503 = arith.index_cast %scan3A_57 : i32 to index
        %get3A_504 = arith.constant 96 : index
        %get3A_505 = tpu.vector_load %arg10[%get3A_502, %get3A_503, %get3A_504] {strides = array<i32>} : memref<4x16x128xf32, #tpu.memory_space<vmem>>, vector<1x1x16xf32>,
        %get3A_506 = vector.shape_cast %get3A_505 : vector<1x1x16xf32> to vector<16xf32>
        %add3A_507 = arith.addf %get3A_500, %get3A_506 : vector<16xf32>
        %max3A_508 = arith.constant 0.000000e+00 : f32
        %max3A_509 = vector.broadcast %max3A_508 : f32 to vector<16xf32>
        %max3A_510 = arith.maximumf %add3A_507, %max3A_509 : vector<16xf32>
        %swap3A_511 = arith.index_cast %add3A_458 : i32 to index
        %swap3A_512 = arith.constant 32 : index
        %swap3A_513 = tpu.vector_load %arg9[%swap3A_511, %swap3A_512] {strides = array<i32>} : memref<128x64xf32, #tpu.memory_space<vmem>>, vector<1x16xf32>,
        %swap3A_514 = vector.shape_cast %swap3A_513 : vector<1x16xf32> to vector<16xf32>
        %swap3A_515 = vector.shape_cast %max3A_510 : vector<16xf32> to vector<1x16xf32>
        tpu.vector_store %arg9[%swap3A_511, %swap3A_512], %swap3A_515 {strides = array<i32>} : memref<128x64xf32, #tpu.memory_space<vmem>>, vector<1x16xf32>,
        %get3A_516 = arith.index_cast %add3A_458 : i32 to index
        %get3A_517 = arith.constant 48 : index
        %get3A_518 = tpu.vector_load %arg9[%get3A_516, %get3A_517] {strides = array<i32>} : memref<128x64xf32, #tpu.memory_space<vmem>>, vector<1x16xf32>,
        %get3A_519 = vector.shape_cast %get3A_518 : vector<1x16xf32> to vector<16xf32>
        %get3A_520 = arith.constant 2 : i32
        %get3A_521 = arith.index_cast %get3A_520 : i32 to index
        %get3A_522 = arith.index_cast %scan3A_57 : i32 to index
        %get3A_523 = arith.constant 112 : index
        %get3A_524 = tpu.vector_load %arg10[%get3A_521, %get3A_522, %get3A_523] {strides = array<i32>} : memref<4x16x128xf32, #tpu.memory_space<vmem>>, vector<1x1x16xf32>,
        %get3A_525 = vector.shape_cast %get3A_524 : vector<1x1x16xf32> to vector<16xf32>
        %add3A_526 = arith.addf %get3A_519, %get3A_525 : vector<16xf32>
        %max3A_527 = arith.constant 0.000000e+00 : f32
        %max3A_528 = vector.broadcast %max3A_527 : f32 to vector<16xf32>
        %max3A_529 = arith.maximumf %add3A_526, %max3A_528 : vector<16xf32>
        %swap3A_530 = arith.index_cast %add3A_458 : i32 to index
        %swap3A_531 = arith.constant 48 : index
        %swap3A_532 = tpu.vector_load %arg9[%swap3A_530, %swap3A_531] {strides = array<i32>} : memref<128x64xf32, #tpu.memory_space<vmem>>, vector<1x16xf32>,
        %swap3A_533 = vector.shape_cast %swap3A_532 : vector<1x16xf32> to vector<16xf32>
        %swap3A_534 = vector.shape_cast %max3A_529 : vector<16xf32> to vector<1x16xf32>
        tpu.vector_store %arg9[%swap3A_530, %swap3A_531], %swap3A_534 {strides = array<i32>} : memref<128x64xf32, #tpu.memory_space<vmem>>, vector<1x16xf32>,
        %mul3A_535 = arith.constant 8 : i32
        %mul3A_536 = arith.muli %mul3A_535, %scan3A_57 : i32
        %add3A_537 = arith.constant 6 : i32
        %add3A_538 = arith.addi %mul3A_536, %add3A_537 : i32
        %get3A_539 = arith.index_cast %add3A_538 : i32 to index
        %get3A_540 = arith.constant 0 : index
        %get3A_541 = tpu.vector_load %arg9[%get3A_539, %get3A_540] {strides = array<i32>} : memref<128x64xf32, #tpu.memory_space<vmem>>, vector<1x16xf32>,
        %get3A_542 = vector.shape_cast %get3A_541 : vector<1x16xf32> to vector<16xf32>
        %get3A_543 = arith.constant 3 : i32
        %get3A_544 = arith.index_cast %get3A_543 : i32 to index
        %get3A_545 = arith.index_cast %scan3A_57 : i32 to index
        %get3A_546 = arith.constant 0 : index
        %get3A_547 = tpu.vector_load %arg10[%get3A_544, %get3A_545, %get3A_546] {strides = array<i32>} : memref<4x16x128xf32, #tpu.memory_space<vmem>>, vector<1x1x16xf32>,
        %get3A_548 = vector.shape_cast %get3A_547 : vector<1x1x16xf32> to vector<16xf32>
        %add3A_549 = arith.addf %get3A_542, %get3A_548 : vector<16xf32>
        %max3A_550 = arith.constant 0.000000e+00 : f32
        %max3A_551 = vector.broadcast %max3A_550 : f32 to vector<16xf32>
        %max3A_552 = arith.maximumf %add3A_549, %max3A_551 : vector<16xf32>
        %swap3A_553 = arith.index_cast %add3A_538 : i32 to index
        %swap3A_554 = arith.constant 0 : index
        %swap3A_555 = tpu.vector_load %arg9[%swap3A_553, %swap3A_554] {strides = array<i32>} : memref<128x64xf32, #tpu.memory_space<vmem>>, vector<1x16xf32>,
        %swap3A_556 = vector.shape_cast %swap3A_555 : vector<1x16xf32> to vector<16xf32>
        %swap3A_557 = vector.shape_cast %max3A_552 : vector<16xf32> to vector<1x16xf32>
        tpu.vector_store %arg9[%swap3A_553, %swap3A_554], %swap3A_557 {strides = array<i32>} : memref<128x64xf32, #tpu.memory_space<vmem>>, vector<1x16xf32>,
        %get3A_558 = arith.index_cast %add3A_538 : i32 to index
        %get3A_559 = arith.constant 16 : index
        %get3A_560 = tpu.vector_load %arg9[%get3A_558, %get3A_559] {strides = array<i32>} : memref<128x64xf32, #tpu.memory_space<vmem>>, vector<1x16xf32>,
        %get3A_561 = vector.shape_cast %get3A_560 : vector<1x16xf32> to vector<16xf32>
        %get3A_562 = arith.constant 3 : i32
        %get3A_563 = arith.index_cast %get3A_562 : i32 to index
        %get3A_564 = arith.index_cast %scan3A_57 : i32 to index
        %get3A_565 = arith.constant 16 : index
        %get3A_566 = tpu.vector_load %arg10[%get3A_563, %get3A_564, %get3A_565] {strides = array<i32>} : memref<4x16x128xf32, #tpu.memory_space<vmem>>, vector<1x1x16xf32>,
        %get3A_567 = vector.shape_cast %get3A_566 : vector<1x1x16xf32> to vector<16xf32>
        %add3A_568 = arith.addf %get3A_561, %get3A_567 : vector<16xf32>
        %max3A_569 = arith.constant 0.000000e+00 : f32
        %max3A_570 = vector.broadcast %max3A_569 : f32 to vector<16xf32>
        %max3A_571 = arith.maximumf %add3A_568, %max3A_570 : vector<16xf32>
        %swap3A_572 = arith.index_cast %add3A_538 : i32 to index
        %swap3A_573 = arith.constant 16 : index
        %swap3A_574 = tpu.vector_load %arg9[%swap3A_572, %swap3A_573] {strides = array<i32>} : memref<128x64xf32, #tpu.memory_space<vmem>>, vector<1x16xf32>,
        %swap3A_575 = vector.shape_cast %swap3A_574 : vector<1x16xf32> to vector<16xf32>
        %swap3A_576 = vector.shape_cast %max3A_571 : vector<16xf32> to vector<1x16xf32>
        tpu.vector_store %arg9[%swap3A_572, %swap3A_573], %swap3A_576 {strides = array<i32>} : memref<128x64xf32, #tpu.memory_space<vmem>>, vector<1x16xf32>,
        %get3A_577 = arith.index_cast %add3A_538 : i32 to index
        %get3A_578 = arith.constant 32 : index
        %get3A_579 = tpu.vector_load %arg9[%get3A_577, %get3A_578] {strides = array<i32>} : memref<128x64xf32, #tpu.memory_space<vmem>>, vector<1x16xf32>,
        %get3A_580 = vector.shape_cast %get3A_579 : vector<1x16xf32> to vector<16xf32>
        %get3A_581 = arith.constant 3 : i32
        %get3A_582 = arith.index_cast %get3A_581 : i32 to index
        %get3A_583 = arith.index_cast %scan3A_57 : i32 to index
        %get3A_584 = arith.constant 32 : index
        %get3A_585 = tpu.vector_load %arg10[%get3A_582, %get3A_583, %get3A_584] {strides = array<i32>} : memref<4x16x128xf32, #tpu.memory_space<vmem>>, vector<1x1x16xf32>,
        %get3A_586 = vector.shape_cast %get3A_585 : vector<1x1x16xf32> to vector<16xf32>
        %add3A_587 = arith.addf %get3A_580, %get3A_586 : vector<16xf32>
        %max3A_588 = arith.constant 0.000000e+00 : f32
        %max3A_589 = vector.broadcast %max3A_588 : f32 to vector<16xf32>
        %max3A_590 = arith.maximumf %add3A_587, %max3A_589 : vector<16xf32>
        %swap3A_591 = arith.index_cast %add3A_538 : i32 to index
        %swap3A_592 = arith.constant 32 : index
        %swap3A_593 = tpu.vector_load %arg9[%swap3A_591, %swap3A_592] {strides = array<i32>} : memref<128x64xf32, #tpu.memory_space<vmem>>, vector<1x16xf32>,
        %swap3A_594 = vector.shape_cast %swap3A_593 : vector<1x16xf32> to vector<16xf32>
        %swap3A_595 = vector.shape_cast %max3A_590 : vector<16xf32> to vector<1x16xf32>
        tpu.vector_store %arg9[%swap3A_591, %swap3A_592], %swap3A_595 {strides = array<i32>} : memref<128x64xf32, #tpu.memory_space<vmem>>, vector<1x16xf32>,
        %get3A_596 = arith.index_cast %add3A_538 : i32 to index
        %get3A_597 = arith.constant 48 : index
        %get3A_598 = tpu.vector_load %arg9[%get3A_596, %get3A_597] {strides = array<i32>} : memref<128x64xf32, #tpu.memory_space<vmem>>, vector<1x16xf32>,
        %get3A_599 = vector.shape_cast %get3A_598 : vector<1x16xf32> to vector<16xf32>
        %get3A_600 = arith.constant 3 : i32
        %get3A_601 = arith.index_cast %get3A_600 : i32 to index
        %get3A_602 = arith.index_cast %scan3A_57 : i32 to index
        %get3A_603 = arith.constant 48 : index
        %get3A_604 = tpu.vector_load %arg10[%get3A_601, %get3A_602, %get3A_603] {strides = array<i32>} : memref<4x16x128xf32, #tpu.memory_space<vmem>>, vector<1x1x16xf32>,
        %get3A_605 = vector.shape_cast %get3A_604 : vector<1x1x16xf32> to vector<16xf32>
        %add3A_606 = arith.addf %get3A_599, %get3A_605 : vector<16xf32>
        %max3A_607 = arith.constant 0.000000e+00 : f32
        %max3A_608 = vector.broadcast %max3A_607 : f32 to vector<16xf32>
        %max3A_609 = arith.maximumf %add3A_606, %max3A_608 : vector<16xf32>
        %swap3A_610 = arith.index_cast %add3A_538 : i32 to index
        %swap3A_611 = arith.constant 48 : index
        %swap3A_612 = tpu.vector_load %arg9[%swap3A_610, %swap3A_611] {strides = array<i32>} : memref<128x64xf32, #tpu.memory_space<vmem>>, vector<1x16xf32>,
        %swap3A_613 = vector.shape_cast %swap3A_612 : vector<1x16xf32> to vector<16xf32>
        %swap3A_614 = vector.shape_cast %max3A_609 : vector<16xf32> to vector<1x16xf32>
        tpu.vector_store %arg9[%swap3A_610, %swap3A_611], %swap3A_614 {strides = array<i32>} : memref<128x64xf32, #tpu.memory_space<vmem>>, vector<1x16xf32>,
        %mul3A_615 = arith.constant 8 : i32
        %mul3A_616 = arith.muli %mul3A_615, %scan3A_57 : i32
        %add3A_617 = arith.constant 7 : i32
        %add3A_618 = arith.addi %mul3A_616, %add3A_617 : i32
        %get3A_619 = arith.index_cast %add3A_618 : i32 to index
        %get3A_620 = arith.constant 0 : index
        %get3A_621 = tpu.vector_load %arg9[%get3A_619, %get3A_620] {strides = array<i32>} : memref<128x64xf32, #tpu.memory_space<vmem>>, vector<1x16xf32>,
        %get3A_622 = vector.shape_cast %get3A_621 : vector<1x16xf32> to vector<16xf32>
        %get3A_623 = arith.constant 3 : i32
        %get3A_624 = arith.index_cast %get3A_623 : i32 to index
        %get3A_625 = arith.index_cast %scan3A_57 : i32 to index
        %get3A_626 = arith.constant 64 : index
        %get3A_627 = tpu.vector_load %arg10[%get3A_624, %get3A_625, %get3A_626] {strides = array<i32>} : memref<4x16x128xf32, #tpu.memory_space<vmem>>, vector<1x1x16xf32>,
        %get3A_628 = vector.shape_cast %get3A_627 : vector<1x1x16xf32> to vector<16xf32>
        %add3A_629 = arith.addf %get3A_622, %get3A_628 : vector<16xf32>
        %max3A_630 = arith.constant 0.000000e+00 : f32
        %max3A_631 = vector.broadcast %max3A_630 : f32 to vector<16xf32>
        %max3A_632 = arith.maximumf %add3A_629, %max3A_631 : vector<16xf32>
        %swap3A_633 = arith.index_cast %add3A_618 : i32 to index
        %swap3A_634 = arith.constant 0 : index
        %swap3A_635 = tpu.vector_load %arg9[%swap3A_633, %swap3A_634] {strides = array<i32>} : memref<128x64xf32, #tpu.memory_space<vmem>>, vector<1x16xf32>,
        %swap3A_636 = vector.shape_cast %swap3A_635 : vector<1x16xf32> to vector<16xf32>
        %swap3A_637 = vector.shape_cast %max3A_632 : vector<16xf32> to vector<1x16xf32>
        tpu.vector_store %arg9[%swap3A_633, %swap3A_634], %swap3A_637 {strides = array<i32>} : memref<128x64xf32, #tpu.memory_space<vmem>>, vector<1x16xf32>,
        %get3A_638 = arith.index_cast %add3A_618 : i32 to index
        %get3A_639 = arith.constant 16 : index
        %get3A_640 = tpu.vector_load %arg9[%get3A_638, %get3A_639] {strides = array<i32>} : memref<128x64xf32, #tpu.memory_space<vmem>>, vector<1x16xf32>,
        %get3A_641 = vector.shape_cast %get3A_640 : vector<1x16xf32> to vector<16xf32>
        %get3A_642 = arith.constant 3 : i32
        %get3A_643 = arith.index_cast %get3A_642 : i32 to index
        %get3A_644 = arith.index_cast %scan3A_57 : i32 to index
        %get3A_645 = arith.constant 80 : index
        %get3A_646 = tpu.vector_load %arg10[%get3A_643, %get3A_644, %get3A_645] {strides = array<i32>} : memref<4x16x128xf32, #tpu.memory_space<vmem>>, vector<1x1x16xf32>,
        %get3A_647 = vector.shape_cast %get3A_646 : vector<1x1x16xf32> to vector<16xf32>
        %add3A_648 = arith.addf %get3A_641, %get3A_647 : vector<16xf32>
        %max3A_649 = arith.constant 0.000000e+00 : f32
        %max3A_650 = vector.broadcast %max3A_649 : f32 to vector<16xf32>
        %max3A_651 = arith.maximumf %add3A_648, %max3A_650 : vector<16xf32>
        %swap3A_652 = arith.index_cast %add3A_618 : i32 to index
        %swap3A_653 = arith.constant 16 : index
        %swap3A_654 = tpu.vector_load %arg9[%swap3A_652, %swap3A_653] {strides = array<i32>} : memref<128x64xf32, #tpu.memory_space<vmem>>, vector<1x16xf32>,
        %swap3A_655 = vector.shape_cast %swap3A_654 : vector<1x16xf32> to vector<16xf32>
        %swap3A_656 = vector.shape_cast %max3A_651 : vector<16xf32> to vector<1x16xf32>
        tpu.vector_store %arg9[%swap3A_652, %swap3A_653], %swap3A_656 {strides = array<i32>} : memref<128x64xf32, #tpu.memory_space<vmem>>, vector<1x16xf32>,
        %get3A_657 = arith.index_cast %add3A_618 : i32 to index
        %get3A_658 = arith.constant 32 : index
        %get3A_659 = tpu.vector_load %arg9[%get3A_657, %get3A_658] {strides = array<i32>} : memref<128x64xf32, #tpu.memory_space<vmem>>, vector<1x16xf32>,
        %get3A_660 = vector.shape_cast %get3A_659 : vector<1x16xf32> to vector<16xf32>
        %get3A_661 = arith.constant 3 : i32
        %get3A_662 = arith.index_cast %get3A_661 : i32 to index
        %get3A_663 = arith.index_cast %scan3A_57 : i32 to index
        %get3A_664 = arith.constant 96 : index
        %get3A_665 = tpu.vector_load %arg10[%get3A_662, %get3A_663, %get3A_664] {strides = array<i32>} : memref<4x16x128xf32, #tpu.memory_space<vmem>>, vector<1x1x16xf32>,
        %get3A_666 = vector.shape_cast %get3A_665 : vector<1x1x16xf32> to vector<16xf32>
        %add3A_667 = arith.addf %get3A_660, %get3A_666 : vector<16xf32>
        %max3A_668 = arith.constant 0.000000e+00 : f32
        %max3A_669 = vector.broadcast %max3A_668 : f32 to vector<16xf32>
        %max3A_670 = arith.maximumf %add3A_667, %max3A_669 : vector<16xf32>
        %swap3A_671 = arith.index_cast %add3A_618 : i32 to index
        %swap3A_672 = arith.constant 32 : index
        %swap3A_673 = tpu.vector_load %arg9[%swap3A_671, %swap3A_672] {strides = array<i32>} : memref<128x64xf32, #tpu.memory_space<vmem>>, vector<1x16xf32>,
        %swap3A_674 = vector.shape_cast %swap3A_673 : vector<1x16xf32> to vector<16xf32>
        %swap3A_675 = vector.shape_cast %max3A_670 : vector<16xf32> to vector<1x16xf32>
        tpu.vector_store %arg9[%swap3A_671, %swap3A_672], %swap3A_675 {strides = array<i32>} : memref<128x64xf32, #tpu.memory_space<vmem>>, vector<1x16xf32>,
        %get3A_676 = arith.index_cast %add3A_618 : i32 to index
        %get3A_677 = arith.constant 48 : index
        %get3A_678 = tpu.vector_load %arg9[%get3A_676, %get3A_677] {strides = array<i32>} : memref<128x64xf32, #tpu.memory_space<vmem>>, vector<1x16xf32>,
        %get3A_679 = vector.shape_cast %get3A_678 : vector<1x16xf32> to vector<16xf32>
        %get3A_680 = arith.constant 3 : i32
        %get3A_681 = arith.index_cast %get3A_680 : i32 to index
        %get3A_682 = arith.index_cast %scan3A_57 : i32 to index
        %get3A_683 = arith.constant 112 : index
        %get3A_684 = tpu.vector_load %arg10[%get3A_681, %get3A_682, %get3A_683] {strides = array<i32>} : memref<4x16x128xf32, #tpu.memory_space<vmem>>, vector<1x1x16xf32>,
        %get3A_685 = vector.shape_cast %get3A_684 : vector<1x1x16xf32> to vector<16xf32>
        %add3A_686 = arith.addf %get3A_679, %get3A_685 : vector<16xf32>
        %max3A_687 = arith.constant 0.000000e+00 : f32
        %max3A_688 = vector.broadcast %max3A_687 : f32 to vector<16xf32>
        %max3A_689 = arith.maximumf %add3A_686, %max3A_688 : vector<16xf32>
        %swap3A_690 = arith.index_cast %add3A_618 : i32 to index
        %swap3A_691 = arith.constant 48 : index
        %swap3A_692 = tpu.vector_load %arg9[%swap3A_690, %swap3A_691] {strides = array<i32>} : memref<128x64xf32, #tpu.memory_space<vmem>>, vector<1x16xf32>,
        %swap3A_693 = vector.shape_cast %swap3A_692 : vector<1x16xf32> to vector<16xf32>
        %swap3A_694 = vector.shape_cast %max3A_689 : vector<16xf32> to vector<1x16xf32>
        tpu.vector_store %arg9[%swap3A_690, %swap3A_691], %swap3A_694 {strides = array<i32>} : memref<128x64xf32, #tpu.memory_space<vmem>>, vector<1x16xf32>,
      }
      %scan3A_56 = arith.constant 16 : i32
      "tpu.region"() ({
        %run_scoped3A = tpu.sem_alloc : memref<!tpu.dma_semaphore, #tpu.memory_space<semaphore_mem>>
        %dma_start3A_57 = arith.constant 0 : i32
        %dma_start3A_58 = tpu.memref_slice %arg8[%scan3A_23, %dma_start3A_57] : memref<80x128xi32, #tpu.memory_space<vmem>> -> memref<1x128xi32, #tpu.memory_space<vmem>>
        %dma_start3A_59 = tpu.memref_squeeze %dma_start3A_58 : memref<1x128xi32, #tpu.memory_space<vmem>> -> memref<128xi32, #tpu.memory_space<vmem>>
        %dma_start3A_60 = arith.constant 0 : i32
        %dma_start3A_61 = arith.constant 0 : i32
        %dma_start3A_62 = tpu.memref_slice %arg11[%dma_start3A_60, %dma_start3A_61] : memref<10240x64xf32, #tpu.memory_space<vmem_shared>> -> memref<10240x64xf32, #tpu.memory_space<vmem_shared>>
        tpu.enqueue_indirect_dma source(%arg9 : memref<128x64xf32, #tpu.memory_space<vmem>>) target(%dma_start3A_62 : memref<10240x64xf32, #tpu.memory_space<vmem_shared>>) offsets(%dma_start3A_59 : memref<128xi32, #tpu.memory_space<vmem>>) semaphore(%run_scoped3A : memref<!tpu.dma_semaphore, #tpu.memory_space<semaphore_mem>>) {add = true}
        %dma_wait3A_63 = arith.constant 0 : i32
        %dma_wait3A_64 = tpu.memref_slice %arg8[%scan3A_23, %dma_wait3A_63] : memref<80x128xi32, #tpu.memory_space<vmem>> -> memref<1x128xi32, #tpu.memory_space<vmem>>
        %dma_wait3A_65 = tpu.memref_squeeze %dma_wait3A_64 : memref<1x128xi32, #tpu.memory_space<vmem>> -> memref<128xi32, #tpu.memory_space<vmem>>
        %dma_wait3A_66 = arith.constant 0 : i32
        %dma_wait3A_67 = arith.constant 0 : i32
        %dma_wait3A_68 = tpu.memref_slice %arg11[%dma_wait3A_66, %dma_wait3A_67] : memref<10240x64xf32, #tpu.memory_space<vmem_shared>> -> memref<10240x64xf32, #tpu.memory_space<vmem_shared>>
        tpu.wait_indirect_dma semaphore(%run_scoped3A : memref<!tpu.dma_semaphore, #tpu.memory_space<semaphore_mem>>) src(%arg9 : memref<128x64xf32, #tpu.memory_space<vmem>>) dst(%dma_wait3A_68 : memref<10240x64xf32, #tpu.memory_space<vmem_shared>>)
        tpu.yield
      }) : () -> ()
    }
    %scan3A_17 = arith.constant 80 : i32
    %barrier3A_18 = arith.constant 0 : index
    tpu.barrier barrier_id(%barrier3A_18)
    %mul3A_19 = arith.constant 640 : i32
    %mul3A_20 = arith.muli %arg1, %mul3A_19 : i32
    %mul3A_21 = arith.constant 640 : i32
    %mul3A_22 = arith.muli %arg1, %mul3A_21 : i32
    "tpu.region"() ({
      %run_scoped3A = tpu.sem_alloc : memref<!tpu.dma_semaphore, #tpu.memory_space<semaphore_mem>>
      %dma_start3A = arith.constant 0 : i32
      %dma_start3A_23 = tpu.memref_slice %arg6[%arg0, %mul3A_22, %dma_start3A] : memref<2x10240x64xf32, #tpu.memory_space<hbm>> -> memref<1x640x64xf32, #tpu.memory_space<hbm>>
      %dma_start3A_24 = tpu.memref_squeeze %dma_start3A_23 : memref<1x640x64xf32, #tpu.memory_space<hbm>> -> memref<640x64xf32, #tpu.memory_space<hbm>>
      %dma_start3A_25 = arith.constant 0 : i32
      %dma_start3A_26 = tpu.memref_slice %arg11[%mul3A_20, %dma_start3A_25] : memref<10240x64xf32, #tpu.memory_space<vmem_shared>> -> memref<640x64xf32, #tpu.memory_space<vmem_shared>>
      tpu.enqueue_dma source(%dma_start3A_26 : memref<640x64xf32, #tpu.memory_space<vmem_shared>>) target(%dma_start3A_24 : memref<640x64xf32, #tpu.memory_space<hbm>>) target_semaphore(%run_scoped3A : memref<!tpu.dma_semaphore, #tpu.memory_space<semaphore_mem>>)
      %dma_wait3A = arith.constant 0 : i32
      %dma_wait3A_27 = tpu.memref_slice %arg6[%arg0, %mul3A_22, %dma_wait3A] : memref<2x10240x64xf32, #tpu.memory_space<hbm>> -> memref<1x640x64xf32, #tpu.memory_space<hbm>>
      %dma_wait3A_28 = tpu.memref_squeeze %dma_wait3A_27 : memref<1x640x64xf32, #tpu.memory_space<hbm>> -> memref<640x64xf32, #tpu.memory_space<hbm>>
      %dma_wait3A_29 = arith.constant 0 : i32
      %dma_wait3A_30 = tpu.memref_slice %arg11[%mul3A_20, %dma_wait3A_29] : memref<10240x64xf32, #tpu.memory_space<vmem_shared>> -> memref<640x64xf32, #tpu.memory_space<vmem_shared>>
      tpu.wait_dma2 semaphore(%run_scoped3A : memref<!tpu.dma_semaphore, #tpu.memory_space<semaphore_mem>>) src(%dma_wait3A_30 : memref<640x64xf32, #tpu.memory_space<vmem_shared>>) dst(%dma_wait3A_28 : memref<640x64xf32, #tpu.memory_space<hbm>>)
      tpu.yield
    }) : () -> ()
    return
  }
}

#map = affine_map<(d0, d1) -> (0, 0)>
#map1 = affine_map<(d0, d1) -> (0, 0, 0)>
module attributes {stable_mosaic.version = 14 : i64} {
  func.func @sc_agg(%arg0: i32, %arg1: i32, %arg2: memref<10000x64xf32, #tpu.memory_space<hbm>>, %arg3: memref<4x40960x128xf32, #tpu.memory_space<hbm>>, %arg4: memref<32x80x128xi32, #tpu.memory_space<hbm>>, %arg5: memref<32x80x128xi32, #tpu.memory_space<hbm>>, %arg6: memref<2x10240x64xf32, #tpu.memory_space<hbm>>, %arg7: memref<80x128xi32, #tpu.memory_space<vmem>>, %arg8: memref<80x128xi32, #tpu.memory_space<vmem>>, %arg9: memref<128x64xf32, #tpu.memory_space<vmem>>, %arg10: memref<4x16x128xf32, #tpu.memory_space<vmem>>, %arg11: memref<10240x64xf32, #tpu.memory_space<vmem_shared>>, %arg12: memref<!tpu.dma_semaphore, #tpu.memory_space<semaphore_mem>>, %arg13: memref<!tpu.dma_semaphore, #tpu.memory_space<semaphore_mem>>) attributes {dimension_semantics = [#tpu.dimension_semantics<core_parallel>, #tpu.dimension_semantics<subcore_parallel>], iteration_bounds = array<i64: 2, 16>, scalar_prefetch = 0 : i64, scratch_operands = 7 : i64, tpu.core_type = #tpu.core_type<sc_vector_subcore>, window_params = [{transform_indices = #map}, {transform_indices = #map1}, {transform_indices = #map1}, {transform_indices = #map1}, {transform_indices = #map1}]} {
    %mul3A = arith.constant 16 : i32
    %mul3A_0 = arith.muli %arg0, %mul3A : i32
    %add3A = arith.addi %mul3A_0, %arg1 : i32
    "tpu.region"() ({
      %run_scoped3A = tpu.sem_alloc : memref<!tpu.dma_semaphore, #tpu.memory_space<semaphore_mem>>
      %dma_start3A = arith.constant 0 : i32
      %dma_start3A_23 = arith.constant 0 : i32
      %dma_start3A_24 = tpu.memref_slice %arg4[%add3A, %dma_start3A, %dma_start3A_23] : memref<32x80x128xi32, #tpu.memory_space<hbm>> -> memref<1x80x128xi32, #tpu.memory_space<hbm>>
      %dma_start3A_25 = tpu.memref_squeeze %dma_start3A_24 : memref<1x80x128xi32, #tpu.memory_space<hbm>> -> memref<80x128xi32, #tpu.memory_space<hbm>>
      %dma_start3A_26 = arith.constant 0 : i32
      %dma_start3A_27 = arith.constant 0 : i32
      %dma_start3A_28 = tpu.memref_slice %arg4[%add3A, %dma_start3A_26, %dma_start3A_27] : memref<32x80x128xi32, #tpu.memory_space<hbm>> -> memref<1x80x128xi32, #tpu.memory_space<hbm>>
      %dma_start3A_29 = tpu.memref_squeeze %dma_start3A_28 : memref<1x80x128xi32, #tpu.memory_space<hbm>> -> memref<80x128xi32, #tpu.memory_space<hbm>>
      tpu.enqueue_dma source(%dma_start3A_29 : memref<80x128xi32, #tpu.memory_space<hbm>>) target(%arg7 : memref<80x128xi32, #tpu.memory_space<vmem>>) target_semaphore(%run_scoped3A : memref<!tpu.dma_semaphore, #tpu.memory_space<semaphore_mem>>)
      %dma_wait3A = arith.constant 0 : i32
      %dma_wait3A_30 = arith.constant 0 : i32
      %dma_wait3A_31 = tpu.memref_slice %arg4[%add3A, %dma_wait3A, %dma_wait3A_30] : memref<32x80x128xi32, #tpu.memory_space<hbm>> -> memref<1x80x128xi32, #tpu.memory_space<hbm>>
      %dma_wait3A_32 = tpu.memref_squeeze %dma_wait3A_31 : memref<1x80x128xi32, #tpu.memory_space<hbm>> -> memref<80x128xi32, #tpu.memory_space<hbm>>
      %dma_wait3A_33 = arith.constant 0 : i32
      %dma_wait3A_34 = arith.constant 0 : i32
      %dma_wait3A_35 = tpu.memref_slice %arg4[%add3A, %dma_wait3A_33, %dma_wait3A_34] : memref<32x80x128xi32, #tpu.memory_space<hbm>> -> memref<1x80x128xi32, #tpu.memory_space<hbm>>
      %dma_wait3A_36 = tpu.memref_squeeze %dma_wait3A_35 : memref<1x80x128xi32, #tpu.memory_space<hbm>> -> memref<80x128xi32, #tpu.memory_space<hbm>>
      tpu.wait_dma2 semaphore(%run_scoped3A : memref<!tpu.dma_semaphore, #tpu.memory_space<semaphore_mem>>) src(%dma_wait3A_36 : memref<80x128xi32, #tpu.memory_space<hbm>>) dst(%arg7 : memref<80x128xi32, #tpu.memory_space<vmem>>)
      tpu.yield
    }) : () -> ()
    "tpu.region"() ({
      %run_scoped3A = tpu.sem_alloc : memref<!tpu.dma_semaphore, #tpu.memory_space<semaphore_mem>>
      %dma_start3A = arith.constant 0 : i32
      %dma_start3A_23 = arith.constant 0 : i32
      %dma_start3A_24 = tpu.memref_slice %arg5[%add3A, %dma_start3A, %dma_start3A_23] : memref<32x80x128xi32, #tpu.memory_space<hbm>> -> memref<1x80x128xi32, #tpu.memory_space<hbm>>
      %dma_start3A_25 = tpu.memref_squeeze %dma_start3A_24 : memref<1x80x128xi32, #tpu.memory_space<hbm>> -> memref<80x128xi32, #tpu.memory_space<hbm>>
      %dma_start3A_26 = arith.constant 0 : i32
      %dma_start3A_27 = arith.constant 0 : i32
      %dma_start3A_28 = tpu.memref_slice %arg5[%add3A, %dma_start3A_26, %dma_start3A_27] : memref<32x80x128xi32, #tpu.memory_space<hbm>> -> memref<1x80x128xi32, #tpu.memory_space<hbm>>
      %dma_start3A_29 = tpu.memref_squeeze %dma_start3A_28 : memref<1x80x128xi32, #tpu.memory_space<hbm>> -> memref<80x128xi32, #tpu.memory_space<hbm>>
      tpu.enqueue_dma source(%dma_start3A_29 : memref<80x128xi32, #tpu.memory_space<hbm>>) target(%arg8 : memref<80x128xi32, #tpu.memory_space<vmem>>) target_semaphore(%run_scoped3A : memref<!tpu.dma_semaphore, #tpu.memory_space<semaphore_mem>>)
      %dma_wait3A = arith.constant 0 : i32
      %dma_wait3A_30 = arith.constant 0 : i32
      %dma_wait3A_31 = tpu.memref_slice %arg5[%add3A, %dma_wait3A, %dma_wait3A_30] : memref<32x80x128xi32, #tpu.memory_space<hbm>> -> memref<1x80x128xi32, #tpu.memory_space<hbm>>
      %dma_wait3A_32 = tpu.memref_squeeze %dma_wait3A_31 : memref<1x80x128xi32, #tpu.memory_space<hbm>> -> memref<80x128xi32, #tpu.memory_space<hbm>>
      %dma_wait3A_33 = arith.constant 0 : i32
      %dma_wait3A_34 = arith.constant 0 : i32
      %dma_wait3A_35 = tpu.memref_slice %arg5[%add3A, %dma_wait3A_33, %dma_wait3A_34] : memref<32x80x128xi32, #tpu.memory_space<hbm>> -> memref<1x80x128xi32, #tpu.memory_space<hbm>>
      %dma_wait3A_36 = tpu.memref_squeeze %dma_wait3A_35 : memref<1x80x128xi32, #tpu.memory_space<hbm>> -> memref<80x128xi32, #tpu.memory_space<hbm>>
      tpu.wait_dma2 semaphore(%run_scoped3A : memref<!tpu.dma_semaphore, #tpu.memory_space<semaphore_mem>>) src(%dma_wait3A_36 : memref<80x128xi32, #tpu.memory_space<hbm>>) dst(%arg8 : memref<80x128xi32, #tpu.memory_space<vmem>>)
      tpu.yield
    }) : () -> ()
    %scan3A = arith.constant 0 : i32
    %scan3A_1 = arith.constant 0 : i32
    %scan3A_2 = arith.constant 128 : i32
    %scan3A_3 = arith.addi %scan3A_1, %scan3A_2 : i32
    %scan3A_4 = arith.constant 1 : i32
    scf.for %scan3A_23 = %scan3A_1 to %scan3A_3 step %scan3A_4  : i32 {
      %broadcast_in_dim3A = arith.constant 0.000000e+00 : f32
      %broadcast_in_dim3A_24 = vector.broadcast %broadcast_in_dim3A : f32 to vector<16xf32>
      %swap3A = arith.index_cast %scan3A_23 : i32 to index
      %swap3A_25 = arith.constant 0 : index
      %swap3A_26 = tpu.vector_load %arg9[%swap3A, %swap3A_25] {strides = array<i32>} : memref<128x64xf32, #tpu.memory_space<vmem>>, vector<1x16xf32>,
      %swap3A_27 = vector.shape_cast %swap3A_26 : vector<1x16xf32> to vector<16xf32>
      %swap3A_28 = vector.shape_cast %broadcast_in_dim3A_24 : vector<16xf32> to vector<1x16xf32>
      tpu.vector_store %arg9[%swap3A, %swap3A_25], %swap3A_28 {strides = array<i32>} : memref<128x64xf32, #tpu.memory_space<vmem>>, vector<1x16xf32>,
      %broadcast_in_dim3A_29 = arith.constant 0.000000e+00 : f32
      %broadcast_in_dim3A_30 = vector.broadcast %broadcast_in_dim3A_29 : f32 to vector<16xf32>
      %swap3A_31 = arith.index_cast %scan3A_23 : i32 to index
      %swap3A_32 = arith.constant 16 : index
      %swap3A_33 = tpu.vector_load %arg9[%swap3A_31, %swap3A_32] {strides = array<i32>} : memref<128x64xf32, #tpu.memory_space<vmem>>, vector<1x16xf32>,
      %swap3A_34 = vector.shape_cast %swap3A_33 : vector<1x16xf32> to vector<16xf32>
      %swap3A_35 = vector.shape_cast %broadcast_in_dim3A_30 : vector<16xf32> to vector<1x16xf32>
      tpu.vector_store %arg9[%swap3A_31, %swap3A_32], %swap3A_35 {strides = array<i32>} : memref<128x64xf32, #tpu.memory_space<vmem>>, vector<1x16xf32>,
      %broadcast_in_dim3A_36 = arith.constant 0.000000e+00 : f32
      %broadcast_in_dim3A_37 = vector.broadcast %broadcast_in_dim3A_36 : f32 to vector<16xf32>
      %swap3A_38 = arith.index_cast %scan3A_23 : i32 to index
      %swap3A_39 = arith.constant 32 : index
      %swap3A_40 = tpu.vector_load %arg9[%swap3A_38, %swap3A_39] {strides = array<i32>} : memref<128x64xf32, #tpu.memory_space<vmem>>, vector<1x16xf32>,
      %swap3A_41 = vector.shape_cast %swap3A_40 : vector<1x16xf32> to vector<16xf32>
      %swap3A_42 = vector.shape_cast %broadcast_in_dim3A_37 : vector<16xf32> to vector<1x16xf32>
      tpu.vector_store %arg9[%swap3A_38, %swap3A_39], %swap3A_42 {strides = array<i32>} : memref<128x64xf32, #tpu.memory_space<vmem>>, vector<1x16xf32>,
      %broadcast_in_dim3A_43 = arith.constant 0.000000e+00 : f32
      %broadcast_in_dim3A_44 = vector.broadcast %broadcast_in_dim3A_43 : f32 to vector<16xf32>
      %swap3A_45 = arith.index_cast %scan3A_23 : i32 to index
      %swap3A_46 = arith.constant 48 : index
      %swap3A_47 = tpu.vector_load %arg9[%swap3A_45, %swap3A_46] {strides = array<i32>} : memref<128x64xf32, #tpu.memory_space<vmem>>, vector<1x16xf32>,
      %swap3A_48 = vector.shape_cast %swap3A_47 : vector<1x16xf32> to vector<16xf32>
      %swap3A_49 = vector.shape_cast %broadcast_in_dim3A_44 : vector<16xf32> to vector<1x16xf32>
      tpu.vector_store %arg9[%swap3A_45, %swap3A_46], %swap3A_49 {strides = array<i32>} : memref<128x64xf32, #tpu.memory_space<vmem>>, vector<1x16xf32>,
    }
    %scan3A_5 = arith.constant 128 : i32
    %scan3A_6 = arith.constant 0 : i32
    %scan3A_7 = arith.constant 0 : i32
    %scan3A_8 = arith.constant 5 : i32
    %scan3A_9 = arith.addi %scan3A_7, %scan3A_8 : i32
    %scan3A_10 = arith.constant 1 : i32
    scf.for %scan3A_23 = %scan3A_7 to %scan3A_9 step %scan3A_10  : i32 {
      %mul3A_24 = arith.constant 640 : i32
      %mul3A_25 = arith.muli %arg1, %mul3A_24 : i32
      %mul3A_26 = arith.constant 128 : i32
      %mul3A_27 = arith.muli %scan3A_23, %mul3A_26 : i32
      %add3A_28 = arith.addi %mul3A_25, %mul3A_27 : i32
      "tpu.region"() ({
        %run_scoped3A = tpu.sem_alloc : memref<!tpu.dma_semaphore, #tpu.memory_space<semaphore_mem>>
        %dma_start3A = arith.constant 0 : i32
        %dma_start3A_29 = tpu.memref_slice %arg11[%add3A_28, %dma_start3A] : memref<10240x64xf32, #tpu.memory_space<vmem_shared>> -> memref<128x64xf32, #tpu.memory_space<vmem_shared>>
        %dma_start3A_30 = arith.constant 0 : i32
        %dma_start3A_31 = tpu.memref_slice %arg11[%add3A_28, %dma_start3A_30] : memref<10240x64xf32, #tpu.memory_space<vmem_shared>> -> memref<128x64xf32, #tpu.memory_space<vmem_shared>>
        tpu.enqueue_dma source(%arg9 : memref<128x64xf32, #tpu.memory_space<vmem>>) target(%dma_start3A_31 : memref<128x64xf32, #tpu.memory_space<vmem_shared>>) target_semaphore(%run_scoped3A : memref<!tpu.dma_semaphore, #tpu.memory_space<semaphore_mem>>)
        %dma_wait3A = arith.constant 0 : i32
        %dma_wait3A_32 = tpu.memref_slice %arg11[%add3A_28, %dma_wait3A] : memref<10240x64xf32, #tpu.memory_space<vmem_shared>> -> memref<128x64xf32, #tpu.memory_space<vmem_shared>>
        %dma_wait3A_33 = arith.constant 0 : i32
        %dma_wait3A_34 = tpu.memref_slice %arg11[%add3A_28, %dma_wait3A_33] : memref<10240x64xf32, #tpu.memory_space<vmem_shared>> -> memref<128x64xf32, #tpu.memory_space<vmem_shared>>
        tpu.wait_dma2 semaphore(%run_scoped3A : memref<!tpu.dma_semaphore, #tpu.memory_space<semaphore_mem>>) src(%arg9 : memref<128x64xf32, #tpu.memory_space<vmem>>) dst(%dma_wait3A_34 : memref<128x64xf32, #tpu.memory_space<vmem_shared>>)
        tpu.yield
      }) : () -> ()
    }
    %scan3A_11 = arith.constant 5 : i32
    %barrier3A = arith.constant 0 : index
    tpu.barrier barrier_id(%barrier3A)
    %scan3A_12 = arith.constant 0 : i32
    %scan3A_13 = arith.constant 0 : i32
    %scan3A_14 = arith.constant 80 : i32
    %scan3A_15 = arith.addi %scan3A_13, %scan3A_14 : i32
    %scan3A_16 = arith.constant 1 : i32
    scf.for %scan3A_23 = %scan3A_13 to %scan3A_15 step %scan3A_16  : i32 {
      %dma_start3A = arith.constant 0 : i32
      %dma_start3A_24 = tpu.memref_slice %arg7[%scan3A_23, %dma_start3A] : memref<80x128xi32, #tpu.memory_space<vmem>> -> memref<1x128xi32, #tpu.memory_space<vmem>>
      %dma_start3A_25 = tpu.memref_squeeze %dma_start3A_24 : memref<1x128xi32, #tpu.memory_space<vmem>> -> memref<128xi32, #tpu.memory_space<vmem>>
      %dma_start3A_26 = arith.constant 0 : i32
      %dma_start3A_27 = arith.constant 0 : i32
      %dma_start3A_28 = tpu.memref_slice %arg2[%dma_start3A_26, %dma_start3A_27] : memref<10000x64xf32, #tpu.memory_space<hbm>> -> memref<10000x64xf32, #tpu.memory_space<hbm>>
      tpu.enqueue_indirect_dma source(%dma_start3A_28 : memref<10000x64xf32, #tpu.memory_space<hbm>>) target(%arg9 : memref<128x64xf32, #tpu.memory_space<vmem>>) offsets(%dma_start3A_25 : memref<128xi32, #tpu.memory_space<vmem>>) semaphore(%arg12 : memref<!tpu.dma_semaphore, #tpu.memory_space<semaphore_mem>>)
      %mul3A_29 = arith.constant 80 : i32
      %mul3A_30 = arith.muli %add3A, %mul3A_29 : i32
      %add3A_31 = arith.addi %mul3A_30, %scan3A_23 : i32
      %mul3A_32 = arith.constant 16 : i32
      %mul3A_33 = arith.muli %add3A_31, %mul3A_32 : i32
      %dma_start3A_34 = arith.constant 0 : i32
      %dma_start3A_35 = arith.constant 0 : i32
      %dma_start3A_36 = tpu.memref_slice %arg3[%dma_start3A_34, %mul3A_33, %dma_start3A_35] : memref<4x40960x128xf32, #tpu.memory_space<hbm>> -> memref<4x16x128xf32, #tpu.memory_space<hbm>>
      %dma_start3A_37 = arith.constant 0 : i32
      %dma_start3A_38 = arith.constant 0 : i32
      %dma_start3A_39 = tpu.memref_slice %arg3[%dma_start3A_37, %mul3A_33, %dma_start3A_38] : memref<4x40960x128xf32, #tpu.memory_space<hbm>> -> memref<4x16x128xf32, #tpu.memory_space<hbm>>
      tpu.enqueue_dma source(%dma_start3A_39 : memref<4x16x128xf32, #tpu.memory_space<hbm>>) target(%arg10 : memref<4x16x128xf32, #tpu.memory_space<vmem>>) target_semaphore(%arg13 : memref<!tpu.dma_semaphore, #tpu.memory_space<semaphore_mem>>)
      %dma_wait3A = arith.constant 0 : i32
      %dma_wait3A_40 = tpu.memref_slice %arg7[%scan3A_23, %dma_wait3A] : memref<80x128xi32, #tpu.memory_space<vmem>> -> memref<1x128xi32, #tpu.memory_space<vmem>>
      %dma_wait3A_41 = tpu.memref_squeeze %dma_wait3A_40 : memref<1x128xi32, #tpu.memory_space<vmem>> -> memref<128xi32, #tpu.memory_space<vmem>>
      %dma_wait3A_42 = arith.constant 0 : i32
      %dma_wait3A_43 = arith.constant 0 : i32
      %dma_wait3A_44 = tpu.memref_slice %arg2[%dma_wait3A_42, %dma_wait3A_43] : memref<10000x64xf32, #tpu.memory_space<hbm>> -> memref<10000x64xf32, #tpu.memory_space<hbm>>
      tpu.wait_indirect_dma semaphore(%arg12 : memref<!tpu.dma_semaphore, #tpu.memory_space<semaphore_mem>>) src(%dma_wait3A_44 : memref<10000x64xf32, #tpu.memory_space<hbm>>) dst(%arg9 : memref<128x64xf32, #tpu.memory_space<vmem>>)
      %dma_wait3A_45 = arith.constant 0 : i32
      %dma_wait3A_46 = arith.constant 0 : i32
      %dma_wait3A_47 = tpu.memref_slice %arg3[%dma_wait3A_45, %mul3A_33, %dma_wait3A_46] : memref<4x40960x128xf32, #tpu.memory_space<hbm>> -> memref<4x16x128xf32, #tpu.memory_space<hbm>>
      %dma_wait3A_48 = arith.constant 0 : i32
      %dma_wait3A_49 = arith.constant 0 : i32
      %dma_wait3A_50 = tpu.memref_slice %arg3[%dma_wait3A_48, %mul3A_33, %dma_wait3A_49] : memref<4x40960x128xf32, #tpu.memory_space<hbm>> -> memref<4x16x128xf32, #tpu.memory_space<hbm>>
      tpu.wait_dma2 semaphore(%arg13 : memref<!tpu.dma_semaphore, #tpu.memory_space<semaphore_mem>>) src(%dma_wait3A_50 : memref<4x16x128xf32, #tpu.memory_space<hbm>>) dst(%arg10 : memref<4x16x128xf32, #tpu.memory_space<vmem>>)
      %scan3A_51 = arith.constant 0 : i32
      %scan3A_52 = arith.constant 0 : i32
      %scan3A_53 = arith.constant 16 : i32
      %scan3A_54 = arith.addi %scan3A_52, %scan3A_53 : i32
      %scan3A_55 = arith.constant 1 : i32
      scf.for %scan3A_57 = %scan3A_52 to %scan3A_54 step %scan3A_55  : i32 {
        %mul3A_58 = arith.constant 8 : i32
        %mul3A_59 = arith.muli %mul3A_58, %scan3A_57 : i32
        %add3A_60 = arith.constant 0 : i32
        %add3A_61 = arith.addi %mul3A_59, %add3A_60 : i32
        %get3A = arith.index_cast %add3A_61 : i32 to index
        %get3A_62 = arith.constant 0 : index
        %get3A_63 = tpu.vector_load %arg9[%get3A, %get3A_62] {strides = array<i32>} : memref<128x64xf32, #tpu.memory_space<vmem>>, vector<1x16xf32>,
        %get3A_64 = vector.shape_cast %get3A_63 : vector<1x16xf32> to vector<16xf32>
        %get3A_65 = arith.constant 0 : i32
        %get3A_66 = arith.index_cast %get3A_65 : i32 to index
        %get3A_67 = arith.index_cast %scan3A_57 : i32 to index
        %get3A_68 = arith.constant 0 : index
        %get3A_69 = tpu.vector_load %arg10[%get3A_66, %get3A_67, %get3A_68] {strides = array<i32>} : memref<4x16x128xf32, #tpu.memory_space<vmem>>, vector<1x1x16xf32>,
        %get3A_70 = vector.shape_cast %get3A_69 : vector<1x1x16xf32> to vector<16xf32>
        %add3A_71 = arith.addf %get3A_64, %get3A_70 : vector<16xf32>
        %max3A = arith.constant 0.000000e+00 : f32
        %max3A_72 = vector.broadcast %max3A : f32 to vector<16xf32>
        %max3A_73 = arith.maximumf %add3A_71, %max3A_72 : vector<16xf32>
        %swap3A = arith.index_cast %add3A_61 : i32 to index
        %swap3A_74 = arith.constant 0 : index
        %swap3A_75 = tpu.vector_load %arg9[%swap3A, %swap3A_74] {strides = array<i32>} : memref<128x64xf32, #tpu.memory_space<vmem>>, vector<1x16xf32>,
        %swap3A_76 = vector.shape_cast %swap3A_75 : vector<1x16xf32> to vector<16xf32>
        %swap3A_77 = vector.shape_cast %max3A_73 : vector<16xf32> to vector<1x16xf32>
        tpu.vector_store %arg9[%swap3A, %swap3A_74], %swap3A_77 {strides = array<i32>} : memref<128x64xf32, #tpu.memory_space<vmem>>, vector<1x16xf32>,
        %get3A_78 = arith.index_cast %add3A_61 : i32 to index
        %get3A_79 = arith.constant 16 : index
        %get3A_80 = tpu.vector_load %arg9[%get3A_78, %get3A_79] {strides = array<i32>} : memref<128x64xf32, #tpu.memory_space<vmem>>, vector<1x16xf32>,
        %get3A_81 = vector.shape_cast %get3A_80 : vector<1x16xf32> to vector<16xf32>
        %get3A_82 = arith.constant 0 : i32
        %get3A_83 = arith.index_cast %get3A_82 : i32 to index
        %get3A_84 = arith.index_cast %scan3A_57 : i32 to index
        %get3A_85 = arith.constant 16 : index
        %get3A_86 = tpu.vector_load %arg10[%get3A_83, %get3A_84, %get3A_85] {strides = array<i32>} : memref<4x16x128xf32, #tpu.memory_space<vmem>>, vector<1x1x16xf32>,
        %get3A_87 = vector.shape_cast %get3A_86 : vector<1x1x16xf32> to vector<16xf32>
        %add3A_88 = arith.addf %get3A_81, %get3A_87 : vector<16xf32>
        %max3A_89 = arith.constant 0.000000e+00 : f32
        %max3A_90 = vector.broadcast %max3A_89 : f32 to vector<16xf32>
        %max3A_91 = arith.maximumf %add3A_88, %max3A_90 : vector<16xf32>
        %swap3A_92 = arith.index_cast %add3A_61 : i32 to index
        %swap3A_93 = arith.constant 16 : index
        %swap3A_94 = tpu.vector_load %arg9[%swap3A_92, %swap3A_93] {strides = array<i32>} : memref<128x64xf32, #tpu.memory_space<vmem>>, vector<1x16xf32>,
        %swap3A_95 = vector.shape_cast %swap3A_94 : vector<1x16xf32> to vector<16xf32>
        %swap3A_96 = vector.shape_cast %max3A_91 : vector<16xf32> to vector<1x16xf32>
        tpu.vector_store %arg9[%swap3A_92, %swap3A_93], %swap3A_96 {strides = array<i32>} : memref<128x64xf32, #tpu.memory_space<vmem>>, vector<1x16xf32>,
        %get3A_97 = arith.index_cast %add3A_61 : i32 to index
        %get3A_98 = arith.constant 32 : index
        %get3A_99 = tpu.vector_load %arg9[%get3A_97, %get3A_98] {strides = array<i32>} : memref<128x64xf32, #tpu.memory_space<vmem>>, vector<1x16xf32>,
        %get3A_100 = vector.shape_cast %get3A_99 : vector<1x16xf32> to vector<16xf32>
        %get3A_101 = arith.constant 0 : i32
        %get3A_102 = arith.index_cast %get3A_101 : i32 to index
        %get3A_103 = arith.index_cast %scan3A_57 : i32 to index
        %get3A_104 = arith.constant 32 : index
        %get3A_105 = tpu.vector_load %arg10[%get3A_102, %get3A_103, %get3A_104] {strides = array<i32>} : memref<4x16x128xf32, #tpu.memory_space<vmem>>, vector<1x1x16xf32>,
        %get3A_106 = vector.shape_cast %get3A_105 : vector<1x1x16xf32> to vector<16xf32>
        %add3A_107 = arith.addf %get3A_100, %get3A_106 : vector<16xf32>
        %max3A_108 = arith.constant 0.000000e+00 : f32
        %max3A_109 = vector.broadcast %max3A_108 : f32 to vector<16xf32>
        %max3A_110 = arith.maximumf %add3A_107, %max3A_109 : vector<16xf32>
        %swap3A_111 = arith.index_cast %add3A_61 : i32 to index
        %swap3A_112 = arith.constant 32 : index
        %swap3A_113 = tpu.vector_load %arg9[%swap3A_111, %swap3A_112] {strides = array<i32>} : memref<128x64xf32, #tpu.memory_space<vmem>>, vector<1x16xf32>,
        %swap3A_114 = vector.shape_cast %swap3A_113 : vector<1x16xf32> to vector<16xf32>
        %swap3A_115 = vector.shape_cast %max3A_110 : vector<16xf32> to vector<1x16xf32>
        tpu.vector_store %arg9[%swap3A_111, %swap3A_112], %swap3A_115 {strides = array<i32>} : memref<128x64xf32, #tpu.memory_space<vmem>>, vector<1x16xf32>,
        %get3A_116 = arith.index_cast %add3A_61 : i32 to index
        %get3A_117 = arith.constant 48 : index
        %get3A_118 = tpu.vector_load %arg9[%get3A_116, %get3A_117] {strides = array<i32>} : memref<128x64xf32, #tpu.memory_space<vmem>>, vector<1x16xf32>,
        %get3A_119 = vector.shape_cast %get3A_118 : vector<1x16xf32> to vector<16xf32>
        %get3A_120 = arith.constant 0 : i32
        %get3A_121 = arith.index_cast %get3A_120 : i32 to index
        %get3A_122 = arith.index_cast %scan3A_57 : i32 to index
        %get3A_123 = arith.constant 48 : index
        %get3A_124 = tpu.vector_load %arg10[%get3A_121, %get3A_122, %get3A_123] {strides = array<i32>} : memref<4x16x128xf32, #tpu.memory_space<vmem>>, vector<1x1x16xf32>,
        %get3A_125 = vector.shape_cast %get3A_124 : vector<1x1x16xf32> to vector<16xf32>
        %add3A_126 = arith.addf %get3A_119, %get3A_125 : vector<16xf32>
        %max3A_127 = arith.constant 0.000000e+00 : f32
        %max3A_128 = vector.broadcast %max3A_127 : f32 to vector<16xf32>
        %max3A_129 = arith.maximumf %add3A_126, %max3A_128 : vector<16xf32>
        %swap3A_130 = arith.index_cast %add3A_61 : i32 to index
        %swap3A_131 = arith.constant 48 : index
        %swap3A_132 = tpu.vector_load %arg9[%swap3A_130, %swap3A_131] {strides = array<i32>} : memref<128x64xf32, #tpu.memory_space<vmem>>, vector<1x16xf32>,
        %swap3A_133 = vector.shape_cast %swap3A_132 : vector<1x16xf32> to vector<16xf32>
        %swap3A_134 = vector.shape_cast %max3A_129 : vector<16xf32> to vector<1x16xf32>
        tpu.vector_store %arg9[%swap3A_130, %swap3A_131], %swap3A_134 {strides = array<i32>} : memref<128x64xf32, #tpu.memory_space<vmem>>, vector<1x16xf32>,
        %mul3A_135 = arith.constant 8 : i32
        %mul3A_136 = arith.muli %mul3A_135, %scan3A_57 : i32
        %add3A_137 = arith.constant 1 : i32
        %add3A_138 = arith.addi %mul3A_136, %add3A_137 : i32
        %get3A_139 = arith.index_cast %add3A_138 : i32 to index
        %get3A_140 = arith.constant 0 : index
        %get3A_141 = tpu.vector_load %arg9[%get3A_139, %get3A_140] {strides = array<i32>} : memref<128x64xf32, #tpu.memory_space<vmem>>, vector<1x16xf32>,
        %get3A_142 = vector.shape_cast %get3A_141 : vector<1x16xf32> to vector<16xf32>
        %get3A_143 = arith.constant 0 : i32
        %get3A_144 = arith.index_cast %get3A_143 : i32 to index
        %get3A_145 = arith.index_cast %scan3A_57 : i32 to index
        %get3A_146 = arith.constant 64 : index
        %get3A_147 = tpu.vector_load %arg10[%get3A_144, %get3A_145, %get3A_146] {strides = array<i32>} : memref<4x16x128xf32, #tpu.memory_space<vmem>>, vector<1x1x16xf32>,
        %get3A_148 = vector.shape_cast %get3A_147 : vector<1x1x16xf32> to vector<16xf32>
        %add3A_149 = arith.addf %get3A_142, %get3A_148 : vector<16xf32>
        %max3A_150 = arith.constant 0.000000e+00 : f32
        %max3A_151 = vector.broadcast %max3A_150 : f32 to vector<16xf32>
        %max3A_152 = arith.maximumf %add3A_149, %max3A_151 : vector<16xf32>
        %swap3A_153 = arith.index_cast %add3A_138 : i32 to index
        %swap3A_154 = arith.constant 0 : index
        %swap3A_155 = tpu.vector_load %arg9[%swap3A_153, %swap3A_154] {strides = array<i32>} : memref<128x64xf32, #tpu.memory_space<vmem>>, vector<1x16xf32>,
        %swap3A_156 = vector.shape_cast %swap3A_155 : vector<1x16xf32> to vector<16xf32>
        %swap3A_157 = vector.shape_cast %max3A_152 : vector<16xf32> to vector<1x16xf32>
        tpu.vector_store %arg9[%swap3A_153, %swap3A_154], %swap3A_157 {strides = array<i32>} : memref<128x64xf32, #tpu.memory_space<vmem>>, vector<1x16xf32>,
        %get3A_158 = arith.index_cast %add3A_138 : i32 to index
        %get3A_159 = arith.constant 16 : index
        %get3A_160 = tpu.vector_load %arg9[%get3A_158, %get3A_159] {strides = array<i32>} : memref<128x64xf32, #tpu.memory_space<vmem>>, vector<1x16xf32>,
        %get3A_161 = vector.shape_cast %get3A_160 : vector<1x16xf32> to vector<16xf32>
        %get3A_162 = arith.constant 0 : i32
        %get3A_163 = arith.index_cast %get3A_162 : i32 to index
        %get3A_164 = arith.index_cast %scan3A_57 : i32 to index
        %get3A_165 = arith.constant 80 : index
        %get3A_166 = tpu.vector_load %arg10[%get3A_163, %get3A_164, %get3A_165] {strides = array<i32>} : memref<4x16x128xf32, #tpu.memory_space<vmem>>, vector<1x1x16xf32>,
        %get3A_167 = vector.shape_cast %get3A_166 : vector<1x1x16xf32> to vector<16xf32>
        %add3A_168 = arith.addf %get3A_161, %get3A_167 : vector<16xf32>
        %max3A_169 = arith.constant 0.000000e+00 : f32
        %max3A_170 = vector.broadcast %max3A_169 : f32 to vector<16xf32>
        %max3A_171 = arith.maximumf %add3A_168, %max3A_170 : vector<16xf32>
        %swap3A_172 = arith.index_cast %add3A_138 : i32 to index
        %swap3A_173 = arith.constant 16 : index
        %swap3A_174 = tpu.vector_load %arg9[%swap3A_172, %swap3A_173] {strides = array<i32>} : memref<128x64xf32, #tpu.memory_space<vmem>>, vector<1x16xf32>,
        %swap3A_175 = vector.shape_cast %swap3A_174 : vector<1x16xf32> to vector<16xf32>
        %swap3A_176 = vector.shape_cast %max3A_171 : vector<16xf32> to vector<1x16xf32>
        tpu.vector_store %arg9[%swap3A_172, %swap3A_173], %swap3A_176 {strides = array<i32>} : memref<128x64xf32, #tpu.memory_space<vmem>>, vector<1x16xf32>,
        %get3A_177 = arith.index_cast %add3A_138 : i32 to index
        %get3A_178 = arith.constant 32 : index
        %get3A_179 = tpu.vector_load %arg9[%get3A_177, %get3A_178] {strides = array<i32>} : memref<128x64xf32, #tpu.memory_space<vmem>>, vector<1x16xf32>,
        %get3A_180 = vector.shape_cast %get3A_179 : vector<1x16xf32> to vector<16xf32>
        %get3A_181 = arith.constant 0 : i32
        %get3A_182 = arith.index_cast %get3A_181 : i32 to index
        %get3A_183 = arith.index_cast %scan3A_57 : i32 to index
        %get3A_184 = arith.constant 96 : index
        %get3A_185 = tpu.vector_load %arg10[%get3A_182, %get3A_183, %get3A_184] {strides = array<i32>} : memref<4x16x128xf32, #tpu.memory_space<vmem>>, vector<1x1x16xf32>,
        %get3A_186 = vector.shape_cast %get3A_185 : vector<1x1x16xf32> to vector<16xf32>
        %add3A_187 = arith.addf %get3A_180, %get3A_186 : vector<16xf32>
        %max3A_188 = arith.constant 0.000000e+00 : f32
        %max3A_189 = vector.broadcast %max3A_188 : f32 to vector<16xf32>
        %max3A_190 = arith.maximumf %add3A_187, %max3A_189 : vector<16xf32>
        %swap3A_191 = arith.index_cast %add3A_138 : i32 to index
        %swap3A_192 = arith.constant 32 : index
        %swap3A_193 = tpu.vector_load %arg9[%swap3A_191, %swap3A_192] {strides = array<i32>} : memref<128x64xf32, #tpu.memory_space<vmem>>, vector<1x16xf32>,
        %swap3A_194 = vector.shape_cast %swap3A_193 : vector<1x16xf32> to vector<16xf32>
        %swap3A_195 = vector.shape_cast %max3A_190 : vector<16xf32> to vector<1x16xf32>
        tpu.vector_store %arg9[%swap3A_191, %swap3A_192], %swap3A_195 {strides = array<i32>} : memref<128x64xf32, #tpu.memory_space<vmem>>, vector<1x16xf32>,
        %get3A_196 = arith.index_cast %add3A_138 : i32 to index
        %get3A_197 = arith.constant 48 : index
        %get3A_198 = tpu.vector_load %arg9[%get3A_196, %get3A_197] {strides = array<i32>} : memref<128x64xf32, #tpu.memory_space<vmem>>, vector<1x16xf32>,
        %get3A_199 = vector.shape_cast %get3A_198 : vector<1x16xf32> to vector<16xf32>
        %get3A_200 = arith.constant 0 : i32
        %get3A_201 = arith.index_cast %get3A_200 : i32 to index
        %get3A_202 = arith.index_cast %scan3A_57 : i32 to index
        %get3A_203 = arith.constant 112 : index
        %get3A_204 = tpu.vector_load %arg10[%get3A_201, %get3A_202, %get3A_203] {strides = array<i32>} : memref<4x16x128xf32, #tpu.memory_space<vmem>>, vector<1x1x16xf32>,
        %get3A_205 = vector.shape_cast %get3A_204 : vector<1x1x16xf32> to vector<16xf32>
        %add3A_206 = arith.addf %get3A_199, %get3A_205 : vector<16xf32>
        %max3A_207 = arith.constant 0.000000e+00 : f32
        %max3A_208 = vector.broadcast %max3A_207 : f32 to vector<16xf32>
        %max3A_209 = arith.maximumf %add3A_206, %max3A_208 : vector<16xf32>
        %swap3A_210 = arith.index_cast %add3A_138 : i32 to index
        %swap3A_211 = arith.constant 48 : index
        %swap3A_212 = tpu.vector_load %arg9[%swap3A_210, %swap3A_211] {strides = array<i32>} : memref<128x64xf32, #tpu.memory_space<vmem>>, vector<1x16xf32>,
        %swap3A_213 = vector.shape_cast %swap3A_212 : vector<1x16xf32> to vector<16xf32>
        %swap3A_214 = vector.shape_cast %max3A_209 : vector<16xf32> to vector<1x16xf32>
        tpu.vector_store %arg9[%swap3A_210, %swap3A_211], %swap3A_214 {strides = array<i32>} : memref<128x64xf32, #tpu.memory_space<vmem>>, vector<1x16xf32>,
        %mul3A_215 = arith.constant 8 : i32
        %mul3A_216 = arith.muli %mul3A_215, %scan3A_57 : i32
        %add3A_217 = arith.constant 2 : i32
        %add3A_218 = arith.addi %mul3A_216, %add3A_217 : i32
        %get3A_219 = arith.index_cast %add3A_218 : i32 to index
        %get3A_220 = arith.constant 0 : index
        %get3A_221 = tpu.vector_load %arg9[%get3A_219, %get3A_220] {strides = array<i32>} : memref<128x64xf32, #tpu.memory_space<vmem>>, vector<1x16xf32>,
        %get3A_222 = vector.shape_cast %get3A_221 : vector<1x16xf32> to vector<16xf32>
        %get3A_223 = arith.constant 1 : i32
        %get3A_224 = arith.index_cast %get3A_223 : i32 to index
        %get3A_225 = arith.index_cast %scan3A_57 : i32 to index
        %get3A_226 = arith.constant 0 : index
        %get3A_227 = tpu.vector_load %arg10[%get3A_224, %get3A_225, %get3A_226] {strides = array<i32>} : memref<4x16x128xf32, #tpu.memory_space<vmem>>, vector<1x1x16xf32>,
        %get3A_228 = vector.shape_cast %get3A_227 : vector<1x1x16xf32> to vector<16xf32>
        %add3A_229 = arith.addf %get3A_222, %get3A_228 : vector<16xf32>
        %max3A_230 = arith.constant 0.000000e+00 : f32
        %max3A_231 = vector.broadcast %max3A_230 : f32 to vector<16xf32>
        %max3A_232 = arith.maximumf %add3A_229, %max3A_231 : vector<16xf32>
        %swap3A_233 = arith.index_cast %add3A_218 : i32 to index
        %swap3A_234 = arith.constant 0 : index
        %swap3A_235 = tpu.vector_load %arg9[%swap3A_233, %swap3A_234] {strides = array<i32>} : memref<128x64xf32, #tpu.memory_space<vmem>>, vector<1x16xf32>,
        %swap3A_236 = vector.shape_cast %swap3A_235 : vector<1x16xf32> to vector<16xf32>
        %swap3A_237 = vector.shape_cast %max3A_232 : vector<16xf32> to vector<1x16xf32>
        tpu.vector_store %arg9[%swap3A_233, %swap3A_234], %swap3A_237 {strides = array<i32>} : memref<128x64xf32, #tpu.memory_space<vmem>>, vector<1x16xf32>,
        %get3A_238 = arith.index_cast %add3A_218 : i32 to index
        %get3A_239 = arith.constant 16 : index
        %get3A_240 = tpu.vector_load %arg9[%get3A_238, %get3A_239] {strides = array<i32>} : memref<128x64xf32, #tpu.memory_space<vmem>>, vector<1x16xf32>,
        %get3A_241 = vector.shape_cast %get3A_240 : vector<1x16xf32> to vector<16xf32>
        %get3A_242 = arith.constant 1 : i32
        %get3A_243 = arith.index_cast %get3A_242 : i32 to index
        %get3A_244 = arith.index_cast %scan3A_57 : i32 to index
        %get3A_245 = arith.constant 16 : index
        %get3A_246 = tpu.vector_load %arg10[%get3A_243, %get3A_244, %get3A_245] {strides = array<i32>} : memref<4x16x128xf32, #tpu.memory_space<vmem>>, vector<1x1x16xf32>,
        %get3A_247 = vector.shape_cast %get3A_246 : vector<1x1x16xf32> to vector<16xf32>
        %add3A_248 = arith.addf %get3A_241, %get3A_247 : vector<16xf32>
        %max3A_249 = arith.constant 0.000000e+00 : f32
        %max3A_250 = vector.broadcast %max3A_249 : f32 to vector<16xf32>
        %max3A_251 = arith.maximumf %add3A_248, %max3A_250 : vector<16xf32>
        %swap3A_252 = arith.index_cast %add3A_218 : i32 to index
        %swap3A_253 = arith.constant 16 : index
        %swap3A_254 = tpu.vector_load %arg9[%swap3A_252, %swap3A_253] {strides = array<i32>} : memref<128x64xf32, #tpu.memory_space<vmem>>, vector<1x16xf32>,
        %swap3A_255 = vector.shape_cast %swap3A_254 : vector<1x16xf32> to vector<16xf32>
        %swap3A_256 = vector.shape_cast %max3A_251 : vector<16xf32> to vector<1x16xf32>
        tpu.vector_store %arg9[%swap3A_252, %swap3A_253], %swap3A_256 {strides = array<i32>} : memref<128x64xf32, #tpu.memory_space<vmem>>, vector<1x16xf32>,
        %get3A_257 = arith.index_cast %add3A_218 : i32 to index
        %get3A_258 = arith.constant 32 : index
        %get3A_259 = tpu.vector_load %arg9[%get3A_257, %get3A_258] {strides = array<i32>} : memref<128x64xf32, #tpu.memory_space<vmem>>, vector<1x16xf32>,
        %get3A_260 = vector.shape_cast %get3A_259 : vector<1x16xf32> to vector<16xf32>
        %get3A_261 = arith.constant 1 : i32
        %get3A_262 = arith.index_cast %get3A_261 : i32 to index
        %get3A_263 = arith.index_cast %scan3A_57 : i32 to index
        %get3A_264 = arith.constant 32 : index
        %get3A_265 = tpu.vector_load %arg10[%get3A_262, %get3A_263, %get3A_264] {strides = array<i32>} : memref<4x16x128xf32, #tpu.memory_space<vmem>>, vector<1x1x16xf32>,
        %get3A_266 = vector.shape_cast %get3A_265 : vector<1x1x16xf32> to vector<16xf32>
        %add3A_267 = arith.addf %get3A_260, %get3A_266 : vector<16xf32>
        %max3A_268 = arith.constant 0.000000e+00 : f32
        %max3A_269 = vector.broadcast %max3A_268 : f32 to vector<16xf32>
        %max3A_270 = arith.maximumf %add3A_267, %max3A_269 : vector<16xf32>
        %swap3A_271 = arith.index_cast %add3A_218 : i32 to index
        %swap3A_272 = arith.constant 32 : index
        %swap3A_273 = tpu.vector_load %arg9[%swap3A_271, %swap3A_272] {strides = array<i32>} : memref<128x64xf32, #tpu.memory_space<vmem>>, vector<1x16xf32>,
        %swap3A_274 = vector.shape_cast %swap3A_273 : vector<1x16xf32> to vector<16xf32>
        %swap3A_275 = vector.shape_cast %max3A_270 : vector<16xf32> to vector<1x16xf32>
        tpu.vector_store %arg9[%swap3A_271, %swap3A_272], %swap3A_275 {strides = array<i32>} : memref<128x64xf32, #tpu.memory_space<vmem>>, vector<1x16xf32>,
        %get3A_276 = arith.index_cast %add3A_218 : i32 to index
        %get3A_277 = arith.constant 48 : index
        %get3A_278 = tpu.vector_load %arg9[%get3A_276, %get3A_277] {strides = array<i32>} : memref<128x64xf32, #tpu.memory_space<vmem>>, vector<1x16xf32>,
        %get3A_279 = vector.shape_cast %get3A_278 : vector<1x16xf32> to vector<16xf32>
        %get3A_280 = arith.constant 1 : i32
        %get3A_281 = arith.index_cast %get3A_280 : i32 to index
        %get3A_282 = arith.index_cast %scan3A_57 : i32 to index
        %get3A_283 = arith.constant 48 : index
        %get3A_284 = tpu.vector_load %arg10[%get3A_281, %get3A_282, %get3A_283] {strides = array<i32>} : memref<4x16x128xf32, #tpu.memory_space<vmem>>, vector<1x1x16xf32>,
        %get3A_285 = vector.shape_cast %get3A_284 : vector<1x1x16xf32> to vector<16xf32>
        %add3A_286 = arith.addf %get3A_279, %get3A_285 : vector<16xf32>
        %max3A_287 = arith.constant 0.000000e+00 : f32
        %max3A_288 = vector.broadcast %max3A_287 : f32 to vector<16xf32>
        %max3A_289 = arith.maximumf %add3A_286, %max3A_288 : vector<16xf32>
        %swap3A_290 = arith.index_cast %add3A_218 : i32 to index
        %swap3A_291 = arith.constant 48 : index
        %swap3A_292 = tpu.vector_load %arg9[%swap3A_290, %swap3A_291] {strides = array<i32>} : memref<128x64xf32, #tpu.memory_space<vmem>>, vector<1x16xf32>,
        %swap3A_293 = vector.shape_cast %swap3A_292 : vector<1x16xf32> to vector<16xf32>
        %swap3A_294 = vector.shape_cast %max3A_289 : vector<16xf32> to vector<1x16xf32>
        tpu.vector_store %arg9[%swap3A_290, %swap3A_291], %swap3A_294 {strides = array<i32>} : memref<128x64xf32, #tpu.memory_space<vmem>>, vector<1x16xf32>,
        %mul3A_295 = arith.constant 8 : i32
        %mul3A_296 = arith.muli %mul3A_295, %scan3A_57 : i32
        %add3A_297 = arith.constant 3 : i32
        %add3A_298 = arith.addi %mul3A_296, %add3A_297 : i32
        %get3A_299 = arith.index_cast %add3A_298 : i32 to index
        %get3A_300 = arith.constant 0 : index
        %get3A_301 = tpu.vector_load %arg9[%get3A_299, %get3A_300] {strides = array<i32>} : memref<128x64xf32, #tpu.memory_space<vmem>>, vector<1x16xf32>,
        %get3A_302 = vector.shape_cast %get3A_301 : vector<1x16xf32> to vector<16xf32>
        %get3A_303 = arith.constant 1 : i32
        %get3A_304 = arith.index_cast %get3A_303 : i32 to index
        %get3A_305 = arith.index_cast %scan3A_57 : i32 to index
        %get3A_306 = arith.constant 64 : index
        %get3A_307 = tpu.vector_load %arg10[%get3A_304, %get3A_305, %get3A_306] {strides = array<i32>} : memref<4x16x128xf32, #tpu.memory_space<vmem>>, vector<1x1x16xf32>,
        %get3A_308 = vector.shape_cast %get3A_307 : vector<1x1x16xf32> to vector<16xf32>
        %add3A_309 = arith.addf %get3A_302, %get3A_308 : vector<16xf32>
        %max3A_310 = arith.constant 0.000000e+00 : f32
        %max3A_311 = vector.broadcast %max3A_310 : f32 to vector<16xf32>
        %max3A_312 = arith.maximumf %add3A_309, %max3A_311 : vector<16xf32>
        %swap3A_313 = arith.index_cast %add3A_298 : i32 to index
        %swap3A_314 = arith.constant 0 : index
        %swap3A_315 = tpu.vector_load %arg9[%swap3A_313, %swap3A_314] {strides = array<i32>} : memref<128x64xf32, #tpu.memory_space<vmem>>, vector<1x16xf32>,
        %swap3A_316 = vector.shape_cast %swap3A_315 : vector<1x16xf32> to vector<16xf32>
        %swap3A_317 = vector.shape_cast %max3A_312 : vector<16xf32> to vector<1x16xf32>
        tpu.vector_store %arg9[%swap3A_313, %swap3A_314], %swap3A_317 {strides = array<i32>} : memref<128x64xf32, #tpu.memory_space<vmem>>, vector<1x16xf32>,
        %get3A_318 = arith.index_cast %add3A_298 : i32 to index
        %get3A_319 = arith.constant 16 : index
        %get3A_320 = tpu.vector_load %arg9[%get3A_318, %get3A_319] {strides = array<i32>} : memref<128x64xf32, #tpu.memory_space<vmem>>, vector<1x16xf32>,
        %get3A_321 = vector.shape_cast %get3A_320 : vector<1x16xf32> to vector<16xf32>
        %get3A_322 = arith.constant 1 : i32
        %get3A_323 = arith.index_cast %get3A_322 : i32 to index
        %get3A_324 = arith.index_cast %scan3A_57 : i32 to index
        %get3A_325 = arith.constant 80 : index
        %get3A_326 = tpu.vector_load %arg10[%get3A_323, %get3A_324, %get3A_325] {strides = array<i32>} : memref<4x16x128xf32, #tpu.memory_space<vmem>>, vector<1x1x16xf32>,
        %get3A_327 = vector.shape_cast %get3A_326 : vector<1x1x16xf32> to vector<16xf32>
        %add3A_328 = arith.addf %get3A_321, %get3A_327 : vector<16xf32>
        %max3A_329 = arith.constant 0.000000e+00 : f32
        %max3A_330 = vector.broadcast %max3A_329 : f32 to vector<16xf32>
        %max3A_331 = arith.maximumf %add3A_328, %max3A_330 : vector<16xf32>
        %swap3A_332 = arith.index_cast %add3A_298 : i32 to index
        %swap3A_333 = arith.constant 16 : index
        %swap3A_334 = tpu.vector_load %arg9[%swap3A_332, %swap3A_333] {strides = array<i32>} : memref<128x64xf32, #tpu.memory_space<vmem>>, vector<1x16xf32>,
        %swap3A_335 = vector.shape_cast %swap3A_334 : vector<1x16xf32> to vector<16xf32>
        %swap3A_336 = vector.shape_cast %max3A_331 : vector<16xf32> to vector<1x16xf32>
        tpu.vector_store %arg9[%swap3A_332, %swap3A_333], %swap3A_336 {strides = array<i32>} : memref<128x64xf32, #tpu.memory_space<vmem>>, vector<1x16xf32>,
        %get3A_337 = arith.index_cast %add3A_298 : i32 to index
        %get3A_338 = arith.constant 32 : index
        %get3A_339 = tpu.vector_load %arg9[%get3A_337, %get3A_338] {strides = array<i32>} : memref<128x64xf32, #tpu.memory_space<vmem>>, vector<1x16xf32>,
        %get3A_340 = vector.shape_cast %get3A_339 : vector<1x16xf32> to vector<16xf32>
        %get3A_341 = arith.constant 1 : i32
        %get3A_342 = arith.index_cast %get3A_341 : i32 to index
        %get3A_343 = arith.index_cast %scan3A_57 : i32 to index
        %get3A_344 = arith.constant 96 : index
        %get3A_345 = tpu.vector_load %arg10[%get3A_342, %get3A_343, %get3A_344] {strides = array<i32>} : memref<4x16x128xf32, #tpu.memory_space<vmem>>, vector<1x1x16xf32>,
        %get3A_346 = vector.shape_cast %get3A_345 : vector<1x1x16xf32> to vector<16xf32>
        %add3A_347 = arith.addf %get3A_340, %get3A_346 : vector<16xf32>
        %max3A_348 = arith.constant 0.000000e+00 : f32
        %max3A_349 = vector.broadcast %max3A_348 : f32 to vector<16xf32>
        %max3A_350 = arith.maximumf %add3A_347, %max3A_349 : vector<16xf32>
        %swap3A_351 = arith.index_cast %add3A_298 : i32 to index
        %swap3A_352 = arith.constant 32 : index
        %swap3A_353 = tpu.vector_load %arg9[%swap3A_351, %swap3A_352] {strides = array<i32>} : memref<128x64xf32, #tpu.memory_space<vmem>>, vector<1x16xf32>,
        %swap3A_354 = vector.shape_cast %swap3A_353 : vector<1x16xf32> to vector<16xf32>
        %swap3A_355 = vector.shape_cast %max3A_350 : vector<16xf32> to vector<1x16xf32>
        tpu.vector_store %arg9[%swap3A_351, %swap3A_352], %swap3A_355 {strides = array<i32>} : memref<128x64xf32, #tpu.memory_space<vmem>>, vector<1x16xf32>,
        %get3A_356 = arith.index_cast %add3A_298 : i32 to index
        %get3A_357 = arith.constant 48 : index
        %get3A_358 = tpu.vector_load %arg9[%get3A_356, %get3A_357] {strides = array<i32>} : memref<128x64xf32, #tpu.memory_space<vmem>>, vector<1x16xf32>,
        %get3A_359 = vector.shape_cast %get3A_358 : vector<1x16xf32> to vector<16xf32>
        %get3A_360 = arith.constant 1 : i32
        %get3A_361 = arith.index_cast %get3A_360 : i32 to index
        %get3A_362 = arith.index_cast %scan3A_57 : i32 to index
        %get3A_363 = arith.constant 112 : index
        %get3A_364 = tpu.vector_load %arg10[%get3A_361, %get3A_362, %get3A_363] {strides = array<i32>} : memref<4x16x128xf32, #tpu.memory_space<vmem>>, vector<1x1x16xf32>,
        %get3A_365 = vector.shape_cast %get3A_364 : vector<1x1x16xf32> to vector<16xf32>
        %add3A_366 = arith.addf %get3A_359, %get3A_365 : vector<16xf32>
        %max3A_367 = arith.constant 0.000000e+00 : f32
        %max3A_368 = vector.broadcast %max3A_367 : f32 to vector<16xf32>
        %max3A_369 = arith.maximumf %add3A_366, %max3A_368 : vector<16xf32>
        %swap3A_370 = arith.index_cast %add3A_298 : i32 to index
        %swap3A_371 = arith.constant 48 : index
        %swap3A_372 = tpu.vector_load %arg9[%swap3A_370, %swap3A_371] {strides = array<i32>} : memref<128x64xf32, #tpu.memory_space<vmem>>, vector<1x16xf32>,
        %swap3A_373 = vector.shape_cast %swap3A_372 : vector<1x16xf32> to vector<16xf32>
        %swap3A_374 = vector.shape_cast %max3A_369 : vector<16xf32> to vector<1x16xf32>
        tpu.vector_store %arg9[%swap3A_370, %swap3A_371], %swap3A_374 {strides = array<i32>} : memref<128x64xf32, #tpu.memory_space<vmem>>, vector<1x16xf32>,
        %mul3A_375 = arith.constant 8 : i32
        %mul3A_376 = arith.muli %mul3A_375, %scan3A_57 : i32
        %add3A_377 = arith.constant 4 : i32
        %add3A_378 = arith.addi %mul3A_376, %add3A_377 : i32
        %get3A_379 = arith.index_cast %add3A_378 : i32 to index
        %get3A_380 = arith.constant 0 : index
        %get3A_381 = tpu.vector_load %arg9[%get3A_379, %get3A_380] {strides = array<i32>} : memref<128x64xf32, #tpu.memory_space<vmem>>, vector<1x16xf32>,
        %get3A_382 = vector.shape_cast %get3A_381 : vector<1x16xf32> to vector<16xf32>
        %get3A_383 = arith.constant 2 : i32
        %get3A_384 = arith.index_cast %get3A_383 : i32 to index
        %get3A_385 = arith.index_cast %scan3A_57 : i32 to index
        %get3A_386 = arith.constant 0 : index
        %get3A_387 = tpu.vector_load %arg10[%get3A_384, %get3A_385, %get3A_386] {strides = array<i32>} : memref<4x16x128xf32, #tpu.memory_space<vmem>>, vector<1x1x16xf32>,
        %get3A_388 = vector.shape_cast %get3A_387 : vector<1x1x16xf32> to vector<16xf32>
        %add3A_389 = arith.addf %get3A_382, %get3A_388 : vector<16xf32>
        %max3A_390 = arith.constant 0.000000e+00 : f32
        %max3A_391 = vector.broadcast %max3A_390 : f32 to vector<16xf32>
        %max3A_392 = arith.maximumf %add3A_389, %max3A_391 : vector<16xf32>
        %swap3A_393 = arith.index_cast %add3A_378 : i32 to index
        %swap3A_394 = arith.constant 0 : index
        %swap3A_395 = tpu.vector_load %arg9[%swap3A_393, %swap3A_394] {strides = array<i32>} : memref<128x64xf32, #tpu.memory_space<vmem>>, vector<1x16xf32>,
        %swap3A_396 = vector.shape_cast %swap3A_395 : vector<1x16xf32> to vector<16xf32>
        %swap3A_397 = vector.shape_cast %max3A_392 : vector<16xf32> to vector<1x16xf32>
        tpu.vector_store %arg9[%swap3A_393, %swap3A_394], %swap3A_397 {strides = array<i32>} : memref<128x64xf32, #tpu.memory_space<vmem>>, vector<1x16xf32>,
        %get3A_398 = arith.index_cast %add3A_378 : i32 to index
        %get3A_399 = arith.constant 16 : index
        %get3A_400 = tpu.vector_load %arg9[%get3A_398, %get3A_399] {strides = array<i32>} : memref<128x64xf32, #tpu.memory_space<vmem>>, vector<1x16xf32>,
        %get3A_401 = vector.shape_cast %get3A_400 : vector<1x16xf32> to vector<16xf32>
        %get3A_402 = arith.constant 2 : i32
        %get3A_403 = arith.index_cast %get3A_402 : i32 to index
        %get3A_404 = arith.index_cast %scan3A_57 : i32 to index
        %get3A_405 = arith.constant 16 : index
        %get3A_406 = tpu.vector_load %arg10[%get3A_403, %get3A_404, %get3A_405] {strides = array<i32>} : memref<4x16x128xf32, #tpu.memory_space<vmem>>, vector<1x1x16xf32>,
        %get3A_407 = vector.shape_cast %get3A_406 : vector<1x1x16xf32> to vector<16xf32>
        %add3A_408 = arith.addf %get3A_401, %get3A_407 : vector<16xf32>
        %max3A_409 = arith.constant 0.000000e+00 : f32
        %max3A_410 = vector.broadcast %max3A_409 : f32 to vector<16xf32>
        %max3A_411 = arith.maximumf %add3A_408, %max3A_410 : vector<16xf32>
        %swap3A_412 = arith.index_cast %add3A_378 : i32 to index
        %swap3A_413 = arith.constant 16 : index
        %swap3A_414 = tpu.vector_load %arg9[%swap3A_412, %swap3A_413] {strides = array<i32>} : memref<128x64xf32, #tpu.memory_space<vmem>>, vector<1x16xf32>,
        %swap3A_415 = vector.shape_cast %swap3A_414 : vector<1x16xf32> to vector<16xf32>
        %swap3A_416 = vector.shape_cast %max3A_411 : vector<16xf32> to vector<1x16xf32>
        tpu.vector_store %arg9[%swap3A_412, %swap3A_413], %swap3A_416 {strides = array<i32>} : memref<128x64xf32, #tpu.memory_space<vmem>>, vector<1x16xf32>,
        %get3A_417 = arith.index_cast %add3A_378 : i32 to index
        %get3A_418 = arith.constant 32 : index
        %get3A_419 = tpu.vector_load %arg9[%get3A_417, %get3A_418] {strides = array<i32>} : memref<128x64xf32, #tpu.memory_space<vmem>>, vector<1x16xf32>,
        %get3A_420 = vector.shape_cast %get3A_419 : vector<1x16xf32> to vector<16xf32>
        %get3A_421 = arith.constant 2 : i32
        %get3A_422 = arith.index_cast %get3A_421 : i32 to index
        %get3A_423 = arith.index_cast %scan3A_57 : i32 to index
        %get3A_424 = arith.constant 32 : index
        %get3A_425 = tpu.vector_load %arg10[%get3A_422, %get3A_423, %get3A_424] {strides = array<i32>} : memref<4x16x128xf32, #tpu.memory_space<vmem>>, vector<1x1x16xf32>,
        %get3A_426 = vector.shape_cast %get3A_425 : vector<1x1x16xf32> to vector<16xf32>
        %add3A_427 = arith.addf %get3A_420, %get3A_426 : vector<16xf32>
        %max3A_428 = arith.constant 0.000000e+00 : f32
        %max3A_429 = vector.broadcast %max3A_428 : f32 to vector<16xf32>
        %max3A_430 = arith.maximumf %add3A_427, %max3A_429 : vector<16xf32>
        %swap3A_431 = arith.index_cast %add3A_378 : i32 to index
        %swap3A_432 = arith.constant 32 : index
        %swap3A_433 = tpu.vector_load %arg9[%swap3A_431, %swap3A_432] {strides = array<i32>} : memref<128x64xf32, #tpu.memory_space<vmem>>, vector<1x16xf32>,
        %swap3A_434 = vector.shape_cast %swap3A_433 : vector<1x16xf32> to vector<16xf32>
        %swap3A_435 = vector.shape_cast %max3A_430 : vector<16xf32> to vector<1x16xf32>
        tpu.vector_store %arg9[%swap3A_431, %swap3A_432], %swap3A_435 {strides = array<i32>} : memref<128x64xf32, #tpu.memory_space<vmem>>, vector<1x16xf32>,
        %get3A_436 = arith.index_cast %add3A_378 : i32 to index
        %get3A_437 = arith.constant 48 : index
        %get3A_438 = tpu.vector_load %arg9[%get3A_436, %get3A_437] {strides = array<i32>} : memref<128x64xf32, #tpu.memory_space<vmem>>, vector<1x16xf32>,
        %get3A_439 = vector.shape_cast %get3A_438 : vector<1x16xf32> to vector<16xf32>
        %get3A_440 = arith.constant 2 : i32
        %get3A_441 = arith.index_cast %get3A_440 : i32 to index
        %get3A_442 = arith.index_cast %scan3A_57 : i32 to index
        %get3A_443 = arith.constant 48 : index
        %get3A_444 = tpu.vector_load %arg10[%get3A_441, %get3A_442, %get3A_443] {strides = array<i32>} : memref<4x16x128xf32, #tpu.memory_space<vmem>>, vector<1x1x16xf32>,
        %get3A_445 = vector.shape_cast %get3A_444 : vector<1x1x16xf32> to vector<16xf32>
        %add3A_446 = arith.addf %get3A_439, %get3A_445 : vector<16xf32>
        %max3A_447 = arith.constant 0.000000e+00 : f32
        %max3A_448 = vector.broadcast %max3A_447 : f32 to vector<16xf32>
        %max3A_449 = arith.maximumf %add3A_446, %max3A_448 : vector<16xf32>
        %swap3A_450 = arith.index_cast %add3A_378 : i32 to index
        %swap3A_451 = arith.constant 48 : index
        %swap3A_452 = tpu.vector_load %arg9[%swap3A_450, %swap3A_451] {strides = array<i32>} : memref<128x64xf32, #tpu.memory_space<vmem>>, vector<1x16xf32>,
        %swap3A_453 = vector.shape_cast %swap3A_452 : vector<1x16xf32> to vector<16xf32>
        %swap3A_454 = vector.shape_cast %max3A_449 : vector<16xf32> to vector<1x16xf32>
        tpu.vector_store %arg9[%swap3A_450, %swap3A_451], %swap3A_454 {strides = array<i32>} : memref<128x64xf32, #tpu.memory_space<vmem>>, vector<1x16xf32>,
        %mul3A_455 = arith.constant 8 : i32
        %mul3A_456 = arith.muli %mul3A_455, %scan3A_57 : i32
        %add3A_457 = arith.constant 5 : i32
        %add3A_458 = arith.addi %mul3A_456, %add3A_457 : i32
        %get3A_459 = arith.index_cast %add3A_458 : i32 to index
        %get3A_460 = arith.constant 0 : index
        %get3A_461 = tpu.vector_load %arg9[%get3A_459, %get3A_460] {strides = array<i32>} : memref<128x64xf32, #tpu.memory_space<vmem>>, vector<1x16xf32>,
        %get3A_462 = vector.shape_cast %get3A_461 : vector<1x16xf32> to vector<16xf32>
        %get3A_463 = arith.constant 2 : i32
        %get3A_464 = arith.index_cast %get3A_463 : i32 to index
        %get3A_465 = arith.index_cast %scan3A_57 : i32 to index
        %get3A_466 = arith.constant 64 : index
        %get3A_467 = tpu.vector_load %arg10[%get3A_464, %get3A_465, %get3A_466] {strides = array<i32>} : memref<4x16x128xf32, #tpu.memory_space<vmem>>, vector<1x1x16xf32>,
        %get3A_468 = vector.shape_cast %get3A_467 : vector<1x1x16xf32> to vector<16xf32>
        %add3A_469 = arith.addf %get3A_462, %get3A_468 : vector<16xf32>
        %max3A_470 = arith.constant 0.000000e+00 : f32
        %max3A_471 = vector.broadcast %max3A_470 : f32 to vector<16xf32>
        %max3A_472 = arith.maximumf %add3A_469, %max3A_471 : vector<16xf32>
        %swap3A_473 = arith.index_cast %add3A_458 : i32 to index
        %swap3A_474 = arith.constant 0 : index
        %swap3A_475 = tpu.vector_load %arg9[%swap3A_473, %swap3A_474] {strides = array<i32>} : memref<128x64xf32, #tpu.memory_space<vmem>>, vector<1x16xf32>,
        %swap3A_476 = vector.shape_cast %swap3A_475 : vector<1x16xf32> to vector<16xf32>
        %swap3A_477 = vector.shape_cast %max3A_472 : vector<16xf32> to vector<1x16xf32>
        tpu.vector_store %arg9[%swap3A_473, %swap3A_474], %swap3A_477 {strides = array<i32>} : memref<128x64xf32, #tpu.memory_space<vmem>>, vector<1x16xf32>,
        %get3A_478 = arith.index_cast %add3A_458 : i32 to index
        %get3A_479 = arith.constant 16 : index
        %get3A_480 = tpu.vector_load %arg9[%get3A_478, %get3A_479] {strides = array<i32>} : memref<128x64xf32, #tpu.memory_space<vmem>>, vector<1x16xf32>,
        %get3A_481 = vector.shape_cast %get3A_480 : vector<1x16xf32> to vector<16xf32>
        %get3A_482 = arith.constant 2 : i32
        %get3A_483 = arith.index_cast %get3A_482 : i32 to index
        %get3A_484 = arith.index_cast %scan3A_57 : i32 to index
        %get3A_485 = arith.constant 80 : index
        %get3A_486 = tpu.vector_load %arg10[%get3A_483, %get3A_484, %get3A_485] {strides = array<i32>} : memref<4x16x128xf32, #tpu.memory_space<vmem>>, vector<1x1x16xf32>,
        %get3A_487 = vector.shape_cast %get3A_486 : vector<1x1x16xf32> to vector<16xf32>
        %add3A_488 = arith.addf %get3A_481, %get3A_487 : vector<16xf32>
        %max3A_489 = arith.constant 0.000000e+00 : f32
        %max3A_490 = vector.broadcast %max3A_489 : f32 to vector<16xf32>
        %max3A_491 = arith.maximumf %add3A_488, %max3A_490 : vector<16xf32>
        %swap3A_492 = arith.index_cast %add3A_458 : i32 to index
        %swap3A_493 = arith.constant 16 : index
        %swap3A_494 = tpu.vector_load %arg9[%swap3A_492, %swap3A_493] {strides = array<i32>} : memref<128x64xf32, #tpu.memory_space<vmem>>, vector<1x16xf32>,
        %swap3A_495 = vector.shape_cast %swap3A_494 : vector<1x16xf32> to vector<16xf32>
        %swap3A_496 = vector.shape_cast %max3A_491 : vector<16xf32> to vector<1x16xf32>
        tpu.vector_store %arg9[%swap3A_492, %swap3A_493], %swap3A_496 {strides = array<i32>} : memref<128x64xf32, #tpu.memory_space<vmem>>, vector<1x16xf32>,
        %get3A_497 = arith.index_cast %add3A_458 : i32 to index
        %get3A_498 = arith.constant 32 : index
        %get3A_499 = tpu.vector_load %arg9[%get3A_497, %get3A_498] {strides = array<i32>} : memref<128x64xf32, #tpu.memory_space<vmem>>, vector<1x16xf32>,
        %get3A_500 = vector.shape_cast %get3A_499 : vector<1x16xf32> to vector<16xf32>
        %get3A_501 = arith.constant 2 : i32
        %get3A_502 = arith.index_cast %get3A_501 : i32 to index
        %get3A_503 = arith.index_cast %scan3A_57 : i32 to index
        %get3A_504 = arith.constant 96 : index
        %get3A_505 = tpu.vector_load %arg10[%get3A_502, %get3A_503, %get3A_504] {strides = array<i32>} : memref<4x16x128xf32, #tpu.memory_space<vmem>>, vector<1x1x16xf32>,
        %get3A_506 = vector.shape_cast %get3A_505 : vector<1x1x16xf32> to vector<16xf32>
        %add3A_507 = arith.addf %get3A_500, %get3A_506 : vector<16xf32>
        %max3A_508 = arith.constant 0.000000e+00 : f32
        %max3A_509 = vector.broadcast %max3A_508 : f32 to vector<16xf32>
        %max3A_510 = arith.maximumf %add3A_507, %max3A_509 : vector<16xf32>
        %swap3A_511 = arith.index_cast %add3A_458 : i32 to index
        %swap3A_512 = arith.constant 32 : index
        %swap3A_513 = tpu.vector_load %arg9[%swap3A_511, %swap3A_512] {strides = array<i32>} : memref<128x64xf32, #tpu.memory_space<vmem>>, vector<1x16xf32>,
        %swap3A_514 = vector.shape_cast %swap3A_513 : vector<1x16xf32> to vector<16xf32>
        %swap3A_515 = vector.shape_cast %max3A_510 : vector<16xf32> to vector<1x16xf32>
        tpu.vector_store %arg9[%swap3A_511, %swap3A_512], %swap3A_515 {strides = array<i32>} : memref<128x64xf32, #tpu.memory_space<vmem>>, vector<1x16xf32>,
        %get3A_516 = arith.index_cast %add3A_458 : i32 to index
        %get3A_517 = arith.constant 48 : index
        %get3A_518 = tpu.vector_load %arg9[%get3A_516, %get3A_517] {strides = array<i32>} : memref<128x64xf32, #tpu.memory_space<vmem>>, vector<1x16xf32>,
        %get3A_519 = vector.shape_cast %get3A_518 : vector<1x16xf32> to vector<16xf32>
        %get3A_520 = arith.constant 2 : i32
        %get3A_521 = arith.index_cast %get3A_520 : i32 to index
        %get3A_522 = arith.index_cast %scan3A_57 : i32 to index
        %get3A_523 = arith.constant 112 : index
        %get3A_524 = tpu.vector_load %arg10[%get3A_521, %get3A_522, %get3A_523] {strides = array<i32>} : memref<4x16x128xf32, #tpu.memory_space<vmem>>, vector<1x1x16xf32>,
        %get3A_525 = vector.shape_cast %get3A_524 : vector<1x1x16xf32> to vector<16xf32>
        %add3A_526 = arith.addf %get3A_519, %get3A_525 : vector<16xf32>
        %max3A_527 = arith.constant 0.000000e+00 : f32
        %max3A_528 = vector.broadcast %max3A_527 : f32 to vector<16xf32>
        %max3A_529 = arith.maximumf %add3A_526, %max3A_528 : vector<16xf32>
        %swap3A_530 = arith.index_cast %add3A_458 : i32 to index
        %swap3A_531 = arith.constant 48 : index
        %swap3A_532 = tpu.vector_load %arg9[%swap3A_530, %swap3A_531] {strides = array<i32>} : memref<128x64xf32, #tpu.memory_space<vmem>>, vector<1x16xf32>,
        %swap3A_533 = vector.shape_cast %swap3A_532 : vector<1x16xf32> to vector<16xf32>
        %swap3A_534 = vector.shape_cast %max3A_529 : vector<16xf32> to vector<1x16xf32>
        tpu.vector_store %arg9[%swap3A_530, %swap3A_531], %swap3A_534 {strides = array<i32>} : memref<128x64xf32, #tpu.memory_space<vmem>>, vector<1x16xf32>,
        %mul3A_535 = arith.constant 8 : i32
        %mul3A_536 = arith.muli %mul3A_535, %scan3A_57 : i32
        %add3A_537 = arith.constant 6 : i32
        %add3A_538 = arith.addi %mul3A_536, %add3A_537 : i32
        %get3A_539 = arith.index_cast %add3A_538 : i32 to index
        %get3A_540 = arith.constant 0 : index
        %get3A_541 = tpu.vector_load %arg9[%get3A_539, %get3A_540] {strides = array<i32>} : memref<128x64xf32, #tpu.memory_space<vmem>>, vector<1x16xf32>,
        %get3A_542 = vector.shape_cast %get3A_541 : vector<1x16xf32> to vector<16xf32>
        %get3A_543 = arith.constant 3 : i32
        %get3A_544 = arith.index_cast %get3A_543 : i32 to index
        %get3A_545 = arith.index_cast %scan3A_57 : i32 to index
        %get3A_546 = arith.constant 0 : index
        %get3A_547 = tpu.vector_load %arg10[%get3A_544, %get3A_545, %get3A_546] {strides = array<i32>} : memref<4x16x128xf32, #tpu.memory_space<vmem>>, vector<1x1x16xf32>,
        %get3A_548 = vector.shape_cast %get3A_547 : vector<1x1x16xf32> to vector<16xf32>
        %add3A_549 = arith.addf %get3A_542, %get3A_548 : vector<16xf32>
        %max3A_550 = arith.constant 0.000000e+00 : f32
        %max3A_551 = vector.broadcast %max3A_550 : f32 to vector<16xf32>
        %max3A_552 = arith.maximumf %add3A_549, %max3A_551 : vector<16xf32>
        %swap3A_553 = arith.index_cast %add3A_538 : i32 to index
        %swap3A_554 = arith.constant 0 : index
        %swap3A_555 = tpu.vector_load %arg9[%swap3A_553, %swap3A_554] {strides = array<i32>} : memref<128x64xf32, #tpu.memory_space<vmem>>, vector<1x16xf32>,
        %swap3A_556 = vector.shape_cast %swap3A_555 : vector<1x16xf32> to vector<16xf32>
        %swap3A_557 = vector.shape_cast %max3A_552 : vector<16xf32> to vector<1x16xf32>
        tpu.vector_store %arg9[%swap3A_553, %swap3A_554], %swap3A_557 {strides = array<i32>} : memref<128x64xf32, #tpu.memory_space<vmem>>, vector<1x16xf32>,
        %get3A_558 = arith.index_cast %add3A_538 : i32 to index
        %get3A_559 = arith.constant 16 : index
        %get3A_560 = tpu.vector_load %arg9[%get3A_558, %get3A_559] {strides = array<i32>} : memref<128x64xf32, #tpu.memory_space<vmem>>, vector<1x16xf32>,
        %get3A_561 = vector.shape_cast %get3A_560 : vector<1x16xf32> to vector<16xf32>
        %get3A_562 = arith.constant 3 : i32
        %get3A_563 = arith.index_cast %get3A_562 : i32 to index
        %get3A_564 = arith.index_cast %scan3A_57 : i32 to index
        %get3A_565 = arith.constant 16 : index
        %get3A_566 = tpu.vector_load %arg10[%get3A_563, %get3A_564, %get3A_565] {strides = array<i32>} : memref<4x16x128xf32, #tpu.memory_space<vmem>>, vector<1x1x16xf32>,
        %get3A_567 = vector.shape_cast %get3A_566 : vector<1x1x16xf32> to vector<16xf32>
        %add3A_568 = arith.addf %get3A_561, %get3A_567 : vector<16xf32>
        %max3A_569 = arith.constant 0.000000e+00 : f32
        %max3A_570 = vector.broadcast %max3A_569 : f32 to vector<16xf32>
        %max3A_571 = arith.maximumf %add3A_568, %max3A_570 : vector<16xf32>
        %swap3A_572 = arith.index_cast %add3A_538 : i32 to index
        %swap3A_573 = arith.constant 16 : index
        %swap3A_574 = tpu.vector_load %arg9[%swap3A_572, %swap3A_573] {strides = array<i32>} : memref<128x64xf32, #tpu.memory_space<vmem>>, vector<1x16xf32>,
        %swap3A_575 = vector.shape_cast %swap3A_574 : vector<1x16xf32> to vector<16xf32>
        %swap3A_576 = vector.shape_cast %max3A_571 : vector<16xf32> to vector<1x16xf32>
        tpu.vector_store %arg9[%swap3A_572, %swap3A_573], %swap3A_576 {strides = array<i32>} : memref<128x64xf32, #tpu.memory_space<vmem>>, vector<1x16xf32>,
        %get3A_577 = arith.index_cast %add3A_538 : i32 to index
        %get3A_578 = arith.constant 32 : index
        %get3A_579 = tpu.vector_load %arg9[%get3A_577, %get3A_578] {strides = array<i32>} : memref<128x64xf32, #tpu.memory_space<vmem>>, vector<1x16xf32>,
        %get3A_580 = vector.shape_cast %get3A_579 : vector<1x16xf32> to vector<16xf32>
        %get3A_581 = arith.constant 3 : i32
        %get3A_582 = arith.index_cast %get3A_581 : i32 to index
        %get3A_583 = arith.index_cast %scan3A_57 : i32 to index
        %get3A_584 = arith.constant 32 : index
        %get3A_585 = tpu.vector_load %arg10[%get3A_582, %get3A_583, %get3A_584] {strides = array<i32>} : memref<4x16x128xf32, #tpu.memory_space<vmem>>, vector<1x1x16xf32>,
        %get3A_586 = vector.shape_cast %get3A_585 : vector<1x1x16xf32> to vector<16xf32>
        %add3A_587 = arith.addf %get3A_580, %get3A_586 : vector<16xf32>
        %max3A_588 = arith.constant 0.000000e+00 : f32
        %max3A_589 = vector.broadcast %max3A_588 : f32 to vector<16xf32>
        %max3A_590 = arith.maximumf %add3A_587, %max3A_589 : vector<16xf32>
        %swap3A_591 = arith.index_cast %add3A_538 : i32 to index
        %swap3A_592 = arith.constant 32 : index
        %swap3A_593 = tpu.vector_load %arg9[%swap3A_591, %swap3A_592] {strides = array<i32>} : memref<128x64xf32, #tpu.memory_space<vmem>>, vector<1x16xf32>,
        %swap3A_594 = vector.shape_cast %swap3A_593 : vector<1x16xf32> to vector<16xf32>
        %swap3A_595 = vector.shape_cast %max3A_590 : vector<16xf32> to vector<1x16xf32>
        tpu.vector_store %arg9[%swap3A_591, %swap3A_592], %swap3A_595 {strides = array<i32>} : memref<128x64xf32, #tpu.memory_space<vmem>>, vector<1x16xf32>,
        %get3A_596 = arith.index_cast %add3A_538 : i32 to index
        %get3A_597 = arith.constant 48 : index
        %get3A_598 = tpu.vector_load %arg9[%get3A_596, %get3A_597] {strides = array<i32>} : memref<128x64xf32, #tpu.memory_space<vmem>>, vector<1x16xf32>,
        %get3A_599 = vector.shape_cast %get3A_598 : vector<1x16xf32> to vector<16xf32>
        %get3A_600 = arith.constant 3 : i32
        %get3A_601 = arith.index_cast %get3A_600 : i32 to index
        %get3A_602 = arith.index_cast %scan3A_57 : i32 to index
        %get3A_603 = arith.constant 48 : index
        %get3A_604 = tpu.vector_load %arg10[%get3A_601, %get3A_602, %get3A_603] {strides = array<i32>} : memref<4x16x128xf32, #tpu.memory_space<vmem>>, vector<1x1x16xf32>,
        %get3A_605 = vector.shape_cast %get3A_604 : vector<1x1x16xf32> to vector<16xf32>
        %add3A_606 = arith.addf %get3A_599, %get3A_605 : vector<16xf32>
        %max3A_607 = arith.constant 0.000000e+00 : f32
        %max3A_608 = vector.broadcast %max3A_607 : f32 to vector<16xf32>
        %max3A_609 = arith.maximumf %add3A_606, %max3A_608 : vector<16xf32>
        %swap3A_610 = arith.index_cast %add3A_538 : i32 to index
        %swap3A_611 = arith.constant 48 : index
        %swap3A_612 = tpu.vector_load %arg9[%swap3A_610, %swap3A_611] {strides = array<i32>} : memref<128x64xf32, #tpu.memory_space<vmem>>, vector<1x16xf32>,
        %swap3A_613 = vector.shape_cast %swap3A_612 : vector<1x16xf32> to vector<16xf32>
        %swap3A_614 = vector.shape_cast %max3A_609 : vector<16xf32> to vector<1x16xf32>
        tpu.vector_store %arg9[%swap3A_610, %swap3A_611], %swap3A_614 {strides = array<i32>} : memref<128x64xf32, #tpu.memory_space<vmem>>, vector<1x16xf32>,
        %mul3A_615 = arith.constant 8 : i32
        %mul3A_616 = arith.muli %mul3A_615, %scan3A_57 : i32
        %add3A_617 = arith.constant 7 : i32
        %add3A_618 = arith.addi %mul3A_616, %add3A_617 : i32
        %get3A_619 = arith.index_cast %add3A_618 : i32 to index
        %get3A_620 = arith.constant 0 : index
        %get3A_621 = tpu.vector_load %arg9[%get3A_619, %get3A_620] {strides = array<i32>} : memref<128x64xf32, #tpu.memory_space<vmem>>, vector<1x16xf32>,
        %get3A_622 = vector.shape_cast %get3A_621 : vector<1x16xf32> to vector<16xf32>
        %get3A_623 = arith.constant 3 : i32
        %get3A_624 = arith.index_cast %get3A_623 : i32 to index
        %get3A_625 = arith.index_cast %scan3A_57 : i32 to index
        %get3A_626 = arith.constant 64 : index
        %get3A_627 = tpu.vector_load %arg10[%get3A_624, %get3A_625, %get3A_626] {strides = array<i32>} : memref<4x16x128xf32, #tpu.memory_space<vmem>>, vector<1x1x16xf32>,
        %get3A_628 = vector.shape_cast %get3A_627 : vector<1x1x16xf32> to vector<16xf32>
        %add3A_629 = arith.addf %get3A_622, %get3A_628 : vector<16xf32>
        %max3A_630 = arith.constant 0.000000e+00 : f32
        %max3A_631 = vector.broadcast %max3A_630 : f32 to vector<16xf32>
        %max3A_632 = arith.maximumf %add3A_629, %max3A_631 : vector<16xf32>
        %swap3A_633 = arith.index_cast %add3A_618 : i32 to index
        %swap3A_634 = arith.constant 0 : index
        %swap3A_635 = tpu.vector_load %arg9[%swap3A_633, %swap3A_634] {strides = array<i32>} : memref<128x64xf32, #tpu.memory_space<vmem>>, vector<1x16xf32>,
        %swap3A_636 = vector.shape_cast %swap3A_635 : vector<1x16xf32> to vector<16xf32>
        %swap3A_637 = vector.shape_cast %max3A_632 : vector<16xf32> to vector<1x16xf32>
        tpu.vector_store %arg9[%swap3A_633, %swap3A_634], %swap3A_637 {strides = array<i32>} : memref<128x64xf32, #tpu.memory_space<vmem>>, vector<1x16xf32>,
        %get3A_638 = arith.index_cast %add3A_618 : i32 to index
        %get3A_639 = arith.constant 16 : index
        %get3A_640 = tpu.vector_load %arg9[%get3A_638, %get3A_639] {strides = array<i32>} : memref<128x64xf32, #tpu.memory_space<vmem>>, vector<1x16xf32>,
        %get3A_641 = vector.shape_cast %get3A_640 : vector<1x16xf32> to vector<16xf32>
        %get3A_642 = arith.constant 3 : i32
        %get3A_643 = arith.index_cast %get3A_642 : i32 to index
        %get3A_644 = arith.index_cast %scan3A_57 : i32 to index
        %get3A_645 = arith.constant 80 : index
        %get3A_646 = tpu.vector_load %arg10[%get3A_643, %get3A_644, %get3A_645] {strides = array<i32>} : memref<4x16x128xf32, #tpu.memory_space<vmem>>, vector<1x1x16xf32>,
        %get3A_647 = vector.shape_cast %get3A_646 : vector<1x1x16xf32> to vector<16xf32>
        %add3A_648 = arith.addf %get3A_641, %get3A_647 : vector<16xf32>
        %max3A_649 = arith.constant 0.000000e+00 : f32
        %max3A_650 = vector.broadcast %max3A_649 : f32 to vector<16xf32>
        %max3A_651 = arith.maximumf %add3A_648, %max3A_650 : vector<16xf32>
        %swap3A_652 = arith.index_cast %add3A_618 : i32 to index
        %swap3A_653 = arith.constant 16 : index
        %swap3A_654 = tpu.vector_load %arg9[%swap3A_652, %swap3A_653] {strides = array<i32>} : memref<128x64xf32, #tpu.memory_space<vmem>>, vector<1x16xf32>,
        %swap3A_655 = vector.shape_cast %swap3A_654 : vector<1x16xf32> to vector<16xf32>
        %swap3A_656 = vector.shape_cast %max3A_651 : vector<16xf32> to vector<1x16xf32>
        tpu.vector_store %arg9[%swap3A_652, %swap3A_653], %swap3A_656 {strides = array<i32>} : memref<128x64xf32, #tpu.memory_space<vmem>>, vector<1x16xf32>,
        %get3A_657 = arith.index_cast %add3A_618 : i32 to index
        %get3A_658 = arith.constant 32 : index
        %get3A_659 = tpu.vector_load %arg9[%get3A_657, %get3A_658] {strides = array<i32>} : memref<128x64xf32, #tpu.memory_space<vmem>>, vector<1x16xf32>,
        %get3A_660 = vector.shape_cast %get3A_659 : vector<1x16xf32> to vector<16xf32>
        %get3A_661 = arith.constant 3 : i32
        %get3A_662 = arith.index_cast %get3A_661 : i32 to index
        %get3A_663 = arith.index_cast %scan3A_57 : i32 to index
        %get3A_664 = arith.constant 96 : index
        %get3A_665 = tpu.vector_load %arg10[%get3A_662, %get3A_663, %get3A_664] {strides = array<i32>} : memref<4x16x128xf32, #tpu.memory_space<vmem>>, vector<1x1x16xf32>,
        %get3A_666 = vector.shape_cast %get3A_665 : vector<1x1x16xf32> to vector<16xf32>
        %add3A_667 = arith.addf %get3A_660, %get3A_666 : vector<16xf32>
        %max3A_668 = arith.constant 0.000000e+00 : f32
        %max3A_669 = vector.broadcast %max3A_668 : f32 to vector<16xf32>
        %max3A_670 = arith.maximumf %add3A_667, %max3A_669 : vector<16xf32>
        %swap3A_671 = arith.index_cast %add3A_618 : i32 to index
        %swap3A_672 = arith.constant 32 : index
        %swap3A_673 = tpu.vector_load %arg9[%swap3A_671, %swap3A_672] {strides = array<i32>} : memref<128x64xf32, #tpu.memory_space<vmem>>, vector<1x16xf32>,
        %swap3A_674 = vector.shape_cast %swap3A_673 : vector<1x16xf32> to vector<16xf32>
        %swap3A_675 = vector.shape_cast %max3A_670 : vector<16xf32> to vector<1x16xf32>
        tpu.vector_store %arg9[%swap3A_671, %swap3A_672], %swap3A_675 {strides = array<i32>} : memref<128x64xf32, #tpu.memory_space<vmem>>, vector<1x16xf32>,
        %get3A_676 = arith.index_cast %add3A_618 : i32 to index
        %get3A_677 = arith.constant 48 : index
        %get3A_678 = tpu.vector_load %arg9[%get3A_676, %get3A_677] {strides = array<i32>} : memref<128x64xf32, #tpu.memory_space<vmem>>, vector<1x16xf32>,
        %get3A_679 = vector.shape_cast %get3A_678 : vector<1x16xf32> to vector<16xf32>
        %get3A_680 = arith.constant 3 : i32
        %get3A_681 = arith.index_cast %get3A_680 : i32 to index
        %get3A_682 = arith.index_cast %scan3A_57 : i32 to index
        %get3A_683 = arith.constant 112 : index
        %get3A_684 = tpu.vector_load %arg10[%get3A_681, %get3A_682, %get3A_683] {strides = array<i32>} : memref<4x16x128xf32, #tpu.memory_space<vmem>>, vector<1x1x16xf32>,
        %get3A_685 = vector.shape_cast %get3A_684 : vector<1x1x16xf32> to vector<16xf32>
        %add3A_686 = arith.addf %get3A_679, %get3A_685 : vector<16xf32>
        %max3A_687 = arith.constant 0.000000e+00 : f32
        %max3A_688 = vector.broadcast %max3A_687 : f32 to vector<16xf32>
        %max3A_689 = arith.maximumf %add3A_686, %max3A_688 : vector<16xf32>
        %swap3A_690 = arith.index_cast %add3A_618 : i32 to index
        %swap3A_691 = arith.constant 48 : index
        %swap3A_692 = tpu.vector_load %arg9[%swap3A_690, %swap3A_691] {strides = array<i32>} : memref<128x64xf32, #tpu.memory_space<vmem>>, vector<1x16xf32>,
        %swap3A_693 = vector.shape_cast %swap3A_692 : vector<1x16xf32> to vector<16xf32>
        %swap3A_694 = vector.shape_cast %max3A_689 : vector<16xf32> to vector<1x16xf32>
        tpu.vector_store %arg9[%swap3A_690, %swap3A_691], %swap3A_694 {strides = array<i32>} : memref<128x64xf32, #tpu.memory_space<vmem>>, vector<1x16xf32>,
      }
      %scan3A_56 = arith.constant 16 : i32
      "tpu.region"() ({
        %run_scoped3A = tpu.sem_alloc : memref<!tpu.dma_semaphore, #tpu.memory_space<semaphore_mem>>
        %dma_start3A_57 = arith.constant 0 : i32
        %dma_start3A_58 = tpu.memref_slice %arg8[%scan3A_23, %dma_start3A_57] : memref<80x128xi32, #tpu.memory_space<vmem>> -> memref<1x128xi32, #tpu.memory_space<vmem>>
        %dma_start3A_59 = tpu.memref_squeeze %dma_start3A_58 : memref<1x128xi32, #tpu.memory_space<vmem>> -> memref<128xi32, #tpu.memory_space<vmem>>
        %dma_start3A_60 = arith.constant 0 : i32
        %dma_start3A_61 = arith.constant 0 : i32
        %dma_start3A_62 = tpu.memref_slice %arg11[%dma_start3A_60, %dma_start3A_61] : memref<10240x64xf32, #tpu.memory_space<vmem_shared>> -> memref<10240x64xf32, #tpu.memory_space<vmem_shared>>
        tpu.enqueue_indirect_dma source(%arg9 : memref<128x64xf32, #tpu.memory_space<vmem>>) target(%dma_start3A_62 : memref<10240x64xf32, #tpu.memory_space<vmem_shared>>) offsets(%dma_start3A_59 : memref<128xi32, #tpu.memory_space<vmem>>) semaphore(%run_scoped3A : memref<!tpu.dma_semaphore, #tpu.memory_space<semaphore_mem>>) {add = true}
        %dma_wait3A_63 = arith.constant 0 : i32
        %dma_wait3A_64 = tpu.memref_slice %arg8[%scan3A_23, %dma_wait3A_63] : memref<80x128xi32, #tpu.memory_space<vmem>> -> memref<1x128xi32, #tpu.memory_space<vmem>>
        %dma_wait3A_65 = tpu.memref_squeeze %dma_wait3A_64 : memref<1x128xi32, #tpu.memory_space<vmem>> -> memref<128xi32, #tpu.memory_space<vmem>>
        %dma_wait3A_66 = arith.constant 0 : i32
        %dma_wait3A_67 = arith.constant 0 : i32
        %dma_wait3A_68 = tpu.memref_slice %arg11[%dma_wait3A_66, %dma_wait3A_67] : memref<10240x64xf32, #tpu.memory_space<vmem_shared>> -> memref<10240x64xf32, #tpu.memory_space<vmem_shared>>
        tpu.wait_indirect_dma semaphore(%run_scoped3A : memref<!tpu.dma_semaphore, #tpu.memory_space<semaphore_mem>>) src(%arg9 : memref<128x64xf32, #tpu.memory_space<vmem>>) dst(%dma_wait3A_68 : memref<10240x64xf32, #tpu.memory_space<vmem_shared>>)
        tpu.yield
      }) : () -> ()
    }
    %scan3A_17 = arith.constant 80 : i32
    %barrier3A_18 = arith.constant 0 : index
    tpu.barrier barrier_id(%barrier3A_18)
    %mul3A_19 = arith.constant 640 : i32
    %mul3A_20 = arith.muli %arg1, %mul3A_19 : i32
    %mul3A_21 = arith.constant 640 : i32
    %mul3A_22 = arith.muli %arg1, %mul3A_21 : i32
    "tpu.region"() ({
      %run_scoped3A = tpu.sem_alloc : memref<!tpu.dma_semaphore, #tpu.memory_space<semaphore_mem>>
      %dma_start3A = arith.constant 0 : i32
      %dma_start3A_23 = tpu.memref_slice %arg6[%arg0, %mul3A_22, %dma_start3A] : memref<2x10240x64xf32, #tpu.memory_space<hbm>> -> memref<1x640x64xf32, #tpu.memory_space<hbm>>
      %dma_start3A_24 = tpu.memref_squeeze %dma_start3A_23 : memref<1x640x64xf32, #tpu.memory_space<hbm>> -> memref<640x64xf32, #tpu.memory_space<hbm>>
      %dma_start3A_25 = arith.constant 0 : i32
      %dma_start3A_26 = tpu.memref_slice %arg11[%mul3A_20, %dma_start3A_25] : memref<10240x64xf32, #tpu.memory_space<vmem_shared>> -> memref<640x64xf32, #tpu.memory_space<vmem_shared>>
      tpu.enqueue_dma source(%dma_start3A_26 : memref<640x64xf32, #tpu.memory_space<vmem_shared>>) target(%dma_start3A_24 : memref<640x64xf32, #tpu.memory_space<hbm>>) target_semaphore(%run_scoped3A : memref<!tpu.dma_semaphore, #tpu.memory_space<semaphore_mem>>)
      %dma_wait3A = arith.constant 0 : i32
      %dma_wait3A_27 = tpu.memref_slice %arg6[%arg0, %mul3A_22, %dma_wait3A] : memref<2x10240x64xf32, #tpu.memory_space<hbm>> -> memref<1x640x64xf32, #tpu.memory_space<hbm>>
      %dma_wait3A_28 = tpu.memref_squeeze %dma_wait3A_27 : memref<1x640x64xf32, #tpu.memory_space<hbm>> -> memref<640x64xf32, #tpu.memory_space<hbm>>
      %dma_wait3A_29 = arith.constant 0 : i32
      %dma_wait3A_30 = tpu.memref_slice %arg11[%mul3A_20, %dma_wait3A_29] : memref<10240x64xf32, #tpu.memory_space<vmem_shared>> -> memref<640x64xf32, #tpu.memory_space<vmem_shared>>
      tpu.wait_dma2 semaphore(%run_scoped3A : memref<!tpu.dma_semaphore, #tpu.memory_space<semaphore_mem>>) src(%dma_wait3A_30 : memref<640x64xf32, #tpu.memory_space<vmem_shared>>) dst(%dma_wait3A_28 : memref<640x64xf32, #tpu.memory_space<hbm>>)
      tpu.yield
    }) : () -> ()
    return
  }
}

module attributes {stable_mosaic.version = 14 : i64} {
  func.func @_embed_body(%arg0: memref<10000x128xf32, #tpu.memory_space<vmem>>, %arg1: memref<128x64xf32, #tpu.memory_space<vmem>>, %arg2: memref<1x64xf32, #tpu.memory_space<vmem>>, %arg3: memref<10000x64xf32, #tpu.memory_space<vmem>>) attributes {dimension_semantics = [], scalar_prefetch = 0 : i64, scratch_operands = 0 : i64, tpu.core_type = #tpu.core_type<tc>} {
    %get3A = arith.constant 0 : index
    %get3A_0 = arith.constant 0 : index
    %get3A_1 = vector.load %arg0[%get3A, %get3A_0] : memref<10000x128xf32, #tpu.memory_space<vmem>>, vector<10000x128xf32>
    %get3A_2 = arith.constant 0 : index
    %get3A_3 = arith.constant 0 : index
    %get3A_4 = vector.load %arg1[%get3A_2, %get3A_3] : memref<128x64xf32, #tpu.memory_space<vmem>>, vector<128x64xf32>
    %dot_general3A = arith.constant dense<0.000000e+00> : vector<10000x64xf32>
    %dot_general3A_5 = tpu.matmul %get3A_1, %get3A_4, %dot_general3A {dimension_numbers = #tpu.dot_dimension_numbers<[1], [0], [0], [1], [0, 0, 1, 1], [], []>, transpose_lhs_hint = false} : vector<10000x128xf32>, vector<128x64xf32>, vector<10000x64xf32> -> vector<10000x64xf32>
    %get3A_6 = arith.constant 0 : index
    %get3A_7 = arith.constant 0 : index
    %get3A_8 = vector.load %arg2[%get3A_6, %get3A_7] : memref<1x64xf32, #tpu.memory_space<vmem>>, vector<1x64xf32>
    %add3A = vector.broadcast %get3A_8 : vector<1x64xf32> to vector<10000x64xf32>
    %add3A_9 = arith.addf %dot_general3A_5, %add3A : vector<10000x64xf32>
    %swap3A = arith.constant 0 : index
    %swap3A_10 = arith.constant 0 : index
    %swap3A_11 = vector.load %arg3[%swap3A, %swap3A_10] : memref<10000x64xf32, #tpu.memory_space<vmem>>, vector<10000x64xf32>
    tpu.vector_store %arg3[%swap3A, %swap3A_10], %add3A_9 {strides = array<i32>} : memref<10000x64xf32, #tpu.memory_space<vmem>>, vector<10000x64xf32>,
    return
  }
}

module attributes {stable_mosaic.version = 14 : i64} {
  func.func @_edge_embed_body(%arg0: i32, %arg1: memref<1024x128xf32, #tpu.memory_space<vmem>>, %arg2: memref<128x512xf32, #tpu.memory_space<vmem>>, %arg3: memref<1x512xf32, #tpu.memory_space<vmem>>, %arg4: memref<4x1024x128xf32, #tpu.memory_space<vmem>>) attributes {dimension_semantics = [#tpu.dimension_semantics<arbitrary>], iteration_bounds = array<i64: 40>, scalar_prefetch = 0 : i64, scratch_operands = 0 : i64, tpu.core_type = #tpu.core_type<tc>, window_params = [{transform_indices = @transform_0, window_bounds = array<i64: 1024, 128>}, {pipeline_mode = #tpu.pipeline_mode<synchronous>, transform_indices = @transform_1, window_bounds = array<i64: 128, 512>}, {pipeline_mode = #tpu.pipeline_mode<synchronous>, transform_indices = @transform_2, window_bounds = array<i64: 1, 512>}, {transform_indices = @transform_3, window_bounds = array<i64: 4, 1024, 128>}]} {
    %get3A = arith.constant 0 : index
    %get3A_0 = arith.constant 0 : index
    %get3A_1 = vector.load %arg1[%get3A, %get3A_0] : memref<1024x128xf32, #tpu.memory_space<vmem>>, vector<1024x128xf32>
    %get3A_2 = arith.constant 0 : index
    %get3A_3 = arith.constant 0 : index
    %get3A_4 = vector.load %arg2[%get3A_2, %get3A_3] : memref<128x512xf32, #tpu.memory_space<vmem>>, vector<128x512xf32>
    %dot_general3A = arith.constant dense<0.000000e+00> : vector<1024x512xf32>
    %dot_general3A_5 = tpu.matmul %get3A_1, %get3A_4, %dot_general3A {dimension_numbers = #tpu.dot_dimension_numbers<[1], [0], [0], [1], [0, 0, 1, 1], [], []>, transpose_lhs_hint = false} : vector<1024x128xf32>, vector<128x512xf32>, vector<1024x512xf32> -> vector<1024x512xf32>
    %get3A_6 = arith.constant 0 : index
    %get3A_7 = arith.constant 0 : index
    %get3A_8 = vector.load %arg3[%get3A_6, %get3A_7] : memref<1x512xf32, #tpu.memory_space<vmem>>, vector<1x512xf32>
    %add3A = vector.broadcast %get3A_8 : vector<1x512xf32> to vector<1024x512xf32>
    %add3A_9 = arith.addf %dot_general3A_5, %add3A : vector<1024x512xf32>
    %mul3A = arith.constant 1024 : i32
    %mul3A_10 = arith.muli %arg0, %mul3A : i32
    %iota3A = tpu.iota {dimensions = array<i32: 0>} : vector<1024x1xi32>
    %add3A_11 = vector.broadcast %mul3A_10 : i32 to vector<1024x1xi32>
    %add3A_12 = arith.addi %add3A_11, %iota3A : vector<1024x1xi32>
    %lt3A = arith.constant 40000 : i32
    %lt3A_13 = vector.broadcast %lt3A : i32 to vector<1024x1xi32>
    %lt3A_14 = arith.cmpi slt, %add3A_12, %lt3A_13 : vector<1024x1xi32>
    %slice3A = vector.extract_strided_slice %add3A_9 {offsets = [0, 0], sizes = [1024, 128], strides = [1, 1]} : vector<1024x512xf32> to vector<1024x128xf32>
    %jit3A = arith.constant -1.000000e+30 : f32
    %broadcast_in_dim3A = vector.shape_cast %lt3A_14 : vector<1024x1xi1> to vector<1024x1xi1>
    %broadcast_in_dim3A_15 = vector.broadcast %broadcast_in_dim3A : vector<1024x1xi1> to vector<1024x128xi1>
    %broadcast_in_dim3A_16 = vector.broadcast %jit3A : f32 to vector<1024x128xf32>
    %select_n3A = arith.select %broadcast_in_dim3A_15, %slice3A, %broadcast_in_dim3A_16 : vector<1024x128xi1>, vector<1024x128xf32>
    %swap3A = arith.constant 0 : index
    %swap3A_17 = arith.constant 0 : index
    %swap3A_18 = arith.constant 0 : index
    %swap3A_19 = vector.load %arg4[%swap3A, %swap3A_17, %swap3A_18] : memref<4x1024x128xf32, #tpu.memory_space<vmem>>, vector<1x1024x128xf32>
    %swap3A_20 = vector.shape_cast %swap3A_19 : vector<1x1024x128xf32> to vector<1024x128xf32>
    %swap3A_21 = vector.shape_cast %select_n3A : vector<1024x128xf32> to vector<1x1024x128xf32>
    tpu.vector_store %arg4[%swap3A, %swap3A_17, %swap3A_18], %swap3A_21 {strides = array<i32>} : memref<4x1024x128xf32, #tpu.memory_space<vmem>>, vector<1x1024x128xf32>,
    %slice3A_22 = vector.extract_strided_slice %add3A_9 {offsets = [0, 128], sizes = [1024, 128], strides = [1, 1]} : vector<1024x512xf32> to vector<1024x128xf32>
    %jit3A_23 = arith.constant -1.000000e+30 : f32
    %broadcast_in_dim3A_24 = vector.shape_cast %lt3A_14 : vector<1024x1xi1> to vector<1024x1xi1>
    %broadcast_in_dim3A_25 = vector.broadcast %broadcast_in_dim3A_24 : vector<1024x1xi1> to vector<1024x128xi1>
    %broadcast_in_dim3A_26 = vector.broadcast %jit3A_23 : f32 to vector<1024x128xf32>
    %select_n3A_27 = arith.select %broadcast_in_dim3A_25, %slice3A_22, %broadcast_in_dim3A_26 : vector<1024x128xi1>, vector<1024x128xf32>
    %swap3A_28 = arith.constant 1 : index
    %swap3A_29 = arith.constant 0 : index
    %swap3A_30 = arith.constant 0 : index
    %swap3A_31 = vector.load %arg4[%swap3A_28, %swap3A_29, %swap3A_30] : memref<4x1024x128xf32, #tpu.memory_space<vmem>>, vector<1x1024x128xf32>
    %swap3A_32 = vector.shape_cast %swap3A_31 : vector<1x1024x128xf32> to vector<1024x128xf32>
    %swap3A_33 = vector.shape_cast %select_n3A_27 : vector<1024x128xf32> to vector<1x1024x128xf32>
    tpu.vector_store %arg4[%swap3A_28, %swap3A_29, %swap3A_30], %swap3A_33 {strides = array<i32>} : memref<4x1024x128xf32, #tpu.memory_space<vmem>>, vector<1x1024x128xf32>,
    %slice3A_34 = vector.extract_strided_slice %add3A_9 {offsets = [0, 256], sizes = [1024, 128], strides = [1, 1]} : vector<1024x512xf32> to vector<1024x128xf32>
    %jit3A_35 = arith.constant -1.000000e+30 : f32
    %broadcast_in_dim3A_36 = vector.shape_cast %lt3A_14 : vector<1024x1xi1> to vector<1024x1xi1>
    %broadcast_in_dim3A_37 = vector.broadcast %broadcast_in_dim3A_36 : vector<1024x1xi1> to vector<1024x128xi1>
    %broadcast_in_dim3A_38 = vector.broadcast %jit3A_35 : f32 to vector<1024x128xf32>
    %select_n3A_39 = arith.select %broadcast_in_dim3A_37, %slice3A_34, %broadcast_in_dim3A_38 : vector<1024x128xi1>, vector<1024x128xf32>
    %swap3A_40 = arith.constant 2 : index
    %swap3A_41 = arith.constant 0 : index
    %swap3A_42 = arith.constant 0 : index
    %swap3A_43 = vector.load %arg4[%swap3A_40, %swap3A_41, %swap3A_42] : memref<4x1024x128xf32, #tpu.memory_space<vmem>>, vector<1x1024x128xf32>
    %swap3A_44 = vector.shape_cast %swap3A_43 : vector<1x1024x128xf32> to vector<1024x128xf32>
    %swap3A_45 = vector.shape_cast %select_n3A_39 : vector<1024x128xf32> to vector<1x1024x128xf32>
    tpu.vector_store %arg4[%swap3A_40, %swap3A_41, %swap3A_42], %swap3A_45 {strides = array<i32>} : memref<4x1024x128xf32, #tpu.memory_space<vmem>>, vector<1x1024x128xf32>,
    %slice3A_46 = vector.extract_strided_slice %add3A_9 {offsets = [0, 384], sizes = [1024, 128], strides = [1, 1]} : vector<1024x512xf32> to vector<1024x128xf32>
    %jit3A_47 = arith.constant -1.000000e+30 : f32
    %broadcast_in_dim3A_48 = vector.shape_cast %lt3A_14 : vector<1024x1xi1> to vector<1024x1xi1>
    %broadcast_in_dim3A_49 = vector.broadcast %broadcast_in_dim3A_48 : vector<1024x1xi1> to vector<1024x128xi1>
    %broadcast_in_dim3A_50 = vector.broadcast %jit3A_47 : f32 to vector<1024x128xf32>
    %select_n3A_51 = arith.select %broadcast_in_dim3A_49, %slice3A_46, %broadcast_in_dim3A_50 : vector<1024x128xi1>, vector<1024x128xf32>
    %swap3A_52 = arith.constant 3 : index
    %swap3A_53 = arith.constant 0 : index
    %swap3A_54 = arith.constant 0 : index
    %swap3A_55 = vector.load %arg4[%swap3A_52, %swap3A_53, %swap3A_54] : memref<4x1024x128xf32, #tpu.memory_space<vmem>>, vector<1x1024x128xf32>
    %swap3A_56 = vector.shape_cast %swap3A_55 : vector<1x1024x128xf32> to vector<1024x128xf32>
    %swap3A_57 = vector.shape_cast %select_n3A_51 : vector<1024x128xf32> to vector<1x1024x128xf32>
    tpu.vector_store %arg4[%swap3A_52, %swap3A_53, %swap3A_54], %swap3A_57 {strides = array<i32>} : memref<4x1024x128xf32, #tpu.memory_space<vmem>>, vector<1x1024x128xf32>,
    return
  }
  func.func @transform_0(%arg0: i32) -> (i32, i32) {
    %c0_i32 = arith.constant 0 : i32
    %c0_i32_0 = arith.constant 0 : i32
    return %arg0, %c0_i32 : i32, i32
  }
  func.func @transform_1(%arg0: i32) -> (i32, i32) {
    %c0_i32 = arith.constant 0 : i32
    %c0_i32_0 = arith.constant 0 : i32
    %c0_i32_1 = arith.constant 0 : i32
    return %c0_i32, %c0_i32_0 : i32, i32
  }
  func.func @transform_2(%arg0: i32) -> (i32, i32) {
    %c0_i32 = arith.constant 0 : i32
    %c0_i32_0 = arith.constant 0 : i32
    %c0_i32_1 = arith.constant 0 : i32
    return %c0_i32, %c0_i32_0 : i32, i32
  }
  func.func @transform_3(%arg0: i32) -> (i32, i32, i32) {
    %c0_i32 = arith.constant 0 : i32
    %c0_i32_0 = arith.constant 0 : i32
    %c0_i32_1 = arith.constant 0 : i32
    return %c0_i32, %arg0, %c0_i32_0 : i32, i32, i32
  }
}

module attributes {stable_mosaic.version = 14 : i64} {
  func.func @_mlp_stats_body(%arg0: i32, %arg1: memref<1000x64xf32, #tpu.memory_space<vmem>>, %arg2: memref<2x1000x64xf32, #tpu.memory_space<vmem>>, %arg3: memref<64x128xf32, #tpu.memory_space<vmem>>, %arg4: memref<1x128xf32, #tpu.memory_space<vmem>>, %arg5: memref<128x64xf32, #tpu.memory_space<vmem>>, %arg6: memref<1x64xf32, #tpu.memory_space<vmem>>, %arg7: memref<1000x64xf32, #tpu.memory_space<vmem>>, %arg8: memref<1x64xf32, #tpu.memory_space<vmem>>, %arg9: memref<1x64xf32, #tpu.memory_space<vmem>>) attributes {dimension_semantics = [#tpu.dimension_semantics<arbitrary>], iteration_bounds = array<i64: 10>, scalar_prefetch = 0 : i64, scratch_operands = 1 : i64, tpu.core_type = #tpu.core_type<tc>, window_params = [{transform_indices = @transform_0, window_bounds = array<i64: 1000, 64>}, {transform_indices = @transform_1, window_bounds = array<i64: 2, 1000, 64>}, {pipeline_mode = #tpu.pipeline_mode<synchronous>, transform_indices = @transform_2, window_bounds = array<i64: 64, 128>}, {pipeline_mode = #tpu.pipeline_mode<synchronous>, transform_indices = @transform_3, window_bounds = array<i64: 1, 128>}, {pipeline_mode = #tpu.pipeline_mode<synchronous>, transform_indices = @transform_4, window_bounds = array<i64: 128, 64>}, {pipeline_mode = #tpu.pipeline_mode<synchronous>, transform_indices = @transform_5, window_bounds = array<i64: 1, 64>}, {transform_indices = @transform_6, window_bounds = array<i64: 1000, 64>}, {pipeline_mode = #tpu.pipeline_mode<synchronous>, transform_indices = @transform_7, window_bounds = array<i64: 1, 64>}]} {
    %get3A = arith.constant 0 : index
    %get3A_0 = arith.constant 0 : index
    %get3A_1 = vector.load %arg1[%get3A, %get3A_0] : memref<1000x64xf32, #tpu.memory_space<vmem>>, vector<1000x64xf32>
    %get3A_2 = arith.constant 0 : index
    %get3A_3 = arith.constant 0 : index
    %get3A_4 = arith.constant 0 : index
    %get3A_5 = vector.load %arg2[%get3A_2, %get3A_3, %get3A_4] : memref<2x1000x64xf32, #tpu.memory_space<vmem>>, vector<1x1000x64xf32>
    %get3A_6 = vector.shape_cast %get3A_5 : vector<1x1000x64xf32> to vector<1000x64xf32>
    %get3A_7 = arith.constant 1 : index
    %get3A_8 = arith.constant 0 : index
    %get3A_9 = arith.constant 0 : index
    %get3A_10 = vector.load %arg2[%get3A_7, %get3A_8, %get3A_9] : memref<2x1000x64xf32, #tpu.memory_space<vmem>>, vector<1x1000x64xf32>
    %get3A_11 = vector.shape_cast %get3A_10 : vector<1x1000x64xf32> to vector<1000x64xf32>
    %add3A = arith.addf %get3A_6, %get3A_11 : vector<1000x64xf32>
    %add3A_12 = arith.addf %get3A_1, %add3A : vector<1000x64xf32>
    %get3A_13 = arith.constant 0 : index
    %get3A_14 = arith.constant 0 : index
    %get3A_15 = vector.load %arg3[%get3A_13, %get3A_14] : memref<64x128xf32, #tpu.memory_space<vmem>>, vector<64x128xf32>
    %dot_general3A = arith.constant dense<0.000000e+00> : vector<1000x128xf32>
    %dot_general3A_16 = tpu.matmul %add3A_12, %get3A_15, %dot_general3A {dimension_numbers = #tpu.dot_dimension_numbers<[1], [0], [0], [1], [0, 0, 1, 1], [], []>, transpose_lhs_hint = false} : vector<1000x64xf32>, vector<64x128xf32>, vector<1000x128xf32> -> vector<1000x128xf32>
    %get3A_17 = arith.constant 0 : index
    %get3A_18 = arith.constant 0 : index
    %get3A_19 = vector.load %arg4[%get3A_17, %get3A_18] : memref<1x128xf32, #tpu.memory_space<vmem>>, vector<1x128xf32>
    %add3A_20 = vector.broadcast %get3A_19 : vector<1x128xf32> to vector<1000x128xf32>
    %add3A_21 = arith.addf %dot_general3A_16, %add3A_20 : vector<1000x128xf32>
    %max3A = arith.constant 0.000000e+00 : f32
    %max3A_22 = vector.broadcast %max3A : f32 to vector<1000x128xf32>
    %max3A_23 = arith.maximumf %add3A_21, %max3A_22 : vector<1000x128xf32>
    %get3A_24 = arith.constant 0 : index
    %get3A_25 = arith.constant 0 : index
    %get3A_26 = vector.load %arg5[%get3A_24, %get3A_25] : memref<128x64xf32, #tpu.memory_space<vmem>>, vector<128x64xf32>
    %dot_general3A_27 = arith.constant dense<0.000000e+00> : vector<1000x64xf32>
    %dot_general3A_28 = tpu.matmul %max3A_23, %get3A_26, %dot_general3A_27 {dimension_numbers = #tpu.dot_dimension_numbers<[1], [0], [0], [1], [0, 0, 1, 1], [], []>, transpose_lhs_hint = false} : vector<1000x128xf32>, vector<128x64xf32>, vector<1000x64xf32> -> vector<1000x64xf32>
    %get3A_29 = arith.constant 0 : index
    %get3A_30 = arith.constant 0 : index
    %get3A_31 = vector.load %arg6[%get3A_29, %get3A_30] : memref<1x64xf32, #tpu.memory_space<vmem>>, vector<1x64xf32>
    %add3A_32 = vector.broadcast %get3A_31 : vector<1x64xf32> to vector<1000x64xf32>
    %add3A_33 = arith.addf %dot_general3A_28, %add3A_32 : vector<1000x64xf32>
    %swap3A = arith.constant 0 : index
    %swap3A_34 = arith.constant 0 : index
    %swap3A_35 = vector.load %arg7[%swap3A, %swap3A_34] : memref<1000x64xf32, #tpu.memory_space<vmem>>, vector<1000x64xf32>
    tpu.vector_store %arg7[%swap3A, %swap3A_34], %add3A_33 {strides = array<i32>} : memref<1000x64xf32, #tpu.memory_space<vmem>>, vector<1000x64xf32>,
    %eq3A = arith.constant 0 : i32
    %eq3A_36 = arith.cmpi eq, %arg0, %eq3A : i32
    %convert_element_type3A = arith.extui %eq3A_36 : i1 to i32
    %cond3A = arith.constant 0 : i32
    %cond3A_37 = arith.cmpi ne, %convert_element_type3A, %cond3A : i32
    scf.if %cond3A_37 {
      %broadcast_in_dim3A_51 = arith.constant 0.000000e+00 : f32
      %broadcast_in_dim3A_52 = vector.broadcast %broadcast_in_dim3A_51 : f32 to vector<1x64xf32>
      %swap3A_53 = arith.constant 0 : index
      %swap3A_54 = arith.constant 0 : index
      %swap3A_55 = vector.load %arg9[%swap3A_53, %swap3A_54] : memref<1x64xf32, #tpu.memory_space<vmem>>, vector<1x64xf32>
      tpu.vector_store %arg9[%swap3A_53, %swap3A_54], %broadcast_in_dim3A_52 {strides = array<i32>} : memref<1x64xf32, #tpu.memory_space<vmem>>, vector<1x64xf32>,
    } else {
    }
    %get3A_38 = arith.constant 0 : index
    %get3A_39 = arith.constant 0 : index
    %get3A_40 = vector.load %arg9[%get3A_38, %get3A_39] : memref<1x64xf32, #tpu.memory_space<vmem>>, vector<1x64xf32>
    %reduce_sum3A = arith.constant dense<0.000000e+00> : vector<64xf32>
    %reduce_sum3A_41 = vector.multi_reduction <add>, %add3A_33, %reduce_sum3A [0] : vector<1000x64xf32> to vector<64xf32>
    %broadcast_in_dim3A = vector.shape_cast %reduce_sum3A_41 : vector<64xf32> to vector<1x64xf32>
    %add3A_42 = arith.addf %get3A_40, %broadcast_in_dim3A : vector<1x64xf32>
    %swap3A_43 = arith.constant 0 : index
    %swap3A_44 = arith.constant 0 : index
    %swap3A_45 = vector.load %arg9[%swap3A_43, %swap3A_44] : memref<1x64xf32, #tpu.memory_space<vmem>>, vector<1x64xf32>
    tpu.vector_store %arg9[%swap3A_43, %swap3A_44], %add3A_42 {strides = array<i32>} : memref<1x64xf32, #tpu.memory_space<vmem>>, vector<1x64xf32>,
    %eq3A_46 = arith.constant 9 : i32
    %eq3A_47 = arith.cmpi eq, %arg0, %eq3A_46 : i32
    %convert_element_type3A_48 = arith.extui %eq3A_47 : i1 to i32
    %cond3A_49 = arith.constant 0 : i32
    %cond3A_50 = arith.cmpi ne, %convert_element_type3A_48, %cond3A_49 : i32
    scf.if %cond3A_50 {
      %get3A_51 = arith.constant 0 : index
      %get3A_52 = arith.constant 0 : index
      %get3A_53 = vector.load %arg9[%get3A_51, %get3A_52] : memref<1x64xf32, #tpu.memory_space<vmem>>, vector<1x64xf32>
      %swap3A_54 = arith.constant 0 : index
      %swap3A_55 = arith.constant 0 : index
      %swap3A_56 = vector.load %arg8[%swap3A_54, %swap3A_55] : memref<1x64xf32, #tpu.memory_space<vmem>>, vector<1x64xf32>
      tpu.vector_store %arg8[%swap3A_54, %swap3A_55], %get3A_53 {strides = array<i32>} : memref<1x64xf32, #tpu.memory_space<vmem>>, vector<1x64xf32>,
    } else {
    }
    return
  }
  func.func @transform_0(%arg0: i32) -> (i32, i32) {
    %c0_i32 = arith.constant 0 : i32
    %c0_i32_0 = arith.constant 0 : i32
    return %arg0, %c0_i32 : i32, i32
  }
  func.func @transform_1(%arg0: i32) -> (i32, i32, i32) {
    %c0_i32 = arith.constant 0 : i32
    %c0_i32_0 = arith.constant 0 : i32
    %c0_i32_1 = arith.constant 0 : i32
    return %c0_i32, %arg0, %c0_i32_0 : i32, i32, i32
  }
  func.func @transform_2(%arg0: i32) -> (i32, i32) {
    %c0_i32 = arith.constant 0 : i32
    %c0_i32_0 = arith.constant 0 : i32
    %c0_i32_1 = arith.constant 0 : i32
    return %c0_i32, %c0_i32_0 : i32, i32
  }
  func.func @transform_3(%arg0: i32) -> (i32, i32) {
    %c0_i32 = arith.constant 0 : i32
    %c0_i32_0 = arith.constant 0 : i32
    %c0_i32_1 = arith.constant 0 : i32
    return %c0_i32, %c0_i32_0 : i32, i32
  }
  func.func @transform_4(%arg0: i32) -> (i32, i32) {
    %c0_i32 = arith.constant 0 : i32
    %c0_i32_0 = arith.constant 0 : i32
    %c0_i32_1 = arith.constant 0 : i32
    return %c0_i32, %c0_i32_0 : i32, i32
  }
  func.func @transform_5(%arg0: i32) -> (i32, i32) {
    %c0_i32 = arith.constant 0 : i32
    %c0_i32_0 = arith.constant 0 : i32
    %c0_i32_1 = arith.constant 0 : i32
    return %c0_i32, %c0_i32_0 : i32, i32
  }
  func.func @transform_6(%arg0: i32) -> (i32, i32) {
    %c0_i32 = arith.constant 0 : i32
    %c0_i32_0 = arith.constant 0 : i32
    return %arg0, %c0_i32 : i32, i32
  }
  func.func @transform_7(%arg0: i32) -> (i32, i32) {
    %c0_i32 = arith.constant 0 : i32
    %c0_i32_0 = arith.constant 0 : i32
    %c0_i32_1 = arith.constant 0 : i32
    return %c0_i32, %c0_i32_0 : i32, i32
  }
}

module attributes {stable_mosaic.version = 14 : i64} {
  func.func @_bn_body(%arg0: i32, %arg1: i32, %arg2: memref<1000x64xf32, #tpu.memory_space<vmem>>, %arg3: memref<1x64xf32, #tpu.memory_space<vmem>>, %arg4: memref<1x64xf32, #tpu.memory_space<vmem>>, %arg5: memref<1x64xf32, #tpu.memory_space<vmem>>, %arg6: memref<1000x64xf32, #tpu.memory_space<vmem>>, %arg7: memref<1x64xf32, #tpu.memory_space<vmem>>) attributes {dimension_semantics = [#tpu.dimension_semantics<arbitrary>, #tpu.dimension_semantics<arbitrary>], iteration_bounds = array<i64: 2, 10>, scalar_prefetch = 0 : i64, scratch_operands = 1 : i64, tpu.core_type = #tpu.core_type<tc>, window_params = [{transform_indices = @transform_0, window_bounds = array<i64: 1000, 64>}, {pipeline_mode = #tpu.pipeline_mode<synchronous>, transform_indices = @transform_1, window_bounds = array<i64: 1, 64>}, {pipeline_mode = #tpu.pipeline_mode<synchronous>, transform_indices = @transform_2, window_bounds = array<i64: 1, 64>}, {pipeline_mode = #tpu.pipeline_mode<synchronous>, transform_indices = @transform_3, window_bounds = array<i64: 1, 64>}, {transform_indices = @transform_4, window_bounds = array<i64: 1000, 64>}]} {
    %get3A = arith.constant 0 : index
    %get3A_0 = arith.constant 0 : index
    %get3A_1 = vector.load %arg3[%get3A, %get3A_0] : memref<1x64xf32, #tpu.memory_space<vmem>>, vector<1x64xf32>
    %div3A = arith.constant 1.000000e+04 : f32
    %div3A_2 = vector.broadcast %div3A : f32 to vector<1x64xf32>
    %div3A_3 = arith.divf %get3A_1, %div3A_2 : vector<1x64xf32>
    %get3A_4 = arith.constant 0 : index
    %get3A_5 = arith.constant 0 : index
    %get3A_6 = vector.load %arg2[%get3A_4, %get3A_5] : memref<1000x64xf32, #tpu.memory_space<vmem>>, vector<1000x64xf32>
    %sub3A = vector.broadcast %div3A_3 : vector<1x64xf32> to vector<1000x64xf32>
    %sub3A_7 = arith.subf %get3A_6, %sub3A : vector<1000x64xf32>
    %eq3A = arith.constant 0 : i32
    %eq3A_8 = arith.cmpi eq, %arg0, %eq3A : i32
    %convert_element_type3A = arith.extui %eq3A_8 : i1 to i32
    %cond3A = arith.constant 0 : i32
    %cond3A_9 = arith.cmpi ne, %convert_element_type3A, %cond3A : i32
    scf.if %cond3A_9 {
      %eq3A_15 = arith.constant 0 : i32
      %eq3A_16 = arith.cmpi eq, %arg1, %eq3A_15 : i32
      %convert_element_type3A_17 = arith.extui %eq3A_16 : i1 to i32
      %cond3A_18 = arith.constant 0 : i32
      %cond3A_19 = arith.cmpi ne, %convert_element_type3A_17, %cond3A_18 : i32
      scf.if %cond3A_19 {
        %broadcast_in_dim3A_26 = arith.constant 0.000000e+00 : f32
        %broadcast_in_dim3A_27 = vector.broadcast %broadcast_in_dim3A_26 : f32 to vector<1x64xf32>
        %swap3A_28 = arith.constant 0 : index
        %swap3A_29 = arith.constant 0 : index
        %swap3A_30 = vector.load %arg7[%swap3A_28, %swap3A_29] : memref<1x64xf32, #tpu.memory_space<vmem>>, vector<1x64xf32>
        tpu.vector_store %arg7[%swap3A_28, %swap3A_29], %broadcast_in_dim3A_27 {strides = array<i32>} : memref<1x64xf32, #tpu.memory_space<vmem>>, vector<1x64xf32>,
      } else {
      }
      %get3A_20 = arith.constant 0 : index
      %get3A_21 = arith.constant 0 : index
      %get3A_22 = vector.load %arg7[%get3A_20, %get3A_21] : memref<1x64xf32, #tpu.memory_space<vmem>>, vector<1x64xf32>
      %mul3A = arith.mulf %sub3A_7, %sub3A_7 : vector<1000x64xf32>
      %reduce_sum3A = arith.constant dense<0.000000e+00> : vector<64xf32>
      %reduce_sum3A_23 = vector.multi_reduction <add>, %mul3A, %reduce_sum3A [0] : vector<1000x64xf32> to vector<64xf32>
      %broadcast_in_dim3A = vector.shape_cast %reduce_sum3A_23 : vector<64xf32> to vector<1x64xf32>
      %add3A = arith.addf %get3A_22, %broadcast_in_dim3A : vector<1x64xf32>
      %swap3A = arith.constant 0 : index
      %swap3A_24 = arith.constant 0 : index
      %swap3A_25 = vector.load %arg7[%swap3A, %swap3A_24] : memref<1x64xf32, #tpu.memory_space<vmem>>, vector<1x64xf32>
      tpu.vector_store %arg7[%swap3A, %swap3A_24], %add3A {strides = array<i32>} : memref<1x64xf32, #tpu.memory_space<vmem>>, vector<1x64xf32>,
    } else {
    }
    %eq3A_10 = arith.constant 1 : i32
    %eq3A_11 = arith.cmpi eq, %arg0, %eq3A_10 : i32
    %convert_element_type3A_12 = arith.extui %eq3A_11 : i1 to i32
    %cond3A_13 = arith.constant 0 : i32
    %cond3A_14 = arith.cmpi ne, %convert_element_type3A_12, %cond3A_13 : i32
    scf.if %cond3A_14 {
      %get3A_15 = arith.constant 0 : index
      %get3A_16 = arith.constant 0 : index
      %get3A_17 = vector.load %arg7[%get3A_15, %get3A_16] : memref<1x64xf32, #tpu.memory_space<vmem>>, vector<1x64xf32>
      %div3A_18 = arith.constant 1.000000e+04 : f32
      %div3A_19 = vector.broadcast %div3A_18 : f32 to vector<1x64xf32>
      %div3A_20 = arith.divf %get3A_17, %div3A_19 : vector<1x64xf32>
      %add3A = arith.constant 9.99999974E-6 : f32
      %add3A_21 = vector.broadcast %add3A : f32 to vector<1x64xf32>
      %add3A_22 = arith.addf %div3A_20, %add3A_21 : vector<1x64xf32>
      %sqrt3A = math.sqrt %add3A_22 : vector<1x64xf32>
      %div3A_23 = vector.broadcast %sqrt3A : vector<1x64xf32> to vector<1000x64xf32>
      %div3A_24 = arith.divf %sub3A_7, %div3A_23 : vector<1000x64xf32>
      %get3A_25 = arith.constant 0 : index
      %get3A_26 = arith.constant 0 : index
      %get3A_27 = vector.load %arg4[%get3A_25, %get3A_26] : memref<1x64xf32, #tpu.memory_space<vmem>>, vector<1x64xf32>
      %mul3A = vector.broadcast %get3A_27 : vector<1x64xf32> to vector<1000x64xf32>
      %mul3A_28 = arith.mulf %div3A_24, %mul3A : vector<1000x64xf32>
      %get3A_29 = arith.constant 0 : index
      %get3A_30 = arith.constant 0 : index
      %get3A_31 = vector.load %arg5[%get3A_29, %get3A_30] : memref<1x64xf32, #tpu.memory_space<vmem>>, vector<1x64xf32>
      %add3A_32 = vector.broadcast %get3A_31 : vector<1x64xf32> to vector<1000x64xf32>
      %add3A_33 = arith.addf %mul3A_28, %add3A_32 : vector<1000x64xf32>
      %max3A = arith.constant 0.000000e+00 : f32
      %max3A_34 = vector.broadcast %max3A : f32 to vector<1000x64xf32>
      %max3A_35 = arith.maximumf %add3A_33, %max3A_34 : vector<1000x64xf32>
      %swap3A = arith.constant 0 : index
      %swap3A_36 = arith.constant 0 : index
      %swap3A_37 = vector.load %arg6[%swap3A, %swap3A_36] : memref<1000x64xf32, #tpu.memory_space<vmem>>, vector<1000x64xf32>
      tpu.vector_store %arg6[%swap3A, %swap3A_36], %max3A_35 {strides = array<i32>} : memref<1000x64xf32, #tpu.memory_space<vmem>>, vector<1000x64xf32>,
    } else {
    }
    return
  }
  func.func @transform_0(%arg0: i32, %arg1: i32) -> (i32, i32) {
    %c0_i32 = arith.constant 0 : i32
    %c0_i32_0 = arith.constant 0 : i32
    return %arg1, %c0_i32 : i32, i32
  }
  func.func @transform_1(%arg0: i32, %arg1: i32) -> (i32, i32) {
    %c0_i32 = arith.constant 0 : i32
    %c0_i32_0 = arith.constant 0 : i32
    %c0_i32_1 = arith.constant 0 : i32
    return %c0_i32, %c0_i32_0 : i32, i32
  }
  func.func @transform_2(%arg0: i32, %arg1: i32) -> (i32, i32) {
    %c0_i32 = arith.constant 0 : i32
    %c0_i32_0 = arith.constant 0 : i32
    %c0_i32_1 = arith.constant 0 : i32
    return %c0_i32, %c0_i32_0 : i32, i32
  }
  func.func @transform_3(%arg0: i32, %arg1: i32) -> (i32, i32) {
    %c0_i32 = arith.constant 0 : i32
    %c0_i32_0 = arith.constant 0 : i32
    %c0_i32_1 = arith.constant 0 : i32
    return %c0_i32, %c0_i32_0 : i32, i32
  }
  func.func @transform_4(%arg0: i32, %arg1: i32) -> (i32, i32) {
    %c0_i32 = arith.constant 0 : i32
    %c0_i32_0 = arith.constant 0 : i32
    return %arg1, %c0_i32 : i32, i32
  }
}

module attributes {stable_mosaic.version = 14 : i64} {
  func.func @_pool_head_body(%arg0: i32, %arg1: i32, %arg2: memref<1000x64xf32, #tpu.memory_space<vmem>>, %arg3: memref<1x64xf32, #tpu.memory_space<vmem>>, %arg4: memref<1x64xf32, #tpu.memory_space<vmem>>, %arg5: memref<1x64xf32, #tpu.memory_space<vmem>>, %arg6: memref<1000x1xi32, #tpu.memory_space<vmem>>, %arg7: memref<64x32xf32, #tpu.memory_space<vmem>>, %arg8: memref<1x32xf32, #tpu.memory_space<vmem>>, %arg9: memref<32x1xf32, #tpu.memory_space<vmem>>, %arg10: memref<1x1xf32, #tpu.memory_space<vmem>>, %arg11: memref<64x1xf32, #tpu.memory_space<vmem>>, %arg12: memref<1x64xf32, #tpu.memory_space<vmem>>, %arg13: memref<64x64xf32, #tpu.memory_space<vmem>>, %arg14: memref<64x1xf32, #tpu.memory_space<vmem>>) attributes {dimension_semantics = [#tpu.dimension_semantics<arbitrary>, #tpu.dimension_semantics<arbitrary>], iteration_bounds = array<i64: 2, 10>, scalar_prefetch = 0 : i64, scratch_operands = 3 : i64, tpu.core_type = #tpu.core_type<tc>, window_params = [{transform_indices = @transform_0, window_bounds = array<i64: 1000, 64>}, {pipeline_mode = #tpu.pipeline_mode<synchronous>, transform_indices = @transform_1, window_bounds = array<i64: 1, 64>}, {pipeline_mode = #tpu.pipeline_mode<synchronous>, transform_indices = @transform_2, window_bounds = array<i64: 1, 64>}, {pipeline_mode = #tpu.pipeline_mode<synchronous>, transform_indices = @transform_3, window_bounds = array<i64: 1, 64>}, {transform_indices = @transform_4, window_bounds = array<i64: 1000, 1>}, {pipeline_mode = #tpu.pipeline_mode<synchronous>, transform_indices = @transform_5, window_bounds = array<i64: 64, 32>}, {pipeline_mode = #tpu.pipeline_mode<synchronous>, transform_indices = @transform_6, window_bounds = array<i64: 1, 32>}, {pipeline_mode = #tpu.pipeline_mode<synchronous>, transform_indices = @transform_7, window_bounds = array<i64: 32, 1>}, {pipeline_mode = #tpu.pipeline_mode<synchronous>, transform_indices = @transform_8, window_bounds = array<i64: 1, 1>}, {pipeline_mode = #tpu.pipeline_mode<synchronous>, transform_indices = @transform_9, window_bounds = array<i64: 64, 1>}]} {
    %get3A = arith.constant 0 : index
    %get3A_0 = arith.constant 0 : index
    %get3A_1 = vector.load %arg3[%get3A, %get3A_0] : memref<1x64xf32, #tpu.memory_space<vmem>>, vector<1x64xf32>
    %div3A = arith.constant 1.000000e+04 : f32
    %div3A_2 = vector.broadcast %div3A : f32 to vector<1x64xf32>
    %div3A_3 = arith.divf %get3A_1, %div3A_2 : vector<1x64xf32>
    %get3A_4 = arith.constant 0 : index
    %get3A_5 = arith.constant 0 : index
    %get3A_6 = vector.load %arg2[%get3A_4, %get3A_5] : memref<1000x64xf32, #tpu.memory_space<vmem>>, vector<1000x64xf32>
    %sub3A = vector.broadcast %div3A_3 : vector<1x64xf32> to vector<1000x64xf32>
    %sub3A_7 = arith.subf %get3A_6, %sub3A : vector<1000x64xf32>
    %eq3A = arith.constant 0 : i32
    %eq3A_8 = arith.cmpi eq, %arg0, %eq3A : i32
    %convert_element_type3A = arith.extui %eq3A_8 : i1 to i32
    %cond3A = arith.constant 0 : i32
    %cond3A_9 = arith.cmpi ne, %convert_element_type3A, %cond3A : i32
    scf.if %cond3A_9 {
      %eq3A_15 = arith.constant 0 : i32
      %eq3A_16 = arith.cmpi eq, %arg1, %eq3A_15 : i32
      %convert_element_type3A_17 = arith.extui %eq3A_16 : i1 to i32
      %cond3A_18 = arith.constant 0 : i32
      %cond3A_19 = arith.cmpi ne, %convert_element_type3A_17, %cond3A_18 : i32
      scf.if %cond3A_19 {
        %broadcast_in_dim3A_26 = arith.constant 0.000000e+00 : f32
        %broadcast_in_dim3A_27 = vector.broadcast %broadcast_in_dim3A_26 : f32 to vector<1x64xf32>
        %swap3A_28 = arith.constant 0 : index
        %swap3A_29 = arith.constant 0 : index
        %swap3A_30 = vector.load %arg12[%swap3A_28, %swap3A_29] : memref<1x64xf32, #tpu.memory_space<vmem>>, vector<1x64xf32>
        tpu.vector_store %arg12[%swap3A_28, %swap3A_29], %broadcast_in_dim3A_27 {strides = array<i32>} : memref<1x64xf32, #tpu.memory_space<vmem>>, vector<1x64xf32>,
      } else {
      }
      %get3A_20 = arith.constant 0 : index
      %get3A_21 = arith.constant 0 : index
      %get3A_22 = vector.load %arg12[%get3A_20, %get3A_21] : memref<1x64xf32, #tpu.memory_space<vmem>>, vector<1x64xf32>
      %mul3A = arith.mulf %sub3A_7, %sub3A_7 : vector<1000x64xf32>
      %reduce_sum3A = arith.constant dense<0.000000e+00> : vector<64xf32>
      %reduce_sum3A_23 = vector.multi_reduction <add>, %mul3A, %reduce_sum3A [0] : vector<1000x64xf32> to vector<64xf32>
      %broadcast_in_dim3A = vector.shape_cast %reduce_sum3A_23 : vector<64xf32> to vector<1x64xf32>
      %add3A = arith.addf %get3A_22, %broadcast_in_dim3A : vector<1x64xf32>
      %swap3A = arith.constant 0 : index
      %swap3A_24 = arith.constant 0 : index
      %swap3A_25 = vector.load %arg12[%swap3A, %swap3A_24] : memref<1x64xf32, #tpu.memory_space<vmem>>, vector<1x64xf32>
      tpu.vector_store %arg12[%swap3A, %swap3A_24], %add3A {strides = array<i32>} : memref<1x64xf32, #tpu.memory_space<vmem>>, vector<1x64xf32>,
    } else {
    }
    %eq3A_10 = arith.constant 1 : i32
    %eq3A_11 = arith.cmpi eq, %arg0, %eq3A_10 : i32
    %convert_element_type3A_12 = arith.extui %eq3A_11 : i1 to i32
    %cond3A_13 = arith.constant 0 : i32
    %cond3A_14 = arith.cmpi ne, %convert_element_type3A_12, %cond3A_13 : i32
    scf.if %cond3A_14 {
      %get3A_15 = arith.constant 0 : index
      %get3A_16 = arith.constant 0 : index
      %get3A_17 = vector.load %arg12[%get3A_15, %get3A_16] : memref<1x64xf32, #tpu.memory_space<vmem>>, vector<1x64xf32>
      %div3A_18 = arith.constant 1.000000e+04 : f32
      %div3A_19 = vector.broadcast %div3A_18 : f32 to vector<1x64xf32>
      %div3A_20 = arith.divf %get3A_17, %div3A_19 : vector<1x64xf32>
      %add3A = arith.constant 9.99999974E-6 : f32
      %add3A_21 = vector.broadcast %add3A : f32 to vector<1x64xf32>
      %add3A_22 = arith.addf %div3A_20, %add3A_21 : vector<1x64xf32>
      %sqrt3A = math.sqrt %add3A_22 : vector<1x64xf32>
      %div3A_23 = vector.broadcast %sqrt3A : vector<1x64xf32> to vector<1000x64xf32>
      %div3A_24 = arith.divf %sub3A_7, %div3A_23 : vector<1000x64xf32>
      %get3A_25 = arith.constant 0 : index
      %get3A_26 = arith.constant 0 : index
      %get3A_27 = vector.load %arg4[%get3A_25, %get3A_26] : memref<1x64xf32, #tpu.memory_space<vmem>>, vector<1x64xf32>
      %mul3A = vector.broadcast %get3A_27 : vector<1x64xf32> to vector<1000x64xf32>
      %mul3A_28 = arith.mulf %div3A_24, %mul3A : vector<1000x64xf32>
      %get3A_29 = arith.constant 0 : index
      %get3A_30 = arith.constant 0 : index
      %get3A_31 = vector.load %arg5[%get3A_29, %get3A_30] : memref<1x64xf32, #tpu.memory_space<vmem>>, vector<1x64xf32>
      %add3A_32 = vector.broadcast %get3A_31 : vector<1x64xf32> to vector<1000x64xf32>
      %add3A_33 = arith.addf %mul3A_28, %add3A_32 : vector<1000x64xf32>
      %max3A = arith.constant 0.000000e+00 : f32
      %max3A_34 = vector.broadcast %max3A : f32 to vector<1000x64xf32>
      %max3A_35 = arith.maximumf %add3A_33, %max3A_34 : vector<1000x64xf32>
      %get3A_36 = arith.constant 0 : index
      %get3A_37 = arith.constant 0 : index
      %get3A_38 = vector.load %arg6[%get3A_36, %get3A_37] : memref<1000x1xi32, #tpu.memory_space<vmem>>, vector<1000x1xi32>
      %iota3A = tpu.iota {dimensions = array<i32: 1>} : vector<1000x64xi32>
      %eq3A_39 = vector.broadcast %get3A_38 : vector<1000x1xi32> to vector<1000x64xi32>
      %eq3A_40 = arith.cmpi eq, %eq3A_39, %iota3A : vector<1000x64xi32>
      %jit3A = arith.constant 1.000000e+00 : f32
      %jit3A_41 = arith.constant 0.000000e+00 : f32
      %broadcast_in_dim3A = vector.broadcast %jit3A : f32 to vector<1000x64xf32>
      %broadcast_in_dim3A_42 = vector.broadcast %jit3A_41 : f32 to vector<1000x64xf32>
      %select_n3A = arith.select %eq3A_40, %broadcast_in_dim3A, %broadcast_in_dim3A_42 : vector<1000x64xi1>, vector<1000x64xf32>
      %dot_general3A = arith.constant dense<0.000000e+00> : vector<64x64xf32>
      %dot_general3A_43 = tpu.matmul %select_n3A, %max3A_35, %dot_general3A {dimension_numbers = #tpu.dot_dimension_numbers<[0], [0], [1], [1], [0, 1, 1, 1], [], []>, transpose_lhs_hint = false} : vector<1000x64xf32>, vector<1000x64xf32>, vector<64x64xf32> -> vector<64x64xf32>
      %broadcast_in_dim3A_44 = arith.constant 1.000000e+00 : f32
      %broadcast_in_dim3A_45 = vector.broadcast %broadcast_in_dim3A_44 : f32 to vector<1000x1xf32>
      %dot_general3A_46 = arith.constant dense<0.000000e+00> : vector<64x1xf32>
      %dot_general3A_47 = tpu.matmul %select_n3A, %broadcast_in_dim3A_45, %dot_general3A_46 {dimension_numbers = #tpu.dot_dimension_numbers<[0], [0], [1], [1], [0, 1, 1, 1], [], []>, transpose_lhs_hint = false} : vector<1000x64xf32>, vector<1000x1xf32>, vector<64x1xf32> -> vector<64x1xf32>
      %eq3A_48 = arith.constant 0 : i32
      %eq3A_49 = arith.cmpi eq, %arg1, %eq3A_48 : i32
      %convert_element_type3A_50 = arith.extui %eq3A_49 : i1 to i32
      %cond3A_51 = arith.constant 0 : i32
      %cond3A_52 = arith.cmpi ne, %convert_element_type3A_50, %cond3A_51 : i32
      scf.if %cond3A_52 {
        %broadcast_in_dim3A_71 = arith.constant 0.000000e+00 : f32
        %broadcast_in_dim3A_72 = vector.broadcast %broadcast_in_dim3A_71 : f32 to vector<64x64xf32>
        %swap3A_73 = arith.constant 0 : index
        %swap3A_74 = arith.constant 0 : index
        %swap3A_75 = vector.load %arg13[%swap3A_73, %swap3A_74] : memref<64x64xf32, #tpu.memory_space<vmem>>, vector<64x64xf32>
        tpu.vector_store %arg13[%swap3A_73, %swap3A_74], %broadcast_in_dim3A_72 {strides = array<i32>} : memref<64x64xf32, #tpu.memory_space<vmem>>, vector<64x64xf32>,
        %broadcast_in_dim3A_76 = arith.constant 0.000000e+00 : f32
        %broadcast_in_dim3A_77 = vector.broadcast %broadcast_in_dim3A_76 : f32 to vector<64x1xf32>
        %swap3A_78 = arith.constant 0 : index
        %swap3A_79 = arith.constant 0 : index
        %swap3A_80 = vector.load %arg14[%swap3A_78, %swap3A_79] : memref<64x1xf32, #tpu.memory_space<vmem>>, vector<64x1xf32>
        tpu.vector_store %arg14[%swap3A_78, %swap3A_79], %broadcast_in_dim3A_77 {strides = array<i32>} : memref<64x1xf32, #tpu.memory_space<vmem>>, vector<64x1xf32>,
      } else {
      }
      %get3A_53 = arith.constant 0 : index
      %get3A_54 = arith.constant 0 : index
      %get3A_55 = vector.load %arg13[%get3A_53, %get3A_54] : memref<64x64xf32, #tpu.memory_space<vmem>>, vector<64x64xf32>
      %add3A_56 = arith.addf %get3A_55, %dot_general3A_43 : vector<64x64xf32>
      %swap3A = arith.constant 0 : index
      %swap3A_57 = arith.constant 0 : index
      %swap3A_58 = vector.load %arg13[%swap3A, %swap3A_57] : memref<64x64xf32, #tpu.memory_space<vmem>>, vector<64x64xf32>
      tpu.vector_store %arg13[%swap3A, %swap3A_57], %add3A_56 {strides = array<i32>} : memref<64x64xf32, #tpu.memory_space<vmem>>, vector<64x64xf32>,
      %get3A_59 = arith.constant 0 : index
      %get3A_60 = arith.constant 0 : index
      %get3A_61 = vector.load %arg14[%get3A_59, %get3A_60] : memref<64x1xf32, #tpu.memory_space<vmem>>, vector<64x1xf32>
      %add3A_62 = arith.addf %get3A_61, %dot_general3A_47 : vector<64x1xf32>
      %swap3A_63 = arith.constant 0 : index
      %swap3A_64 = arith.constant 0 : index
      %swap3A_65 = vector.load %arg14[%swap3A_63, %swap3A_64] : memref<64x1xf32, #tpu.memory_space<vmem>>, vector<64x1xf32>
      tpu.vector_store %arg14[%swap3A_63, %swap3A_64], %add3A_62 {strides = array<i32>} : memref<64x1xf32, #tpu.memory_space<vmem>>, vector<64x1xf32>,
      %eq3A_66 = arith.constant 9 : i32
      %eq3A_67 = arith.cmpi eq, %arg1, %eq3A_66 : i32
      %convert_element_type3A_68 = arith.extui %eq3A_67 : i1 to i32
      %cond3A_69 = arith.constant 0 : i32
      %cond3A_70 = arith.cmpi ne, %convert_element_type3A_68, %cond3A_69 : i32
      scf.if %cond3A_70 {
        %get3A_71 = arith.constant 0 : index
        %get3A_72 = arith.constant 0 : index
        %get3A_73 = vector.load %arg13[%get3A_71, %get3A_72] : memref<64x64xf32, #tpu.memory_space<vmem>>, vector<64x64xf32>
        %get3A_74 = arith.constant 0 : index
        %get3A_75 = arith.constant 0 : index
        %get3A_76 = vector.load %arg14[%get3A_74, %get3A_75] : memref<64x1xf32, #tpu.memory_space<vmem>>, vector<64x1xf32>
        %max3A_77 = arith.constant 1.000000e+00 : f32
        %max3A_78 = vector.broadcast %max3A_77 : f32 to vector<64x1xf32>
        %max3A_79 = arith.maximumf %get3A_76, %max3A_78 : vector<64x1xf32>
        %div3A_80 = vector.broadcast %max3A_79 : vector<64x1xf32> to vector<64x64xf32>
        %div3A_81 = arith.divf %get3A_73, %div3A_80 : vector<64x64xf32>
        %get3A_82 = arith.constant 0 : index
        %get3A_83 = arith.constant 0 : index
        %get3A_84 = vector.load %arg7[%get3A_82, %get3A_83] : memref<64x32xf32, #tpu.memory_space<vmem>>, vector<64x32xf32>
        %dot_general3A_85 = arith.constant dense<0.000000e+00> : vector<64x32xf32>
        %dot_general3A_86 = tpu.matmul %div3A_81, %get3A_84, %dot_general3A_85 {dimension_numbers = #tpu.dot_dimension_numbers<[1], [0], [0], [1], [0, 0, 1, 1], [], []>, transpose_lhs_hint = false} : vector<64x64xf32>, vector<64x32xf32>, vector<64x32xf32> -> vector<64x32xf32>
        %get3A_87 = arith.constant 0 : index
        %get3A_88 = arith.constant 0 : index
        %get3A_89 = vector.load %arg8[%get3A_87, %get3A_88] : memref<1x32xf32, #tpu.memory_space<vmem>>, vector<1x32xf32>
        %add3A_90 = vector.broadcast %get3A_89 : vector<1x32xf32> to vector<64x32xf32>
        %add3A_91 = arith.addf %dot_general3A_86, %add3A_90 : vector<64x32xf32>
        %max3A_92 = arith.constant 0.000000e+00 : f32
        %max3A_93 = vector.broadcast %max3A_92 : f32 to vector<64x32xf32>
        %max3A_94 = arith.maximumf %add3A_91, %max3A_93 : vector<64x32xf32>
        %get3A_95 = arith.constant 0 : index
        %get3A_96 = arith.constant 0 : index
        %get3A_97 = vector.load %arg9[%get3A_95, %get3A_96] : memref<32x1xf32, #tpu.memory_space<vmem>>, vector<32x1xf32>
        %dot_general3A_98 = arith.constant dense<0.000000e+00> : vector<64x1xf32>
        %dot_general3A_99 = tpu.matmul %max3A_94, %get3A_97, %dot_general3A_98 {dimension_numbers = #tpu.dot_dimension_numbers<[1], [0], [0], [1], [0, 0, 1, 1], [], []>, transpose_lhs_hint = false} : vector<64x32xf32>, vector<32x1xf32>, vector<64x1xf32> -> vector<64x1xf32>
        %get3A_100 = arith.constant 0 : index
        %get3A_101 = arith.constant 0 : index
        %get3A_102 = vector.load %arg10[%get3A_100, %get3A_101] : memref<1x1xf32, #tpu.memory_space<vmem>>, vector<1x1xf32>
        %add3A_103 = vector.broadcast %get3A_102 : vector<1x1xf32> to vector<64x1xf32>
        %add3A_104 = arith.addf %dot_general3A_99, %add3A_103 : vector<64x1xf32>
        %swap3A_105 = arith.constant 0 : index
        %swap3A_106 = arith.constant 0 : index
        %swap3A_107 = vector.load %arg11[%swap3A_105, %swap3A_106] : memref<64x1xf32, #tpu.memory_space<vmem>>, vector<64x1xf32>
        tpu.vector_store %arg11[%swap3A_105, %swap3A_106], %add3A_104 {strides = array<i32>} : memref<64x1xf32, #tpu.memory_space<vmem>>, vector<64x1xf32>,
      } else {
      }
    } else {
    }
    return
  }
  func.func @transform_0(%arg0: i32, %arg1: i32) -> (i32, i32) {
    %c0_i32 = arith.constant 0 : i32
    %c0_i32_0 = arith.constant 0 : i32
    return %arg1, %c0_i32 : i32, i32
  }
  func.func @transform_1(%arg0: i32, %arg1: i32) -> (i32, i32) {
    %c0_i32 = arith.constant 0 : i32
    %c0_i32_0 = arith.constant 0 : i32
    %c0_i32_1 = arith.constant 0 : i32
    return %c0_i32, %c0_i32_0 : i32, i32
  }
  func.func @transform_2(%arg0: i32, %arg1: i32) -> (i32, i32) {
    %c0_i32 = arith.constant 0 : i32
    %c0_i32_0 = arith.constant 0 : i32
    %c0_i32_1 = arith.constant 0 : i32
    return %c0_i32, %c0_i32_0 : i32, i32
  }
  func.func @transform_3(%arg0: i32, %arg1: i32) -> (i32, i32) {
    %c0_i32 = arith.constant 0 : i32
    %c0_i32_0 = arith.constant 0 : i32
    %c0_i32_1 = arith.constant 0 : i32
    return %c0_i32, %c0_i32_0 : i32, i32
  }
  func.func @transform_4(%arg0: i32, %arg1: i32) -> (i32, i32) {
    %c0_i32 = arith.constant 0 : i32
    %c0_i32_0 = arith.constant 0 : i32
    return %arg1, %c0_i32 : i32, i32
  }
  func.func @transform_5(%arg0: i32, %arg1: i32) -> (i32, i32) {
    %c0_i32 = arith.constant 0 : i32
    %c0_i32_0 = arith.constant 0 : i32
    %c0_i32_1 = arith.constant 0 : i32
    return %c0_i32, %c0_i32_0 : i32, i32
  }
  func.func @transform_6(%arg0: i32, %arg1: i32) -> (i32, i32) {
    %c0_i32 = arith.constant 0 : i32
    %c0_i32_0 = arith.constant 0 : i32
    %c0_i32_1 = arith.constant 0 : i32
    return %c0_i32, %c0_i32_0 : i32, i32
  }
  func.func @transform_7(%arg0: i32, %arg1: i32) -> (i32, i32) {
    %c0_i32 = arith.constant 0 : i32
    %c0_i32_0 = arith.constant 0 : i32
    %c0_i32_1 = arith.constant 0 : i32
    return %c0_i32, %c0_i32_0 : i32, i32
  }
  func.func @transform_8(%arg0: i32, %arg1: i32) -> (i32, i32) {
    %c0_i32 = arith.constant 0 : i32
    %c0_i32_0 = arith.constant 0 : i32
    %c0_i32_1 = arith.constant 0 : i32
    return %c0_i32, %c0_i32_0 : i32, i32
  }
  func.func @transform_9(%arg0: i32, %arg1: i32) -> (i32, i32) {
    %c0_i32 = arith.constant 0 : i32
    %c0_i32_0 = arith.constant 0 : i32
    %c0_i32_1 = arith.constant 0 : i32
    return %c0_i32, %c0_i32_0 : i32, i32
  }
}

</mosaic_0001>

<sc_bundles>
// kernel: kernel.10.cloned.1.call-start
scs
__scs_entry_jumppad:
0x0: {  	(pc) =	sbr.rel $0x88, $3  }
0x1: {  	(tag) =	ssettag $0x0;
	lr =	simm.s32 $0x1  }
0x2: {  	[smem:$0x3F89] =	sst lr;
	_ =	strace $0xD0000000  }
0x3: {  	_ = 	snop  }
0x4: {  	_ = 	snop  }
0x5: {  	_ = 	snop  }
0x6: {  	_ = 	snop  }
0x7: {  	_ = 	snop  }
__scs_overlays_trampoline_lowered:
0x8: {  	[smem:$0x3F98] =	sst s0  }
0x9: {  	[smem:$0x3F99] =	sst s1  }
0xa: {  	[smem:$0x3F9A] =	sst s2  }
0xb: {  	[smem:$0x3F9B] =	sst s3  }
0xc: {  	[smem:$0x3F9C] =	sst s4  }
0xd: {  	[smem:$0x3F9D] =	sst s5  }
0xe: {  	[smem:$0x3F9E] =	sst s6  }
0xf: {  	[smem:$0x3F9F] =	sst s7  }
0x10: {  	[smem:$0x3FA0] =	sst s8  }
0x11: {  	[smem:$0x3FA1] =	sst s9;
	s0 =	simm.s32 @!p0 $0x0  }
0x12: {  	s1 =	sld [smem:$0x3F87];
	s0 =	simm.s32 @p0 $0x1  }
0x13: {  	[smem:$0x3FA2] =	sst s0;
	s0 =	simm.s32 @!p1 $0x0  }
0x14: {  	s2 =	sld [smem:$0x3F86];
	s0 =	simm.s32 @p1 $0x1  }
0x15: {  	[smem:$0x3FA3] =	sst s0;
	s0 =	simm.s32 @!p2 $0x0  }
0x16: {  	s3 =	sld [smem:$0x3FDB];
	s0 =	simm.s32 @p2 $0x1  }
0x17: {  	s4 =	simm.s32 $0x1BF5;
	[smem:$0x3FA5] =	sst s0  }
0x18: {  	s0 =	sld [smem:$0x3F88];
	_ =	swait.ge [sflag:s4], $0x0  }
0x19: {  	s7 =	sld [smem:$0x3F89]  }
0x1a: {  	s8 =	sadd.s32 $0xFFFFE003, lr  }
0x1b: {  	s9 =	sadd.s32 $0xFFFFFEF7, lr;
	s5 =	simm.s32 $0xFFFFFFFF;
	p2 =	slt.u32 s8, $0xFFFFF086  }
0x1c: {  	p1 =	slt.u32 s9, $0xF7A;
	s5 =	simm.s32 @!p2 $0x0  }
0x1d: {  	s5 =	simm.s32 @p1 $0x1;
	p0 =	seq.s32 s7, s2  }
0x1e: {  	s7 =	smul.u32 @!p0 $0xF7A, s2;
	p2 =	seq.s32 @!p0 s5, $0x0  }
0x1f: {  	s9 =	smul.u32 $0xF7A, s1;
	s8 =	simm.s32 @!p0 $0x1BF5;
	p2 =	por !p2, p0  }
0x20: {  	[sflag:s8] =	ssyncset.s32 @!p0 $0xFFFFF086;
	s6 =	sadd.s32 @!p0 s3, s7;
	s7 =	simm.s32 @!p0 $0x108  }
0x21: {  	s3 =	sadd.s32 s3, s9;
	s6 =	sadd.s32 @!p0 $0x88, s6;
	s7 =	simm.s32 @p2 $0x1082  }
0x22: {  	[simem:s7], [sflag:s8] =	dma.local @!p0 [hbm:s6], $0xF7A  }
0x23: {  	s9 =	sor.u32 $0xD0000000, s2;
	s6 =	simm.s32 $0x108;
	_ =	swait.ge @!p0 [sflag:s8], $0x0  }
0x24: {  	s3 =	sadd.s32 $0x88, s3;
	s6 =	simm.s32 @!p1 $0x1082;
	[sflag:s4] =	ssyncset.s32 $0xFFFFF086  }
0x25: {  	[simem:s6], [sflag:s4] =	dma.local [hbm:s3], $0xF7A  }
0x26: {  	[smem:$0x3F89] =	sst s1;
	(tag) =	ssettag s2;
	_ =	strace s9  }
0x27: {  	s1 =	sld [smem:$0x3F99]  }
0x28: {  	s2 =	sld [smem:$0x3F9A]  }
0x29: {  	s4 =	sld [smem:$0x3F9C]  }
0x2a: {  	p0 =	seq.s32 s5, $0x0;
	s5 =	sld [smem:$0x3F9D]  }
0x2b: {  	s6 =	sld [smem:$0x3F9E]  }
0x2c: {  	s7 =	sld [smem:$0x3F9F]  }
0x2d: {  	s3 =	simm.s32 $0x108;
	s8 =	sld [smem:$0x3FA0]  }
0x2e: {  	s3 =	simm.s32 @!p0 $0x1082;
	s9 =	sld [smem:$0x3FA1]  }
0x2f: {  	lr =	sadd.s32 s0, s3;
	s0 =	sld [smem:$0x3F98]  }
0x30: {  	s3 =	sld [smem:$0x3F9B]  }
0x31: {  	[smem:$0x3FA4] =	sst s10  }
0x32: {  	s10 =	sld [smem:$0x3FA2];
	_ =	sdelay $0x3  }
0x33: {  	p0 =	seq.s32 s10, $0x1;
	s10 =	sld [smem:$0x3FA4];
	_ =	sdelay $0x3  }
0x34: {  	[smem:$0x3FA4] =	sst s10  }
0x35: {  	s10 =	sld [smem:$0x3FA3];
	_ =	sdelay $0x3  }
0x36: {  	p1 =	seq.s32 s10, $0x1;
	s10 =	sld [smem:$0x3FA4];
	_ =	sdelay $0x3  }
0x37: {  	[smem:$0x3FA4] =	sst s10  }
0x38: {  	s10 =	sld [smem:$0x3FA5]  }
0x39: {  	_ = 	snop;
	(pc) =	sbr.ind lr, $3  }
0x3a: {  	_ = 	snop  }
0x3b: {  	_ = 	snop  }
0x3c: {  	p2 =	seq.s32 s10, $0x1;
	s10 =	sld [smem:$0x3FA4]  }
0x3d: {  	_ =	shalt  }
0x3e: {  	_ =	shalt  }
0x3f: {  	_ =	shalt  }
0x40: {  	_ =	shalt  }
0x41: {  	_ =	shalt  }
0x42: {  	_ =	shalt  }
0x43: {  	_ =	shalt  }
0x44: {  	_ =	shalt  }
0x45: {  	_ =	shalt  }
0x46: {  	_ =	shalt  }
0x47: {  	_ =	shalt  }
0x48: {  	_ =	shalt  }
0x49: {  	_ =	shalt  }
0x4a: {  	_ =	shalt  }
0x4b: {  	_ =	shalt  }
0x4c: {  	_ =	shalt  }
0x4d: {  	_ =	shalt  }
0x4e: {  	_ =	shalt  }
0x4f: {  	_ =	shalt  }
0x50: {  	_ =	shalt  }
0x51: {  	_ =	shalt  }
0x52: {  	_ =	shalt  }
0x53: {  	_ =	shalt  }
0x54: {  	_ =	shalt  }
0x55: {  	_ =	shalt  }
0x56: {  	_ =	shalt  }
0x57: {  	_ =	shalt  }
0x58: {  	_ =	shalt  }
0x59: {  	_ =	shalt  }
0x5a: {  	_ =	shalt  }
0x5b: {  	_ =	shalt  }
0x5c: {  	_ =	shalt  }
0x5d: {  	_ =	shalt  }
0x5e: {  	_ =	shalt  }
0x5f: {  	_ =	shalt  }
0x60: {  	_ =	shalt  }
0x61: {  	_ =	shalt  }
0x62: {  	_ =	shalt  }
0x63: {  	_ =	shalt  }
0x64: {  	_ =	shalt  }
0x65: {  	_ =	shalt  }
0x66: {  	_ =	shalt  }
0x67: {  	_ =	shalt  }
0x68: {  	_ =	shalt  }
0x69: {  	_ =	shalt  }
0x6a: {  	_ =	shalt  }
0x6b: {  	_ =	shalt  }
0x6c: {  	_ =	shalt  }
0x6d: {  	_ =	shalt  }
0x6e: {  	_ =	shalt  }
0x6f: {  	_ =	shalt  }
0x70: {  	_ =	shalt  }
0x71: {  	_ =	shalt  }
0x72: {  	_ =	shalt  }
0x73: {  	_ =	shalt  }
0x74: {  	_ =	shalt  }
0x75: {  	_ =	shalt  }
0x76: {  	_ =	shalt  }
0x77: {  	_ =	shalt  }
0x78: {  	_ =	shalt  }
0x79: {  	_ =	shalt  }
0x7a: {  	_ =	shalt  }
0x7b: {  	_ =	shalt  }
0x7c: {  	_ =	shalt  }
0x7d: {  	_ =	shalt  }
0x7e: {  	_ =	shalt  }
0x7f: {  	_ =	shalt  }
0x80: {  	_ =	shalt  }
0x81: {  	_ =	shalt  }
0x82: {  	_ =	shalt  }
0x83: {  	_ =	shalt  }
0x84: {  	_ =	shalt  }
0x85: {  	_ =	shalt  }
0x86: {  	_ =	shalt  }
0x87: {  	_ =	shalt  }
.Lfunc_end0:
.L_simem_size_0:
called_computation_lowered:
.L_overlay_start_0:
0x88: {  	s2 =	sld [smem:$0x3FD9]  }
0x89: {  	s3 =	sld [smem:$0x3FFE];
	_ =	sdelay $0x1  }
0x8a: {  	s1 =	srdreg.scid  }
0x8b: {  	s0 =	sand.u32 $0x1, s1  }
0x8c: {  	s16 =	sshll.u32 s0, $0xA;
	s2 =	sadd.s32 s3, s2  }
0x8d: {  	s2 =	sadd.s32 s2, s16  }
0x8e: {  	[smem:$0x3FB0] =	sst s2  }
0x8f: {  	_ = 	snop  }
0x90: {  	(tm) =	ssettm $0x1  }
0x91: {  	s17 =	sld [smem:$0x3FFB];
	_ =	sdelay $0x3  }
0x92: {  	_ =	strace s17  }
0x93: {  	s2 =	sld [smem:$0x3FFC];
	_ =	sdelay $0x3  }
0x94: {  	_ =	strace s2  }
0x95: {  	s2 =	sld [smem:$0x3FFD];
	_ =	sdelay $0x3  }
0x96: {  	_ =	strace s2  }
0x97: {  	_ =	strace $0x8FFFFFFF  }
0x98: {  	s18 =	sld [smem:$0x3FDB];
	_ =	sdelay $0x1  }
0x99: {  	s19 =	simm.s32 $_scs_section_size  }
0x9a: {  	s4 =	simm.s32 $_size__tile_overlayer_lowered;
	s5 =	simm.s32 $_tile_overlayer_lowered  }
0x9b: {  	s22 =	simm.s32 $0x1BFF;
	s21 =	sshll.u32 s5, $0x1;
	s2 =	sadd.s32 s19, s18  }
0x9c: {  	s6 =	simm.s32 $0x0;
	s20 =	sshll.u32 s4, $0x1;
	s4 =	sadd.s32 s21, s2  }
0x9d: {  	[timem:s6], [sflag:s22] =	dma.local [hbm:s4], s20  }
0x9e: {  	_ =	swait.ge [sflag:s22], s20  }
0x9f: {  	s3 =	ssub.s32 $0x0, s20;
	[sflag:s22] =	ssyncset.done $0x0  }
0xa0: {  	[sflag:s22] =	ssyncadd.s32 s3;
	_ =	sdelay $0x1  }
0xa1: {  	s23 =	simm.s32 $0x1B8B  }
0xa2: {  	_ =	swait.ge [sflag:s23], $0x1  }
0xa3: {  	[sflag:s23] =	ssyncset.done $0x0  }
0xa4: {  	s25 =	simm.s32 $0x1B8E;
	s24 =	sld [smem:$0x3FFE];
	[sflag:s23] =	ssyncadd.s32 $0xFFFFFFFF  }
0xa5: {  	s26 =	simm.s32 $execute0_lowered;
	[smem:$0x3FD2] =	sst s25  }
0xa6: {  	s4 =	sshll.u32 s26, $0x1;
	_ =	strace $0x80000046;
	[dreg:$0x1] =	wrdreg $0xFFFFFFFF  }
0xa7: {  	s28 =	simm.s32 $_size_execute0_lowered;
	s2 =	sadd.s32 s2, s4;
	[dreg:$0x0] =	wrdreg $0x0  }
0xa8: {  	s4 =	sshll.u32 s28, $0x1;
	[dreg:$0x2] =	wrdreg s2  }
0xa9: {  	[dreg:$0x3] =	wrdreg s4  }
0xaa: {  	[dreg:$0x4] =	wrdreg $0xC0  }
0xab: {  	_ =	task [dreg:s6], $0x5FFFF  }
0xac: {  	[dreg:$0x1] =	wrdreg $0xFFFFFFFF  }
0xad: {  	[dreg:$0x0] =	wrdreg $0x60  }
0xae: {  	[dreg:$0x2] =	wrdreg s24  }
0xaf: {  	[dreg:$0x3] =	wrdreg $0x90000  }
0xb0: {  	[dreg:$0x4] =	wrdreg $0x9  }
0xb1: {  	_ =	task.clear_ibuf [dreg:s6], $0x5FFFF;
	_ =	strace $0x90000046  }
0xb2: {  	s29 =	simm.s32 $0x9;
	_ =	strace $0x80000048  }
0xb3: {  	_ =	swait.ge [sflag:s29], $0x1  }
0xb4: {  	[sflag:s29] =	ssyncadd.s32 $0xFFFFFFFF  }
0xb5: {  	_ =	strace $0x90000048  }
0xb6: {  	_ =	sfence  }
0xb7: {  	s30 =	sld [smem:$0x0];
	_ =	sdelay $0x2  }
0xb8: {  	s31 =	sshll.u32 s1, $0xD;
	s1 =	sshrl.u32 s1, $0x2  }
0xb9: {  	s3 =	sand.u32 $0x4000, s31;
	s1 =	sadd.s32 s1, s30  }
0xba: {  	s0 =	sor.u32 s3, s0;
	s1 =	sshll.u32 s1, $0x11  }
0xbb: {  	s0 =	sor.u32 s1, s0  }
0xbc: {  	s0 =	sadd.s32 $0x8F2B, s0  }
0xbd: {  	[sflag:s0] =	ssyncadd.remote.s32 $0x1  }
0xbe: {  	_ =	sfence.sel $0xFFFF  }
0xbf: {  	[dreg:$0x0] =	wrdreg $0xFFFFFFFF;
	(pc) =	sbr.abs _section_cstart, $3  }
0xc0: {  	[dreg:$0x1] =	wrdreg $0xFFFFFFFF  }
0xc1: {  	_ =	task.clear_ibuf [dreg:s6], $0x2FFFF;
	_ =	strace $0x9FFFFFFF  }
0xc2: {  	(tm) =	ssettm $0x7FFFFFFF  }
0xc3: {  	_ =	shalt  }
tec
execute0_lowered:
.L_overlay_start_1:
0x0: {  	(tag) =	ssettag $0x1  }
0x1: {  	s0 =	rddreg [dreg:$0x0]  }
0x2: {  	s1 =	rddreg [dreg:$0x1];
	s2 =	srdreg.scid  }
0x3: {  	s3 =	simm.s32 $0x0;
	s16 =	simm.s32 $0x3;
	s18 =	simm.s32 $0x5000  }
0x4: {  	s19 =	simm.s32 $0x80;
	s20 =	simm.s32 $0x800;
	s21 =	simm.s32 $0x500000  }
0x5: {  	s22 =	simm.s32 $0x7000;
	s23 =	simm.s32 $0x1;
	s24 =	simm.s32 $0x2  }
0x6: {  	s26 =	simm.s32 $0x0;
	s6 =	sand.u32 $0x1, s2;
	s2 =	stileid.u32  }
0x7: {  	[smem:$0x7FF] =	sst s3;
	s4 =	sadd.s32 $0x17600, s0;
	s7 =	smul.u32 $0xA0000, s6  }
0x8: {  	s5 =	sshll.u32 s6, $0x4;
	s11 =	smul.u32 $0xA000, s2;
	_ =	strace $0x80000047  }
0x9: {  	s6 =	ssub.s32 $0x2, s6;
	s10 =	smul.u32 $0x28000, s2;
	s9 =	sor.u32 s2, s5  }
0xa: {  	s5 =	sadd.s32 $0x2B000, s0;
	s30 =	sshrl.u32 s6, $0x1;
	s8 =	smul.u32 $0x500, s9  }
0xb: {  	s7 =	sadd.s32 s11, s7;
	s12 =	ssub.s32 s6, s30;
	s10 =	sshrl.u32 s10, $0x2  }
0xc: {  	s9 =	smul.u32 $0x50, s9;
	s31 =	sadd.s32 s11, s1;
	s7 =	sshrl.u32 s7, $0x3  }
0xd: {  	s11 =	smax.u32 s12, $0x1;
	s8 =	sadd.s32 s8, s0;
	s0 =	sadd.s32 s7, s0  }
0xe: {  	s6 =	sadd.s32 $0xD600, s8;
	s7 =	sadd.s32 $0x3600, s8;
	s8 =	sadd.s32 s10, s1  }
0xf: {  	s25 =	sshrl.u32 s31, $0x3;
	s10 =	sadd.s32 $0x2AB000, s0;
	s12 =	sadd.s32 $0x2000, s8  }
0x10: {  	v0 =	vimm.f32 $0.0e+00;
	s13 =	sadd.s32 $0x4000, s8;
	s14 =	sadd.s32 $0x6000, s8;
	s15 =	sadd.s32 $0x8000, s8  }
.LBB2_1:
0x11: {  	[tilespmem:s3], [sflag:$0x3] =	stream.linear.gather [hbm4b:s6+s3], $0x2800, $0x38;
	[tilespmem:$0x13000] =	vst v63  }
0x12: {  	_ =	swait.ge [sflag:s16], $0x2800  }
0x13: {  	[sflag:s16] =	ssyncset.done $0x0  }
0x14: {  	s0 =	simm.s32 $0x2800;
	[sflag:s16] =	ssyncadd.s32 $0xFFFFD800  }
0x15: {  	[tilespmem:s0], [sflag:$0x3] =	stream.linear.gather [hbm4b:s7+s3], $0x2800, $0x38;
	[tilespmem:$0x13000] =	vst v63  }
0x16: {  	_ =	swait.ge [sflag:s16], $0x2800  }
0x17: {  	[sflag:s16] =	ssyncset.done $0x0  }
0x18: {  	s17 =	simm.s32 $0x100;
	s0 =	simm.s32 $0x0;
	[sflag:s16] =	ssyncadd.s32 $0xFFFFD800  }
.LBB2_2:
0x19: {  	p0 =	sne.s32 s17, $0x7F00;
	[tilespmem:s0+$0x5030] =	vst v0;
	s28 =	smov.u32 s17;
	s17 =	sadd.s32 $0x100, s17  }
.Ltmp0:
0x1a: {  	[tilespmem:s0+$0x5020] =	vst v0;
	(pc) =	sbr.rel @p0 .LBB2_2-.Ltmp0, $3  }
0x1b: {  	[tilespmem:s0+$0x5000] =	vst v0  }
0x1c: {  	[tilespmem:s0+$0x5010] =	vst v0;
	_ =	sdelay $0x1  }
0x1d: {  	s0 =	sshra.s32 s28, $0x2  }
0x1e: {  	[tilespmem:s0+$0x5030] =	vst v0  }
0x1f: {  	[tilespmem:s0+$0x5020] =	vst v0  }
0x20: {  	[tilespmem:s0+$0x5000] =	vst v0  }
0x21: {  	[tilespmem:s0+$0x5010] =	vst v0  }
0x22: {  	[spmem:s8] =	stream.linear.scatter [tilespmem:s18], [sflag:$0x3], $0x2000, $0x38;
	[tilespmem:$0x13000] =	vst v63  }
0x23: {  	_ =	swait.ge [sflag:s16], $0x2000  }
0x24: {  	[sflag:s16] =	ssyncset.done $0x0  }
0x25: {  	[sflag:s16] =	ssyncadd.s32 $0xFFFFE000  }
0x26: {  	[spmem:s12] =	stream.linear.scatter [tilespmem:s18], [sflag:$0x3], $0x2000, $0x38;
	[tilespmem:$0x13000] =	vst v63  }
0x27: {  	_ =	swait.ge [sflag:s16], $0x2000  }
0x28: {  	[sflag:s16] =	ssyncset.done $0x0  }
0x29: {  	[sflag:s16] =	ssyncadd.s32 $0xFFFFE000  }
0x2a: {  	[spmem:s13] =	stream.linear.scatter [tilespmem:s18], [sflag:$0x3], $0x2000, $0x38;
	[tilespmem:$0x13000] =	vst v63  }
0x2b: {  	_ =	swait.ge [sflag:s16], $0x2000  }
0x2c: {  	[sflag:s16] =	ssyncset.done $0x0  }
0x2d: {  	[sflag:s16] =	ssyncadd.s32 $0xFFFFE000  }
0x2e: {  	[spmem:s14] =	stream.linear.scatter [tilespmem:s18], [sflag:$0x3], $0x2000, $0x38;
	[tilespmem:$0x13000] =	vst v63  }
0x2f: {  	_ =	swait.ge [sflag:s16], $0x2000  }
0x30: {  	[sflag:s16] =	ssyncset.done $0x0  }
0x31: {  	[sflag:s16] =	ssyncadd.s32 $0xFFFFE000  }
0x32: {  	[spmem:s15] =	stream.linear.scatter [tilespmem:s18], [sflag:$0x3], $0x2000, $0x38;
	[tilespmem:$0x13000] =	vst v63  }
0x33: {  	_ =	swait.ge [sflag:s16], $0x2000  }
0x34: {  	[sflag:s16] =	ssyncset.done $0x0  }
0x35: {  	[sflag:s16] =	ssyncadd.s32 $0xFFFFE000  }
0x36: {  	s28 =	simm.s32 $0x0;
	[bflag:$0x0] =	sbarrier.arrive $0xFFFF  }
.LBB2_4:
0x37: {  	s29 =	sshll.u32 s28, $0x7;
	s0 =	sadd.s32 s9, s28  }
0x38: {  	[tilespmem:s18], [sflag:$0x1] =	stream.indirect.gather [hbm4b:s4+s19], $0x40, s29, s19, $0xb8;
	[tilespmem:$0x13000] =	vst v63  }
0x39: {  	s0 =	sshll.u32 s0, $0x8  }
0x3a: {  	s0 =	sadd.s32 s5, s0  }
0x3b: {  	[tilespmem:s22], [sflag:$0x2] =	stream.strided.gather [hbm4b:s0+s20], $0x2000, s21, s20, $0x38;
	[tilespmem:$0x13000] =	vst v63  }
0x3c: {  	_ =	swait.ge [sflag:s23], $0x2000  }
0x3d: {  	[sflag:s23] =	ssyncset.done $0x0  }
0x3e: {  	[sflag:s23] =	ssyncadd.s32 $0xFFFFE000  }
0x3f: {  	_ =	swait.ge [sflag:s24], $0x2000  }
0x40: {  	[sflag:s24] =	ssyncset.done $0x0  }
0x41: {  	s30 =	simm.s32 $0x5100;
	[sflag:s24] =	ssyncadd.s32 $0xFFFFE000  }
0x42: {  	s17 =	simm.s32 $0x2300;
	s31 =	simm.s32 $0x5100;
	s0 =	simm.s32 $0x840;
	v1 =	vld [tilespmem:s30+$0xFFFFFF00]  }
.LBB2_5:
0x43: {  	p0 =	sne.s32 s17, $0x3F00;
	v2 =	vld [tilespmem:s0+$0x67C0];
	_ =	sdelay $0x4  }
0x44: {  	v1 =	vadd.f32 v2, v1;
	_ =	sdelay $0x1  }
0x45: {  	v1 =	vmax.f32 v1, $0.0e+00  }
0x46: {  	[tilespmem:s30+$0xFFFFFF00] =	vst v1;
	v1 =	vld [tilespmem:s30+$0xFFFFFF10]  }
0x47: {  	v2 =	vld [tilespmem:s0+$0x67D0];
	_ =	sdelay $0x4  }
0x48: {  	v1 =	vadd.f32 v2, v1;
	_ =	sdelay $0x1  }
0x49: {  	v1 =	vmax.f32 v1, $0.0e+00  }
0x4a: {  	[tilespmem:s30+$0xFFFFFF10] =	vst v1;
	v1 =	vld [tilespmem:s30+$0xFFFFFF20]  }
0x4b: {  	v2 =	vld [tilespmem:s0+$0x67E0];
	_ =	sdelay $0x4  }
0x4c: {  	v1 =	vadd.f32 v2, v1;
	_ =	sdelay $0x1  }
0x4d: {  	v1 =	vmax.f32 v1, $0.0e+00  }
0x4e: {  	[tilespmem:s30+$0xFFFFFF20] =	vst v1;
	v1 =	vld [tilespmem:s30+$0xFFFFFF30]  }
0x4f: {  	v2 =	vld [tilespmem:s0+$0x67F0];
	_ =	sdelay $0x4  }
0x50: {  	v1 =	vadd.f32 v2, v1;
	_ =	sdelay $0x1  }
0x51: {  	v1 =	vmax.f32 v1, $0.0e+00  }
0x52: {  	[tilespmem:s30+$0xFFFFFF30] =	vst v1;
	v1 =	vld [tilespmem:s30+$0xFFFFFF40]  }
0x53: {  	v2 =	vld [tilespmem:s0+$0x6800];
	_ =	sdelay $0x4  }
0x54: {  	v1 =	vadd.f32 v2, v1;
	_ =	sdelay $0x1  }
0x55: {  	v1 =	vmax.f32 v1, $0.0e+00  }
0x56: {  	[tilespmem:s30+$0xFFFFFF40] =	vst v1;
	v1 =	vld [tilespmem:s30+$0xFFFFFF50]  }
0x57: {  	v2 =	vld [tilespmem:s0+$0x6810];
	_ =	sdelay $0x4  }
0x58: {  	v1 =	vadd.f32 v2, v1;
	_ =	sdelay $0x1  }
0x59: {  	v1 =	vmax.f32 v1, $0.0e+00  }
0x5a: {  	[tilespmem:s30+$0xFFFFFF50] =	vst v1;
	v1 =	vld [tilespmem:s30+$0xFFFFFF60]  }
0x5b: {  	v2 =	vld [tilespmem:s0+$0x6820];
	_ =	sdelay $0x4  }
0x5c: {  	v1 =	vadd.f32 v2, v1;
	_ =	sdelay $0x1  }
0x5d: {  	v1 =	vmax.f32 v1, $0.0e+00  }
0x5e: {  	[tilespmem:s30+$0xFFFFFF60] =	vst v1;
	v1 =	vld [tilespmem:s30+$0xFFFFFF70]  }
0x5f: {  	v2 =	vld [tilespmem:s0+$0x6830];
	_ =	sdelay $0x4  }
0x60: {  	v1 =	vadd.f32 v2, v1;
	_ =	sdelay $0x1  }
0x61: {  	v1 =	vmax.f32 v1, $0.0e+00  }
0x62: {  	[tilespmem:s30+$0xFFFFFF70] =	vst v1;
	v1 =	vld [tilespmem:s30+$0xFFFFFF80]  }
0x63: {  	v2 =	vld [tilespmem:s0+$0x6FC0];
	_ =	sdelay $0x4  }
0x64: {  	v1 =	vadd.f32 v2, v1;
	_ =	sdelay $0x1  }
0x65: {  	v1 =	vmax.f32 v1, $0.0e+00  }
0x66: {  	[tilespmem:s30+$0xFFFFFF80] =	vst v1;
	v1 =	vld [tilespmem:s30+$0xFFFFFF90]  }
0x67: {  	v2 =	vld [tilespmem:s0+$0x6FD0];
	_ =	sdelay $0x4  }
0x68: {  	v1 =	vadd.f32 v2, v1;
	_ =	sdelay $0x1  }
0x69: {  	v1 =	vmax.f32 v1, $0.0e+00  }
0x6a: {  	[tilespmem:s30+$0xFFFFFF90] =	vst v1;
	v1 =	vld [tilespmem:s30+$0xFFFFFFA0]  }
0x6b: {  	v2 =	vld [tilespmem:s0+$0x6FE0];
	_ =	sdelay $0x4  }
0x6c: {  	v1 =	vadd.f32 v2, v1;
	_ =	sdelay $0x1  }
0x6d: {  	v1 =	vmax.f32 v1, $0.0e+00  }
0x6e: {  	[tilespmem:s30+$0xFFFFFFA0] =	vst v1;
	v1 =	vld [tilespmem:s30+$0xFFFFFFB0]  }
0x6f: {  	v2 =	vld [tilespmem:s0+$0x6FF0];
	_ =	sdelay $0x4  }
0x70: {  	v1 =	vadd.f32 v2, v1;
	_ =	sdelay $0x1  }
0x71: {  	v1 =	vmax.f32 v1, $0.0e+00  }
0x72: {  	[tilespmem:s30+$0xFFFFFFB0] =	vst v1;
	v1 =	vld [tilespmem:s30+$0xFFFFFFC0]  }
0x73: {  	v2 =	vld [tilespmem:s0+$0x7000];
	_ =	sdelay $0x4  }
0x74: {  	v1 =	vadd.f32 v2, v1;
	_ =	sdelay $0x1  }
0x75: {  	v1 =	vmax.f32 v1, $0.0e+00  }
0x76: {  	[tilespmem:s30+$0xFFFFFFC0] =	vst v1;
	v1 =	vld [tilespmem:s30+$0xFFFFFFD0]  }
0x77: {  	v2 =	vld [tilespmem:s0+$0x7010];
	_ =	sdelay $0x4  }
0x78: {  	v1 =	vadd.f32 v2, v1;
	_ =	sdelay $0x1  }
0x79: {  	v1 =	vmax.f32 v1, $0.0e+00  }
0x7a: {  	[tilespmem:s30+$0xFFFFFFD0] =	vst v1;
	v1 =	vld [tilespmem:s30+$0xFFFFFFE0]  }
0x7b: {  	v2 =	vld [tilespmem:s0+$0x7020];
	_ =	sdelay $0x4  }
0x7c: {  	v1 =	vadd.f32 v2, v1;
	_ =	sdelay $0x1  }
0x7d: {  	v1 =	vmax.f32 v1, $0.0e+00  }
0x7e: {  	[tilespmem:s30+$0xFFFFFFE0] =	vst v1;
	v1 =	vld [tilespmem:s30+$0xFFFFFFF0]  }
0x7f: {  	v2 =	vld [tilespmem:s0+$0x7030];
	_ =	sdelay $0x4  }
0x80: {  	v1 =	vadd.f32 v2, v1;
	_ =	sdelay $0x1  }
0x81: {  	v1 =	vmax.f32 v1, $0.0e+00  }
0x82: {  	[tilespmem:s30+$0xFFFFFFF0] =	vst v1;
	v1 =	vld [tilespmem:s30+$0x0]  }
0x83: {  	v2 =	vld [tilespmem:s0+$0x77C0];
	_ =	sdelay $0x4  }
0x84: {  	v1 =	vadd.f32 v2, v1;
	_ =	sdelay $0x1  }
0x85: {  	v1 =	vmax.f32 v1, $0.0e+00  }
0x86: {  	[tilespmem:s30+$0x0] =	vst v1;
	v1 =	vld [tilespmem:s30+$0x10]  }
0x87: {  	v2 =	vld [tilespmem:s0+$0x77D0];
	_ =	sdelay $0x4  }
0x88: {  	v1 =	vadd.f32 v2, v1;
	_ =	sdelay $0x1  }
0x89: {  	v1 =	vmax.f32 v1, $0.0e+00  }
0x8a: {  	[tilespmem:s30+$0x10] =	vst v1;
	v1 =	vld [tilespmem:s30+$0x20]  }
0x8b: {  	v2 =	vld [tilespmem:s0+$0x77E0];
	_ =	sdelay $0x4  }
0x8c: {  	v1 =	vadd.f32 v2, v1;
	_ =	sdelay $0x1  }
0x8d: {  	v1 =	vmax.f32 v1, $0.0e+00  }
0x8e: {  	[tilespmem:s30+$0x20] =	vst v1;
	v1 =	vld [tilespmem:s30+$0x30]  }
0x8f: {  	v2 =	vld [tilespmem:s0+$0x77F0];
	_ =	sdelay $0x4  }
0x90: {  	v1 =	vadd.f32 v2, v1;
	_ =	sdelay $0x1  }
0x91: {  	v1 =	vmax.f32 v1, $0.0e+00  }
0x92: {  	[tilespmem:s30+$0x30] =	vst v1;
	v1 =	vld [tilespmem:s30+$0x40]  }
0x93: {  	v2 =	vld [tilespmem:s0+$0x7800];
	_ =	sdelay $0x4  }
0x94: {  	v1 =	vadd.f32 v2, v1;
	_ =	sdelay $0x1  }
0x95: {  	v1 =	vmax.f32 v1, $0.0e+00  }
0x96: {  	[tilespmem:s30+$0x40] =	vst v1;
	v1 =	vld [tilespmem:s30+$0x50]  }
0x97: {  	v2 =	vld [tilespmem:s0+$0x7810];
	_ =	sdelay $0x4  }
0x98: {  	v1 =	vadd.f32 v2, v1;
	_ =	sdelay $0x1  }
0x99: {  	v1 =	vmax.f32 v1, $0.0e+00  }
0x9a: {  	[tilespmem:s30+$0x50] =	vst v1;
	v1 =	vld [tilespmem:s30+$0x60]  }
0x9b: {  	v2 =	vld [tilespmem:s0+$0x7820];
	_ =	sdelay $0x4  }
0x9c: {  	v1 =	vadd.f32 v2, v1;
	_ =	sdelay $0x1  }
0x9d: {  	v1 =	vmax.f32 v1, $0.0e+00  }
0x9e: {  	[tilespmem:s30+$0x60] =	vst v1;
	v1 =	vld [tilespmem:s30+$0x70]  }
0x9f: {  	v2 =	vld [tilespmem:s0+$0x7830];
	_ =	sdelay $0x4  }
0xa0: {  	v1 =	vadd.f32 v2, v1;
	_ =	sdelay $0x1  }
0xa1: {  	v1 =	vmax.f32 v1, $0.0e+00  }
0xa2: {  	[tilespmem:s30+$0x70] =	vst v1;
	v1 =	vld [tilespmem:s30+$0x80]  }
0xa3: {  	v2 =	vld [tilespmem:s0+$0x7FC0];
	_ =	sdelay $0x4  }
0xa4: {  	v1 =	vadd.f32 v2, v1;
	_ =	sdelay $0x1  }
0xa5: {  	v1 =	vmax.f32 v1, $0.0e+00  }
0xa6: {  	[tilespmem:s30+$0x80] =	vst v1;
	v1 =	vld [tilespmem:s30+$0x90]  }
0xa7: {  	v2 =	vld [tilespmem:s0+$0x7FD0];
	_ =	sdelay $0x4  }
0xa8: {  	v1 =	vadd.f32 v2, v1;
	_ =	sdelay $0x1  }
0xa9: {  	v1 =	vmax.f32 v1, $0.0e+00  }
0xaa: {  	[tilespmem:s30+$0x90] =	vst v1;
	v1 =	vld [tilespmem:s30+$0xA0]  }
0xab: {  	v2 =	vld [tilespmem:s0+$0x7FE0];
	_ =	sdelay $0x4  }
0xac: {  	v1 =	vadd.f32 v2, v1;
	_ =	sdelay $0x1  }
0xad: {  	v1 =	vmax.f32 v1, $0.0e+00  }
0xae: {  	[tilespmem:s30+$0xA0] =	vst v1;
	v1 =	vld [tilespmem:s30+$0xB0]  }
0xaf: {  	v2 =	vld [tilespmem:s0+$0x7FF0];
	_ =	sdelay $0x4  }
0xb0: {  	v1 =	vadd.f32 v2, v1;
	_ =	sdelay $0x1  }
0xb1: {  	v1 =	vmax.f32 v1, $0.0e+00  }
0xb2: {  	[tilespmem:s30+$0xB0] =	vst v1;
	v1 =	vld [tilespmem:s30+$0xC0]  }
0xb3: {  	v2 =	vld [tilespmem:s0+$0x8000];
	_ =	sdelay $0x4  }
0xb4: {  	v1 =	vadd.f32 v2, v1;
	_ =	sdelay $0x1  }
0xb5: {  	v1 =	vmax.f32 v1, $0.0e+00  }
0xb6: {  	[tilespmem:s30+$0xC0] =	vst v1;
	v1 =	vld [tilespmem:s30+$0xD0]  }
0xb7: {  	v2 =	vld [tilespmem:s0+$0x8010];
	_ =	sdelay $0x4  }
0xb8: {  	v1 =	vadd.f32 v2, v1;
	_ =	sdelay $0x1  }
0xb9: {  	v1 =	vmax.f32 v1, $0.0e+00  }
0xba: {  	[tilespmem:s30+$0xD0] =	vst v1;
	v1 =	vld [tilespmem:s30+$0xE0]  }
0xbb: {  	v2 =	vld [tilespmem:s0+$0x8020];
	_ =	sdelay $0x4  }
0xbc: {  	v1 =	vadd.f32 v2, v1;
	_ =	sdelay $0x1  }
0xbd: {  	v1 =	vmax.f32 v1, $0.0e+00  }
0xbe: {  	[tilespmem:s30+$0xE0] =	vst v1;
	v1 =	vld [tilespmem:s30+$0xF0]  }
0xbf: {  	v2 =	vld [tilespmem:s0+$0x8030];
	_ =	sdelay $0x3  }
.Ltmp1:
0xc0: {  	(pc) =	sbr.rel @p0 .LBB2_5-.Ltmp1, $3  }
0xc1: {  	v1 =	vadd.f32 v2, v1;
	_ =	sdelay $0x1  }
0xc2: {  	s30 =	sadd.s32 $0x200, s30;
	v2 =	vmax.f32 v1, $0.0e+00  }
0xc3: {  	s0 =	sshra.s32 s17, $0x2;
	s17 =	sadd.s32 $0x200, s17;
	v1 =	vld [tilespmem:s30+$0xFFFFFF00];
	[tilespmem:s31+$0xF0] =	vst v2;
	s31 =	smov.u32 s30  }
0xc4: {  	v2 =	vld [tilespmem:s0+$0x67C0];
	_ =	sdelay $0x4  }
0xc5: {  	v1 =	vadd.f32 v2, v1;
	_ =	sdelay $0x1  }
0xc6: {  	v1 =	vmax.f32 v1, $0.0e+00  }
0xc7: {  	[tilespmem:s30+$0xFFFFFF00] =	vst v1;
	v1 =	vld [tilespmem:s30+$0xFFFFFF10]  }
0xc8: {  	v2 =	vld [tilespmem:s0+$0x67D0];
	_ =	sdelay $0x4  }
0xc9: {  	v1 =	vadd.f32 v2, v1;
	_ =	sdelay $0x1  }
0xca: {  	v1 =	vmax.f32 v1, $0.0e+00  }
0xcb: {  	[tilespmem:s30+$0xFFFFFF10] =	vst v1;
	v1 =	vld [tilespmem:s30+$0xFFFFFF20]  }
0xcc: {  	v2 =	vld [tilespmem:s0+$0x67E0];
	_ =	sdelay $0x4  }
0xcd: {  	v1 =	vadd.f32 v2, v1;
	_ =	sdelay $0x1  }
0xce: {  	v1 =	vmax.f32 v1, $0.0e+00  }
0xcf: {  	[tilespmem:s30+$0xFFFFFF20] =	vst v1;
	v1 =	vld [tilespmem:s30+$0xFFFFFF30]  }
0xd0: {  	v2 =	vld [tilespmem:s0+$0x67F0];
	_ =	sdelay $0x4  }
0xd1: {  	v1 =	vadd.f32 v2, v1;
	_ =	sdelay $0x1  }
0xd2: {  	v1 =	vmax.f32 v1, $0.0e+00  }
0xd3: {  	[tilespmem:s30+$0xFFFFFF30] =	vst v1;
	v1 =	vld [tilespmem:s30+$0xFFFFFF40]  }
0xd4: {  	v2 =	vld [tilespmem:s0+$0x6800];
	_ =	sdelay $0x4  }
0xd5: {  	v1 =	vadd.f32 v2, v1;
	_ =	sdelay $0x1  }
0xd6: {  	v1 =	vmax.f32 v1, $0.0e+00  }
0xd7: {  	[tilespmem:s30+$0xFFFFFF40] =	vst v1;
	v1 =	vld [tilespmem:s30+$0xFFFFFF50]  }
0xd8: {  	v2 =	vld [tilespmem:s0+$0x6810];
	_ =	sdelay $0x4  }
0xd9: {  	v1 =	vadd.f32 v2, v1;
	_ =	sdelay $0x1  }
0xda: {  	v1 =	vmax.f32 v1, $0.0e+00  }
0xdb: {  	[tilespmem:s30+$0xFFFFFF50] =	vst v1;
	v1 =	vld [tilespmem:s30+$0xFFFFFF60]  }
0xdc: {  	v2 =	vld [tilespmem:s0+$0x6820];
	_ =	sdelay $0x4  }
0xdd: {  	v1 =	vadd.f32 v2, v1;
	_ =	sdelay $0x1  }
0xde: {  	v1 =	vmax.f32 v1, $0.0e+00  }
0xdf: {  	[tilespmem:s30+$0xFFFFFF60] =	vst v1;
	v1 =	vld [tilespmem:s30+$0xFFFFFF70]  }
0xe0: {  	v2 =	vld [tilespmem:s0+$0x6830];
	_ =	sdelay $0x4  }
0xe1: {  	v1 =	vadd.f32 v2, v1;
	_ =	sdelay $0x1  }
0xe2: {  	v1 =	vmax.f32 v1, $0.0e+00  }
0xe3: {  	[tilespmem:s30+$0xFFFFFF70] =	vst v1;
	v1 =	vld [tilespmem:s30+$0xFFFFFF80]  }
0xe4: {  	v2 =	vld [tilespmem:s0+$0x6FC0];
	_ =	sdelay $0x4  }
0xe5: {  	v1 =	vadd.f32 v2, v1;
	_ =	sdelay $0x1  }
0xe6: {  	v1 =	vmax.f32 v1, $0.0e+00  }
0xe7: {  	[tilespmem:s30+$0xFFFFFF80] =	vst v1;
	v1 =	vld [tilespmem:s30+$0xFFFFFF90]  }
0xe8: {  	v2 =	vld [tilespmem:s0+$0x6FD0];
	_ =	sdelay $0x4  }
0xe9: {  	v1 =	vadd.f32 v2, v1;
	_ =	sdelay $0x1  }
0xea: {  	v1 =	vmax.f32 v1, $0.0e+00  }
0xeb: {  	[tilespmem:s30+$0xFFFFFF90] =	vst v1;
	v1 =	vld [tilespmem:s30+$0xFFFFFFA0]  }
0xec: {  	v2 =	vld [tilespmem:s0+$0x6FE0];
	_ =	sdelay $0x4  }
0xed: {  	v1 =	vadd.f32 v2, v1;
	_ =	sdelay $0x1  }
0xee: {  	v1 =	vmax.f32 v1, $0.0e+00  }
0xef: {  	[tilespmem:s30+$0xFFFFFFA0] =	vst v1;
	v1 =	vld [tilespmem:s30+$0xFFFFFFB0]  }
0xf0: {  	v2 =	vld [tilespmem:s0+$0x6FF0];
	_ =	sdelay $0x4  }
0xf1: {  	v1 =	vadd.f32 v2, v1;
	_ =	sdelay $0x1  }
0xf2: {  	v1 =	vmax.f32 v1, $0.0e+00  }
0xf3: {  	[tilespmem:s30+$0xFFFFFFB0] =	vst v1;
	v1 =	vld [tilespmem:s30+$0xFFFFFFC0]  }
0xf4: {  	v2 =	vld [tilespmem:s0+$0x7000];
	_ =	sdelay $0x4  }
0xf5: {  	v1 =	vadd.f32 v2, v1;
	_ =	sdelay $0x1  }
0xf6: {  	v1 =	vmax.f32 v1, $0.0e+00  }
0xf7: {  	[tilespmem:s30+$0xFFFFFFC0] =	vst v1;
	v1 =	vld [tilespmem:s30+$0xFFFFFFD0]  }
0xf8: {  	v2 =	vld [tilespmem:s0+$0x7010];
	_ =	sdelay $0x4  }
0xf9: {  	v1 =	vadd.f32 v2, v1;
	_ =	sdelay $0x1  }
0xfa: {  	v1 =	vmax.f32 v1, $0.0e+00  }
0xfb: {  	[tilespmem:s30+$0xFFFFFFD0] =	vst v1;
	v1 =	vld [tilespmem:s30+$0xFFFFFFE0]  }
0xfc: {  	v2 =	vld [tilespmem:s0+$0x7020];
	_ =	sdelay $0x4  }
0xfd: {  	v1 =	vadd.f32 v2, v1;
	_ =	sdelay $0x1  }
0xfe: {  	v1 =	vmax.f32 v1, $0.0e+00  }
0xff: {  	[tilespmem:s30+$0xFFFFFFE0] =	vst v1;
	v1 =	vld [tilespmem:s30+$0xFFFFFFF0]  }
0x100: {  	v2 =	vld [tilespmem:s0+$0x7030];
	_ =	sdelay $0x4  }
0x101: {  	v1 =	vadd.f32 v2, v1;
	_ =	sdelay $0x1  }
0x102: {  	v1 =	vmax.f32 v1, $0.0e+00  }
0x103: {  	[tilespmem:s30+$0xFFFFFFF0] =	vst v1;
	v1 =	vld [tilespmem:s30+$0x0]  }
0x104: {  	v2 =	vld [tilespmem:s0+$0x77C0];
	_ =	sdelay $0x4  }
0x105: {  	v1 =	vadd.f32 v2, v1;
	_ =	sdelay $0x1  }
0x106: {  	v1 =	vmax.f32 v1, $0.0e+00  }
0x107: {  	[tilespmem:s30+$0x0] =	vst v1;
	v1 =	vld [tilespmem:s30+$0x10]  }
0x108: {  	v2 =	vld [tilespmem:s0+$0x77D0];
	_ =	sdelay $0x4  }
0x109: {  	v1 =	vadd.f32 v2, v1;
	_ =	sdelay $0x1  }
0x10a: {  	v1 =	vmax.f32 v1, $0.0e+00  }
0x10b: {  	[tilespmem:s30+$0x10] =	vst v1;
	v1 =	vld [tilespmem:s30+$0x20]  }
0x10c: {  	v2 =	vld [tilespmem:s0+$0x77E0];
	_ =	sdelay $0x4  }
0x10d: {  	v1 =	vadd.f32 v2, v1;
	_ =	sdelay $0x1  }
0x10e: {  	v1 =	vmax.f32 v1, $0.0e+00  }
0x10f: {  	[tilespmem:s30+$0x20] =	vst v1;
	v1 =	vld [tilespmem:s30+$0x30]  }
0x110: {  	v2 =	vld [tilespmem:s0+$0x77F0];
	_ =	sdelay $0x4  }
0x111: {  	v1 =	vadd.f32 v2, v1;
	_ =	sdelay $0x1  }
0x112: {  	v1 =	vmax.f32 v1, $0.0e+00  }
0x113: {  	[tilespmem:s30+$0x30] =	vst v1;
	v1 =	vld [tilespmem:s30+$0x40]  }
0x114: {  	v2 =	vld [tilespmem:s0+$0x7800];
	_ =	sdelay $0x4  }
0x115: {  	v1 =	vadd.f32 v2, v1;
	_ =	sdelay $0x1  }
0x116: {  	v1 =	vmax.f32 v1, $0.0e+00  }
0x117: {  	[tilespmem:s30+$0x40] =	vst v1;
	v1 =	vld [tilespmem:s30+$0x50]  }
0x118: {  	v2 =	vld [tilespmem:s0+$0x7810];
	_ =	sdelay $0x4  }
0x119: {  	v1 =	vadd.f32 v2, v1;
	_ =	sdelay $0x1  }
0x11a: {  	v1 =	vmax.f32 v1, $0.0e+00  }
0x11b: {  	[tilespmem:s30+$0x50] =	vst v1;
	v1 =	vld [tilespmem:s30+$0x60]  }
0x11c: {  	v2 =	vld [tilespmem:s0+$0x7820];
	_ =	sdelay $0x4  }
0x11d: {  	v1 =	vadd.f32 v2, v1;
	_ =	sdelay $0x1  }
0x11e: {  	v1 =	vmax.f32 v1, $0.0e+00  }
0x11f: {  	[tilespmem:s30+$0x60] =	vst v1;
	v1 =	vld [tilespmem:s30+$0x70]  }
0x120: {  	v2 =	vld [tilespmem:s0+$0x7830];
	_ =	sdelay $0x4  }
0x121: {  	v1 =	vadd.f32 v2, v1;
	_ =	sdelay $0x1  }
0x122: {  	v1 =	vmax.f32 v1, $0.0e+00  }
0x123: {  	[tilespmem:s30+$0x70] =	vst v1;
	v1 =	vld [tilespmem:s30+$0x80]  }
0x124: {  	v2 =	vld [tilespmem:s0+$0x7FC0];
	_ =	sdelay $0x4  }
0x125: {  	v1 =	vadd.f32 v2, v1;
	_ =	sdelay $0x1  }
0x126: {  	v1 =	vmax.f32 v1, $0.0e+00  }
0x127: {  	[tilespmem:s30+$0x80] =	vst v1;
	v1 =	vld [tilespmem:s30+$0x90]  }
0x128: {  	v2 =	vld [tilespmem:s0+$0x7FD0];
	_ =	sdelay $0x4  }
0x129: {  	v1 =	vadd.f32 v2, v1;
	_ =	sdelay $0x1  }
0x12a: {  	v1 =	vmax.f32 v1, $0.0e+00  }
0x12b: {  	[tilespmem:s30+$0x90] =	vst v1;
	v1 =	vld [tilespmem:s30+$0xA0]  }
0x12c: {  	v2 =	vld [tilespmem:s0+$0x7FE0];
	_ =	sdelay $0x4  }
0x12d: {  	v1 =	vadd.f32 v2, v1;
	_ =	sdelay $0x1  }
0x12e: {  	v1 =	vmax.f32 v1, $0.0e+00  }
0x12f: {  	[tilespmem:s30+$0xA0] =	vst v1;
	v1 =	vld [tilespmem:s30+$0xB0]  }
0x130: {  	v2 =	vld [tilespmem:s0+$0x7FF0];
	_ =	sdelay $0x4  }
0x131: {  	v1 =	vadd.f32 v2, v1;
	_ =	sdelay $0x1  }
0x132: {  	v1 =	vmax.f32 v1, $0.0e+00  }
0x133: {  	[tilespmem:s30+$0xB0] =	vst v1;
	v1 =	vld [tilespmem:s30+$0xC0]  }
0x134: {  	v2 =	vld [tilespmem:s0+$0x8000];
	_ =	sdelay $0x4  }
0x135: {  	v1 =	vadd.f32 v2, v1;
	_ =	sdelay $0x1  }
0x136: {  	v1 =	vmax.f32 v1, $0.0e+00  }
0x137: {  	[tilespmem:s30+$0xC0] =	vst v1;
	v1 =	vld [tilespmem:s30+$0xD0]  }
0x138: {  	v2 =	vld [tilespmem:s0+$0x8010];
	_ =	sdelay $0x4  }
0x139: {  	v1 =	vadd.f32 v2, v1;
	_ =	sdelay $0x1  }
0x13a: {  	v1 =	vmax.f32 v1, $0.0e+00  }
0x13b: {  	[tilespmem:s30+$0xD0] =	vst v1;
	v1 =	vld [tilespmem:s30+$0xE0]  }
0x13c: {  	v2 =	vld [tilespmem:s0+$0x8020];
	_ =	sdelay $0x4  }
0x13d: {  	v1 =	vadd.f32 v2, v1;
	_ =	sdelay $0x1  }
0x13e: {  	v1 =	vmax.f32 v1, $0.0e+00  }
0x13f: {  	[tilespmem:s30+$0xE0] =	vst v1;
	v1 =	vld [tilespmem:s30+$0xF0]  }
0x140: {  	v2 =	vld [tilespmem:s0+$0x8030];
	_ =	sdelay $0x4  }
0x141: {  	v1 =	vadd.f32 v2, v1  }
0x142: {  	s28 =	sadd.s32 $0x1, s28  }
0x143: {  	p0 =	sne.s32 s28, $0x50;
	v1 =	vmax.f32 v1, $0.0e+00  }
.Ltmp2:
0x144: {  	[tilespmem:s31+$0xF0] =	vst v1;
	s31 =	sadd.s32 $0x2800, s29;
	(pc) =	sbr.rel @p0 .LBB2_4-.Ltmp2, $4  }
0x145: {  	[spmem:s1] =	stream.indirect.scatter.add.f32 [tilespmem:s18], [sflag:$0x3], $0x40, s31, s19, $0xb8;
	[tilespmem:$0x13000] =	vst v63  }
0x146: {  	_ =	swait.ge [sflag:s16], $0x2000  }
0x147: {  	[sflag:s16] =	ssyncset.done $0x0  }
0x148: {  	[sflag:s16] =	ssyncadd.s32 $0xFFFFE000  }
0x149: {  	s26 =	sadd.s32 $0x1, s26  }
0x14a: {  	s0 =	sshll.u32 s2, $0x6;
	p0 =	sne.s32 s26, s11  }
.Ltmp3:
0x14b: {  	[bflag:$0x0] =	sbarrier.arrive $0xFFFF;
	s0 =	sor.u32 $0x1C03, s0;
	(pc) =	sbr.rel @p0 .LBB2_1-.Ltmp3, $4  }
0x14c: {  	[hbm:s10], [sflag:s0] =	dma.local [spmem:s25], $0x1400  }
0x14d: {  	_ =	swait.ge [sflag:s16], $0x1400  }
0x14e: {  	[sflag:s16] =	ssyncset.done $0x0  }
0x14f: {  	[sflag:s16] =	ssyncadd.s32 $0xFFFFEC00  }
0x150: {  	_ =	sfence.sel $0x180000  }
0x151: {  	[bflag:$0x0] =	sbarrier.arrive $0xFFFF  }
0x152: {  	_ =	strace $0x90000047  }
0x153: {  	[bflag:$0x2] =	sbarrier.arrive $0xFFFF  }
0x154: {  	p0 =	sne.s32 s2, $0x0;
	s0 =	rddreg [dreg:$0x2]  }
0x155: {  	s0 =	sadd.s32 @!p0 $0x100000, s0  }
0x156: {  	[sflag:s0] =	ssyncadd.tile.s32 @!p0 $0x1;
	_ =	shalt  }
.Lfunc_end2:
_tile_overlayer_lowered:
.L_overlay_start_2:
0x157: {  	(tag) =	ssettag $0x2  }
0x158: {  	s0 =	rddreg [dreg:$0x0];
	s2 =	stileid.u32  }
0x159: {  	s1 =	rddreg [dreg:$0x1];
	p0 =	sne.s32 s2, $0x0  }
0x15a: {  	s3 =	rddreg [dreg:$0x2];
	[bflag:$0x3] =	sbarrier.arrive $0xFFFF;
	s2 =	simm.s32 @!p0 $0x1C03  }
0x15b: {  	[timem:s3], [sflag:s2] =	dma.local @!p0 [hbm:s0], s1  }
0x15c: {  	s0 =	simm.s32 @!p0 $0x3  }
0x15d: {  	_ =	swait.ge @!p0 [sflag:s0], s1  }
0x15e: {  	s1 =	ssub.s32 @!p0 $0x0, s1;
	[sflag:s0] =	ssyncset.done @!p0 $0x0  }
0x15f: {  	[sflag:s0] =	ssyncadd.s32 @!p0 s1  }
0x160: {  	[bflag:$0x3] =	sbarrier.arrive $0xFFFF  }
0x161: {  	_ =	shalt  }

// kernel: kernel.13.cloned.1.call-start
scs
__scs_entry_jumppad:
0x0: {  	(pc) =	sbr.rel $0x88, $3  }
0x1: {  	(tag) =	ssettag $0x0;
	lr =	simm.s32 $0x1  }
0x2: {  	[smem:$0x3F89] =	sst lr;
	_ =	strace $0xD0000000  }
0x3: {  	_ = 	snop  }
0x4: {  	_ = 	snop  }
0x5: {  	_ = 	snop  }
0x6: {  	_ = 	snop  }
0x7: {  	_ = 	snop  }
__scs_overlays_trampoline_lowered:
0x8: {  	[smem:$0x3F98] =	sst s0  }
0x9: {  	[smem:$0x3F99] =	sst s1  }
0xa: {  	[smem:$0x3F9A] =	sst s2  }
0xb: {  	[smem:$0x3F9B] =	sst s3  }
0xc: {  	[smem:$0x3F9C] =	sst s4  }
0xd: {  	[smem:$0x3F9D] =	sst s5  }
0xe: {  	[smem:$0x3F9E] =	sst s6  }
0xf: {  	[smem:$0x3F9F] =	sst s7  }
0x10: {  	[smem:$0x3FA0] =	sst s8  }
0x11: {  	[smem:$0x3FA1] =	sst s9;
	s0 =	simm.s32 @!p0 $0x0  }
0x12: {  	s1 =	sld [smem:$0x3F87];
	s0 =	simm.s32 @p0 $0x1  }
0x13: {  	[smem:$0x3FA2] =	sst s0;
	s0 =	simm.s32 @!p1 $0x0  }
0x14: {  	s2 =	sld [smem:$0x3F86];
	s0 =	simm.s32 @p1 $0x1  }
0x15: {  	[smem:$0x3FA3] =	sst s0;
	s0 =	simm.s32 @!p2 $0x0  }
0x16: {  	s3 =	sld [smem:$0x3FDB];
	s0 =	simm.s32 @p2 $0x1  }
0x17: {  	s4 =	simm.s32 $0x1BF5;
	[smem:$0x3FA5] =	sst s0  }
0x18: {  	s0 =	sld [smem:$0x3F88];
	_ =	swait.ge [sflag:s4], $0x0  }
0x19: {  	s7 =	sld [smem:$0x3F89]  }
0x1a: {  	s8 =	sadd.s32 $0xFFFFE003, lr  }
0x1b: {  	s9 =	sadd.s32 $0xFFFFFEF7, lr;
	s5 =	simm.s32 $0xFFFFFFFF;
	p2 =	slt.u32 s8, $0xFFFFF086  }
0x1c: {  	p1 =	slt.u32 s9, $0xF7A;
	s5 =	simm.s32 @!p2 $0x0  }
0x1d: {  	s5 =	simm.s32 @p1 $0x1;
	p0 =	seq.s32 s7, s2  }
0x1e: {  	s7 =	smul.u32 @!p0 $0xF7A, s2;
	p2 =	seq.s32 @!p0 s5, $0x0  }
0x1f: {  	s9 =	smul.u32 $0xF7A, s1;
	s8 =	simm.s32 @!p0 $0x1BF5;
	p2 =	por !p2, p0  }
0x20: {  	[sflag:s8] =	ssyncset.s32 @!p0 $0xFFFFF086;
	s6 =	sadd.s32 @!p0 s3, s7;
	s7 =	simm.s32 @!p0 $0x108  }
0x21: {  	s3 =	sadd.s32 s3, s9;
	s6 =	sadd.s32 @!p0 $0x88, s6;
	s7 =	simm.s32 @p2 $0x1082  }
0x22: {  	[simem:s7], [sflag:s8] =	dma.local @!p0 [hbm:s6], $0xF7A  }
0x23: {  	s9 =	sor.u32 $0xD0000000, s2;
	s6 =	simm.s32 $0x108;
	_ =	swait.ge @!p0 [sflag:s8], $0x0  }
0x24: {  	s3 =	sadd.s32 $0x88, s3;
	s6 =	simm.s32 @!p1 $0x1082;
	[sflag:s4] =	ssyncset.s32 $0xFFFFF086  }
0x25: {  	[simem:s6], [sflag:s4] =	dma.local [hbm:s3], $0xF7A  }
0x26: {  	[smem:$0x3F89] =	sst s1;
	(tag) =	ssettag s2;
	_ =	strace s9  }
0x27: {  	s1 =	sld [smem:$0x3F99]  }
0x28: {  	s2 =	sld [smem:$0x3F9A]  }
0x29: {  	s4 =	sld [smem:$0x3F9C]  }
0x2a: {  	p0 =	seq.s32 s5, $0x0;
	s5 =	sld [smem:$0x3F9D]  }
0x2b: {  	s6 =	sld [smem:$0x3F9E]  }
0x2c: {  	s7 =	sld [smem:$0x3F9F]  }
0x2d: {  	s3 =	simm.s32 $0x108;
	s8 =	sld [smem:$0x3FA0]  }
0x2e: {  	s3 =	simm.s32 @!p0 $0x1082;
	s9 =	sld [smem:$0x3FA1]  }
0x2f: {  	lr =	sadd.s32 s0, s3;
	s0 =	sld [smem:$0x3F98]  }
0x30: {  	s3 =	sld [smem:$0x3F9B]  }
0x31: {  	[smem:$0x3FA4] =	sst s10  }
0x32: {  	s10 =	sld [smem:$0x3FA2];
	_ =	sdelay $0x3  }
0x33: {  	p0 =	seq.s32 s10, $0x1;
	s10 =	sld [smem:$0x3FA4];
	_ =	sdelay $0x3  }
0x34: {  	[smem:$0x3FA4] =	sst s10  }
0x35: {  	s10 =	sld [smem:$0x3FA3];
	_ =	sdelay $0x3  }
0x36: {  	p1 =	seq.s32 s10, $0x1;
	s10 =	sld [smem:$0x3FA4];
	_ =	sdelay $0x3  }
0x37: {  	[smem:$0x3FA4] =	sst s10  }
0x38: {  	s10 =	sld [smem:$0x3FA5]  }
0x39: {  	_ = 	snop;
	(pc) =	sbr.ind lr, $3  }
0x3a: {  	_ = 	snop  }
0x3b: {  	_ = 	snop  }
0x3c: {  	p2 =	seq.s32 s10, $0x1;
	s10 =	sld [smem:$0x3FA4]  }
0x3d: {  	_ =	shalt  }
0x3e: {  	_ =	shalt  }
0x3f: {  	_ =	shalt  }
0x40: {  	_ =	shalt  }
0x41: {  	_ =	shalt  }
0x42: {  	_ =	shalt  }
0x43: {  	_ =	shalt  }
0x44: {  	_ =	shalt  }
0x45: {  	_ =	shalt  }
0x46: {  	_ =	shalt  }
0x47: {  	_ =	shalt  }
0x48: {  	_ =	shalt  }
0x49: {  	_ =	shalt  }
0x4a: {  	_ =	shalt  }
0x4b: {  	_ =	shalt  }
0x4c: {  	_ =	shalt  }
0x4d: {  	_ =	shalt  }
0x4e: {  	_ =	shalt  }
0x4f: {  	_ =	shalt  }
0x50: {  	_ =	shalt  }
0x51: {  	_ =	shalt  }
0x52: {  	_ =	shalt  }
0x53: {  	_ =	shalt  }
0x54: {  	_ =	shalt  }
0x55: {  	_ =	shalt  }
0x56: {  	_ =	shalt  }
0x57: {  	_ =	shalt  }
0x58: {  	_ =	shalt  }
0x59: {  	_ =	shalt  }
0x5a: {  	_ =	shalt  }
0x5b: {  	_ =	shalt  }
0x5c: {  	_ =	shalt  }
0x5d: {  	_ =	shalt  }
0x5e: {  	_ =	shalt  }
0x5f: {  	_ =	shalt  }
0x60: {  	_ =	shalt  }
0x61: {  	_ =	shalt  }
0x62: {  	_ =	shalt  }
0x63: {  	_ =	shalt  }
0x64: {  	_ =	shalt  }
0x65: {  	_ =	shalt  }
0x66: {  	_ =	shalt  }
0x67: {  	_ =	shalt  }
0x68: {  	_ =	shalt  }
0x69: {  	_ =	shalt  }
0x6a: {  	_ =	shalt  }
0x6b: {  	_ =	shalt  }
0x6c: {  	_ =	shalt  }
0x6d: {  	_ =	shalt  }
0x6e: {  	_ =	shalt  }
0x6f: {  	_ =	shalt  }
0x70: {  	_ =	shalt  }
0x71: {  	_ =	shalt  }
0x72: {  	_ =	shalt  }
0x73: {  	_ =	shalt  }
0x74: {  	_ =	shalt  }
0x75: {  	_ =	shalt  }
0x76: {  	_ =	shalt  }
0x77: {  	_ =	shalt  }
0x78: {  	_ =	shalt  }
0x79: {  	_ =	shalt  }
0x7a: {  	_ =	shalt  }
0x7b: {  	_ =	shalt  }
0x7c: {  	_ =	shalt  }
0x7d: {  	_ =	shalt  }
0x7e: {  	_ =	shalt  }
0x7f: {  	_ =	shalt  }
0x80: {  	_ =	shalt  }
0x81: {  	_ =	shalt  }
0x82: {  	_ =	shalt  }
0x83: {  	_ =	shalt  }
0x84: {  	_ =	shalt  }
0x85: {  	_ =	shalt  }
0x86: {  	_ =	shalt  }
0x87: {  	_ =	shalt  }
.Lfunc_end0:
.L_simem_size_0:
called_computation.1_lowered:
.L_overlay_start_0:
0x88: {  	s2 =	sld [smem:$0x3FD9]  }
0x89: {  	s3 =	sld [smem:$0x3FFE];
	_ =	sdelay $0x1  }
0x8a: {  	s1 =	srdreg.scid  }
0x8b: {  	s0 =	sand.u32 $0x1, s1  }
0x8c: {  	s16 =	sshll.u32 s0, $0xA;
	s2 =	sadd.s32 s3, s2  }
0x8d: {  	s2 =	sadd.s32 s2, s16  }
0x8e: {  	[smem:$0x3FB0] =	sst s2  }
0x8f: {  	_ = 	snop  }
0x90: {  	(tm) =	ssettm $0x1  }
0x91: {  	s17 =	sld [smem:$0x3FFB];
	_ =	sdelay $0x3  }
0x92: {  	_ =	strace s17  }
0x93: {  	s2 =	sld [smem:$0x3FFC];
	_ =	sdelay $0x3  }
0x94: {  	_ =	strace s2  }
0x95: {  	s2 =	sld [smem:$0x3FFD];
	_ =	sdelay $0x3  }
0x96: {  	_ =	strace s2  }
0x97: {  	_ =	strace $0x8FFFFFFF  }
0x98: {  	s18 =	sld [smem:$0x3FDB];
	_ =	sdelay $0x1  }
0x99: {  	s19 =	simm.s32 $_scs_section_size  }
0x9a: {  	s4 =	simm.s32 $_size__tile_overlayer_lowered;
	s5 =	simm.s32 $_tile_overlayer_lowered  }
0x9b: {  	s22 =	simm.s32 $0x1BFF;
	s21 =	sshll.u32 s5, $0x1;
	s2 =	sadd.s32 s19, s18  }
0x9c: {  	s6 =	simm.s32 $0x0;
	s20 =	sshll.u32 s4, $0x1;
	s4 =	sadd.s32 s21, s2  }
0x9d: {  	[timem:s6], [sflag:s22] =	dma.local [hbm:s4], s20  }
0x9e: {  	_ =	swait.ge [sflag:s22], s20  }
0x9f: {  	s3 =	ssub.s32 $0x0, s20;
	[sflag:s22] =	ssyncset.done $0x0  }
0xa0: {  	[sflag:s22] =	ssyncadd.s32 s3;
	_ =	sdelay $0x1  }
0xa1: {  	s23 =	simm.s32 $0x1B8B  }
0xa2: {  	_ =	swait.ge [sflag:s23], $0x1  }
0xa3: {  	[sflag:s23] =	ssyncset.done $0x0  }
0xa4: {  	s25 =	simm.s32 $0x1B8E;
	s24 =	sld [smem:$0x3FFE];
	[sflag:s23] =	ssyncadd.s32 $0xFFFFFFFF  }
0xa5: {  	s26 =	simm.s32 $execute0_lowered;
	[smem:$0x3FD2] =	sst s25  }
0xa6: {  	s4 =	sshll.u32 s26, $0x1;
	_ =	strace $0x80000049;
	[dreg:$0x1] =	wrdreg $0xFFFFFFFF  }
0xa7: {  	s28 =	simm.s32 $_size_execute0_lowered;
	s2 =	sadd.s32 s2, s4;
	[dreg:$0x0] =	wrdreg $0x0  }
0xa8: {  	s4 =	sshll.u32 s28, $0x1;
	[dreg:$0x2] =	wrdreg s2  }
0xa9: {  	[dreg:$0x3] =	wrdreg s4  }
0xaa: {  	[dreg:$0x4] =	wrdreg $0xC0  }
0xab: {  	_ =	task [dreg:s6], $0x5FFFF  }
0xac: {  	[dreg:$0x1] =	wrdreg $0xFFFFFFFF  }
0xad: {  	[dreg:$0x0] =	wrdreg $0x60  }
0xae: {  	[dreg:$0x2] =	wrdreg s24  }
0xaf: {  	[dreg:$0x3] =	wrdreg $0x90000  }
0xb0: {  	[dreg:$0x4] =	wrdreg $0x9  }
0xb1: {  	_ =	task.clear_ibuf [dreg:s6], $0x5FFFF;
	_ =	strace $0x90000049  }
0xb2: {  	s29 =	simm.s32 $0x9;
	_ =	strace $0x8000004B  }
0xb3: {  	_ =	swait.ge [sflag:s29], $0x1  }
0xb4: {  	[sflag:s29] =	ssyncadd.s32 $0xFFFFFFFF  }
0xb5: {  	_ =	strace $0x9000004B  }
0xb6: {  	_ =	sfence  }
0xb7: {  	s30 =	sld [smem:$0x0];
	_ =	sdelay $0x2  }
0xb8: {  	s31 =	sshll.u32 s1, $0xD;
	s1 =	sshrl.u32 s1, $0x2  }
0xb9: {  	s3 =	sand.u32 $0x4000, s31;
	s1 =	sadd.s32 s1, s30  }
0xba: {  	s0 =	sor.u32 s3, s0;
	s1 =	sshll.u32 s1, $0x11  }
0xbb: {  	s0 =	sor.u32 s1, s0  }
0xbc: {  	s0 =	sadd.s32 $0x8F2B, s0  }
0xbd: {  	[sflag:s0] =	ssyncadd.remote.s32 $0x1  }
0xbe: {  	_ =	sfence.sel $0xFFFF  }
0xbf: {  	[dreg:$0x0] =	wrdreg $0xFFFFFFFF;
	(pc) =	sbr.abs _section_cstart, $3  }
0xc0: {  	[dreg:$0x1] =	wrdreg $0xFFFFFFFF  }
0xc1: {  	_ =	task.clear_ibuf [dreg:s6], $0x2FFFF;
	_ =	strace $0x9FFFFFFF  }
0xc2: {  	(tm) =	ssettm $0x7FFFFFFF  }
0xc3: {  	_ =	shalt  }
tec
execute0_lowered:
.L_overlay_start_1:
0x0: {  	(tag) =	ssettag $0x1  }
0x1: {  	s0 =	rddreg [dreg:$0x0]  }
0x2: {  	s1 =	rddreg [dreg:$0x1];
	s2 =	srdreg.scid  }
0x3: {  	s3 =	simm.s32 $0x0;
	s16 =	simm.s32 $0x3;
	s18 =	simm.s32 $0x5000  }
0x4: {  	s19 =	simm.s32 $0x80;
	s20 =	simm.s32 $0x800;
	s21 =	simm.s32 $0x500000  }
0x5: {  	s22 =	simm.s32 $0x7000;
	s23 =	simm.s32 $0x1;
	s24 =	simm.s32 $0x2  }
0x6: {  	s26 =	simm.s32 $0x0;
	s6 =	sand.u32 $0x1, s2;
	s2 =	stileid.u32  }
0x7: {  	[smem:$0x7FF] =	sst s3;
	s4 =	sadd.s32 $0x17600, s0;
	s7 =	smul.u32 $0xA0000, s6  }
0x8: {  	s5 =	sshll.u32 s6, $0x4;
	s11 =	smul.u32 $0xA000, s2;
	_ =	strace $0x8000004A  }
0x9: {  	s6 =	ssub.s32 $0x2, s6;
	s10 =	smul.u32 $0x28000, s2;
	s9 =	sor.u32 s2, s5  }
0xa: {  	s5 =	sadd.s32 $0x2B000, s0;
	s30 =	sshrl.u32 s6, $0x1;
	s8 =	smul.u32 $0x500, s9  }
0xb: {  	s7 =	sadd.s32 s11, s7;
	s12 =	ssub.s32 s6, s30;
	s10 =	sshrl.u32 s10, $0x2  }
0xc: {  	s9 =	smul.u32 $0x50, s9;
	s31 =	sadd.s32 s11, s1;
	s7 =	sshrl.u32 s7, $0x3  }
0xd: {  	s11 =	smax.u32 s12, $0x1;
	s8 =	sadd.s32 s8, s0;
	s0 =	sadd.s32 s7, s0  }
0xe: {  	s6 =	sadd.s32 $0xD600, s8;
	s7 =	sadd.s32 $0x3600, s8;
	s8 =	sadd.s32 s10, s1  }
0xf: {  	s25 =	sshrl.u32 s31, $0x3;
	s10 =	sadd.s32 $0x2AB000, s0;
	s12 =	sadd.s32 $0x2000, s8  }
0x10: {  	v0 =	vimm.f32 $0.0e+00;
	s13 =	sadd.s32 $0x4000, s8;
	s14 =	sadd.s32 $0x6000, s8;
	s15 =	sadd.s32 $0x8000, s8  }
.LBB2_1:
0x11: {  	[tilespmem:s3], [sflag:$0x3] =	stream.linear.gather [hbm4b:s6+s3], $0x2800, $0x38;
	[tilespmem:$0x13000] =	vst v63  }
0x12: {  	_ =	swait.ge [sflag:s16], $0x2800  }
0x13: {  	[sflag:s16] =	ssyncset.done $0x0  }
0x14: {  	s0 =	simm.s32 $0x2800;
	[sflag:s16] =	ssyncadd.s32 $0xFFFFD800  }
0x15: {  	[tilespmem:s0], [sflag:$0x3] =	stream.linear.gather [hbm4b:s7+s3], $0x2800, $0x38;
	[tilespmem:$0x13000] =	vst v63  }
0x16: {  	_ =	swait.ge [sflag:s16], $0x2800  }
0x17: {  	[sflag:s16] =	ssyncset.done $0x0  }
0x18: {  	s17 =	simm.s32 $0x100;
	s0 =	simm.s32 $0x0;
	[sflag:s16] =	ssyncadd.s32 $0xFFFFD800  }
.LBB2_2:
0x19: {  	p0 =	sne.s32 s17, $0x7F00;
	[tilespmem:s0+$0x5030] =	vst v0;
	s28 =	smov.u32 s17;
	s17 =	sadd.s32 $0x100, s17  }
.Ltmp0:
0x1a: {  	[tilespmem:s0+$0x5020] =	vst v0;
	(pc) =	sbr.rel @p0 .LBB2_2-.Ltmp0, $3  }
0x1b: {  	[tilespmem:s0+$0x5000] =	vst v0  }
0x1c: {  	[tilespmem:s0+$0x5010] =	vst v0;
	_ =	sdelay $0x1  }
0x1d: {  	s0 =	sshra.s32 s28, $0x2  }
0x1e: {  	[tilespmem:s0+$0x5030] =	vst v0  }
0x1f: {  	[tilespmem:s0+$0x5020] =	vst v0  }
0x20: {  	[tilespmem:s0+$0x5000] =	vst v0  }
0x21: {  	[tilespmem:s0+$0x5010] =	vst v0  }
0x22: {  	[spmem:s8] =	stream.linear.scatter [tilespmem:s18], [sflag:$0x3], $0x2000, $0x38;
	[tilespmem:$0x13000] =	vst v63  }
0x23: {  	_ =	swait.ge [sflag:s16], $0x2000  }
0x24: {  	[sflag:s16] =	ssyncset.done $0x0  }
0x25: {  	[sflag:s16] =	ssyncadd.s32 $0xFFFFE000  }
0x26: {  	[spmem:s12] =	stream.linear.scatter [tilespmem:s18], [sflag:$0x3], $0x2000, $0x38;
	[tilespmem:$0x13000] =	vst v63  }
0x27: {  	_ =	swait.ge [sflag:s16], $0x2000  }
0x28: {  	[sflag:s16] =	ssyncset.done $0x0  }
0x29: {  	[sflag:s16] =	ssyncadd.s32 $0xFFFFE000  }
0x2a: {  	[spmem:s13] =	stream.linear.scatter [tilespmem:s18], [sflag:$0x3], $0x2000, $0x38;
	[tilespmem:$0x13000] =	vst v63  }
0x2b: {  	_ =	swait.ge [sflag:s16], $0x2000  }
0x2c: {  	[sflag:s16] =	ssyncset.done $0x0  }
0x2d: {  	[sflag:s16] =	ssyncadd.s32 $0xFFFFE000  }
0x2e: {  	[spmem:s14] =	stream.linear.scatter [tilespmem:s18], [sflag:$0x3], $0x2000, $0x38;
	[tilespmem:$0x13000] =	vst v63  }
0x2f: {  	_ =	swait.ge [sflag:s16], $0x2000  }
0x30: {  	[sflag:s16] =	ssyncset.done $0x0  }
0x31: {  	[sflag:s16] =	ssyncadd.s32 $0xFFFFE000  }
0x32: {  	[spmem:s15] =	stream.linear.scatter [tilespmem:s18], [sflag:$0x3], $0x2000, $0x38;
	[tilespmem:$0x13000] =	vst v63  }
0x33: {  	_ =	swait.ge [sflag:s16], $0x2000  }
0x34: {  	[sflag:s16] =	ssyncset.done $0x0  }
0x35: {  	[sflag:s16] =	ssyncadd.s32 $0xFFFFE000  }
0x36: {  	s28 =	simm.s32 $0x0;
	[bflag:$0x0] =	sbarrier.arrive $0xFFFF  }
.LBB2_4:
0x37: {  	s29 =	sshll.u32 s28, $0x7;
	s0 =	sadd.s32 s9, s28  }
0x38: {  	[tilespmem:s18], [sflag:$0x1] =	stream.indirect.gather [hbm4b:s4+s19], $0x40, s29, s19, $0xb8;
	[tilespmem:$0x13000] =	vst v63  }
0x39: {  	s0 =	sshll.u32 s0, $0x8  }
0x3a: {  	s0 =	sadd.s32 s5, s0  }
0x3b: {  	[tilespmem:s22], [sflag:$0x2] =	stream.strided.gather [hbm4b:s0+s20], $0x2000, s21, s20, $0x38;
	[tilespmem:$0x13000] =	vst v63  }
0x3c: {  	_ =	swait.ge [sflag:s23], $0x2000  }
0x3d: {  	[sflag:s23] =	ssyncset.done $0x0  }
0x3e: {  	[sflag:s23] =	ssyncadd.s32 $0xFFFFE000  }
0x3f: {  	_ =	swait.ge [sflag:s24], $0x2000  }
0x40: {  	[sflag:s24] =	ssyncset.done $0x0  }
0x41: {  	s30 =	simm.s32 $0x5100;
	[sflag:s24] =	ssyncadd.s32 $0xFFFFE000  }
0x42: {  	s17 =	simm.s32 $0x2300;
	s31 =	simm.s32 $0x5100;
	s0 =	simm.s32 $0x840;
	v1 =	vld [tilespmem:s30+$0xFFFFFF00]  }
.LBB2_5:
0x43: {  	p0 =	sne.s32 s17, $0x3F00;
	v2 =	vld [tilespmem:s0+$0x67C0];
	_ =	sdelay $0x4  }
0x44: {  	v1 =	vadd.f32 v2, v1;
	_ =	sdelay $0x1  }
0x45: {  	v1 =	vmax.f32 v1, $0.0e+00  }
0x46: {  	[tilespmem:s30+$0xFFFFFF00] =	vst v1;
	v1 =	vld [tilespmem:s30+$0xFFFFFF10]  }
0x47: {  	v2 =	vld [tilespmem:s0+$0x67D0];
	_ =	sdelay $0x4  }
0x48: {  	v1 =	vadd.f32 v2, v1;
	_ =	sdelay $0x1  }
0x49: {  	v1 =	vmax.f32 v1, $0.0e+00  }
0x4a: {  	[tilespmem:s30+$0xFFFFFF10] =	vst v1;
	v1 =	vld [tilespmem:s30+$0xFFFFFF20]  }
0x4b: {  	v2 =	vld [tilespmem:s0+$0x67E0];
	_ =	sdelay $0x4  }
0x4c: {  	v1 =	vadd.f32 v2, v1;
	_ =	sdelay $0x1  }
0x4d: {  	v1 =	vmax.f32 v1, $0.0e+00  }
0x4e: {  	[tilespmem:s30+$0xFFFFFF20] =	vst v1;
	v1 =	vld [tilespmem:s30+$0xFFFFFF30]  }
0x4f: {  	v2 =	vld [tilespmem:s0+$0x67F0];
	_ =	sdelay $0x4  }
0x50: {  	v1 =	vadd.f32 v2, v1;
	_ =	sdelay $0x1  }
0x51: {  	v1 =	vmax.f32 v1, $0.0e+00  }
0x52: {  	[tilespmem:s30+$0xFFFFFF30] =	vst v1;
	v1 =	vld [tilespmem:s30+$0xFFFFFF40]  }
0x53: {  	v2 =	vld [tilespmem:s0+$0x6800];
	_ =	sdelay $0x4  }
0x54: {  	v1 =	vadd.f32 v2, v1;
	_ =	sdelay $0x1  }
0x55: {  	v1 =	vmax.f32 v1, $0.0e+00  }
0x56: {  	[tilespmem:s30+$0xFFFFFF40] =	vst v1;
	v1 =	vld [tilespmem:s30+$0xFFFFFF50]  }
0x57: {  	v2 =	vld [tilespmem:s0+$0x6810];
	_ =	sdelay $0x4  }
0x58: {  	v1 =	vadd.f32 v2, v1;
	_ =	sdelay $0x1  }
0x59: {  	v1 =	vmax.f32 v1, $0.0e+00  }
0x5a: {  	[tilespmem:s30+$0xFFFFFF50] =	vst v1;
	v1 =	vld [tilespmem:s30+$0xFFFFFF60]  }
0x5b: {  	v2 =	vld [tilespmem:s0+$0x6820];
	_ =	sdelay $0x4  }
0x5c: {  	v1 =	vadd.f32 v2, v1;
	_ =	sdelay $0x1  }
0x5d: {  	v1 =	vmax.f32 v1, $0.0e+00  }
0x5e: {  	[tilespmem:s30+$0xFFFFFF60] =	vst v1;
	v1 =	vld [tilespmem:s30+$0xFFFFFF70]  }
0x5f: {  	v2 =	vld [tilespmem:s0+$0x6830];
	_ =	sdelay $0x4  }
0x60: {  	v1 =	vadd.f32 v2, v1;
	_ =	sdelay $0x1  }
0x61: {  	v1 =	vmax.f32 v1, $0.0e+00  }
0x62: {  	[tilespmem:s30+$0xFFFFFF70] =	vst v1;
	v1 =	vld [tilespmem:s30+$0xFFFFFF80]  }
0x63: {  	v2 =	vld [tilespmem:s0+$0x6FC0];
	_ =	sdelay $0x4  }
0x64: {  	v1 =	vadd.f32 v2, v1;
	_ =	sdelay $0x1  }
0x65: {  	v1 =	vmax.f32 v1, $0.0e+00  }
0x66: {  	[tilespmem:s30+$0xFFFFFF80] =	vst v1;
	v1 =	vld [tilespmem:s30+$0xFFFFFF90]  }
0x67: {  	v2 =	vld [tilespmem:s0+$0x6FD0];
	_ =	sdelay $0x4  }
0x68: {  	v1 =	vadd.f32 v2, v1;
	_ =	sdelay $0x1  }
0x69: {  	v1 =	vmax.f32 v1, $0.0e+00  }
0x6a: {  	[tilespmem:s30+$0xFFFFFF90] =	vst v1;
	v1 =	vld [tilespmem:s30+$0xFFFFFFA0]  }
0x6b: {  	v2 =	vld [tilespmem:s0+$0x6FE0];
	_ =	sdelay $0x4  }
0x6c: {  	v1 =	vadd.f32 v2, v1;
	_ =	sdelay $0x1  }
0x6d: {  	v1 =	vmax.f32 v1, $0.0e+00  }
0x6e: {  	[tilespmem:s30+$0xFFFFFFA0] =	vst v1;
	v1 =	vld [tilespmem:s30+$0xFFFFFFB0]  }
0x6f: {  	v2 =	vld [tilespmem:s0+$0x6FF0];
	_ =	sdelay $0x4  }
0x70: {  	v1 =	vadd.f32 v2, v1;
	_ =	sdelay $0x1  }
0x71: {  	v1 =	vmax.f32 v1, $0.0e+00  }
0x72: {  	[tilespmem:s30+$0xFFFFFFB0] =	vst v1;
	v1 =	vld [tilespmem:s30+$0xFFFFFFC0]  }
0x73: {  	v2 =	vld [tilespmem:s0+$0x7000];
	_ =	sdelay $0x4  }
0x74: {  	v1 =	vadd.f32 v2, v1;
	_ =	sdelay $0x1  }
0x75: {  	v1 =	vmax.f32 v1, $0.0e+00  }
0x76: {  	[tilespmem:s30+$0xFFFFFFC0] =	vst v1;
	v1 =	vld [tilespmem:s30+$0xFFFFFFD0]  }
0x77: {  	v2 =	vld [tilespmem:s0+$0x7010];
	_ =	sdelay $0x4  }
0x78: {  	v1 =	vadd.f32 v2, v1;
	_ =	sdelay $0x1  }
0x79: {  	v1 =	vmax.f32 v1, $0.0e+00  }
0x7a: {  	[tilespmem:s30+$0xFFFFFFD0] =	vst v1;
	v1 =	vld [tilespmem:s30+$0xFFFFFFE0]  }
0x7b: {  	v2 =	vld [tilespmem:s0+$0x7020];
	_ =	sdelay $0x4  }
0x7c: {  	v1 =	vadd.f32 v2, v1;
	_ =	sdelay $0x1  }
0x7d: {  	v1 =	vmax.f32 v1, $0.0e+00  }
0x7e: {  	[tilespmem:s30+$0xFFFFFFE0] =	vst v1;
	v1 =	vld [tilespmem:s30+$0xFFFFFFF0]  }
0x7f: {  	v2 =	vld [tilespmem:s0+$0x7030];
	_ =	sdelay $0x4  }
0x80: {  	v1 =	vadd.f32 v2, v1;
	_ =	sdelay $0x1  }
0x81: {  	v1 =	vmax.f32 v1, $0.0e+00  }
0x82: {  	[tilespmem:s30+$0xFFFFFFF0] =	vst v1;
	v1 =	vld [tilespmem:s30+$0x0]  }
0x83: {  	v2 =	vld [tilespmem:s0+$0x77C0];
	_ =	sdelay $0x4  }
0x84: {  	v1 =	vadd.f32 v2, v1;
	_ =	sdelay $0x1  }
0x85: {  	v1 =	vmax.f32 v1, $0.0e+00  }
0x86: {  	[tilespmem:s30+$0x0] =	vst v1;
	v1 =	vld [tilespmem:s30+$0x10]  }
0x87: {  	v2 =	vld [tilespmem:s0+$0x77D0];
	_ =	sdelay $0x4  }
0x88: {  	v1 =	vadd.f32 v2, v1;
	_ =	sdelay $0x1  }
0x89: {  	v1 =	vmax.f32 v1, $0.0e+00  }
0x8a: {  	[tilespmem:s30+$0x10] =	vst v1;
	v1 =	vld [tilespmem:s30+$0x20]  }
0x8b: {  	v2 =	vld [tilespmem:s0+$0x77E0];
	_ =	sdelay $0x4  }
0x8c: {  	v1 =	vadd.f32 v2, v1;
	_ =	sdelay $0x1  }
0x8d: {  	v1 =	vmax.f32 v1, $0.0e+00  }
0x8e: {  	[tilespmem:s30+$0x20] =	vst v1;
	v1 =	vld [tilespmem:s30+$0x30]  }
0x8f: {  	v2 =	vld [tilespmem:s0+$0x77F0];
	_ =	sdelay $0x4  }
0x90: {  	v1 =	vadd.f32 v2, v1;
	_ =	sdelay $0x1  }
0x91: {  	v1 =	vmax.f32 v1, $0.0e+00  }
0x92: {  	[tilespmem:s30+$0x30] =	vst v1;
	v1 =	vld [tilespmem:s30+$0x40]  }
0x93: {  	v2 =	vld [tilespmem:s0+$0x7800];
	_ =	sdelay $0x4  }
0x94: {  	v1 =	vadd.f32 v2, v1;
	_ =	sdelay $0x1  }
0x95: {  	v1 =	vmax.f32 v1, $0.0e+00  }
0x96: {  	[tilespmem:s30+$0x40] =	vst v1;
	v1 =	vld [tilespmem:s30+$0x50]  }
0x97: {  	v2 =	vld [tilespmem:s0+$0x7810];
	_ =	sdelay $0x4  }
0x98: {  	v1 =	vadd.f32 v2, v1;
	_ =	sdelay $0x1  }
0x99: {  	v1 =	vmax.f32 v1, $0.0e+00  }
0x9a: {  	[tilespmem:s30+$0x50] =	vst v1;
	v1 =	vld [tilespmem:s30+$0x60]  }
0x9b: {  	v2 =	vld [tilespmem:s0+$0x7820];
	_ =	sdelay $0x4  }
0x9c: {  	v1 =	vadd.f32 v2, v1;
	_ =	sdelay $0x1  }
0x9d: {  	v1 =	vmax.f32 v1, $0.0e+00  }
0x9e: {  	[tilespmem:s30+$0x60] =	vst v1;
	v1 =	vld [tilespmem:s30+$0x70]  }
0x9f: {  	v2 =	vld [tilespmem:s0+$0x7830];
	_ =	sdelay $0x4  }
0xa0: {  	v1 =	vadd.f32 v2, v1;
	_ =	sdelay $0x1  }
0xa1: {  	v1 =	vmax.f32 v1, $0.0e+00  }
0xa2: {  	[tilespmem:s30+$0x70] =	vst v1;
	v1 =	vld [tilespmem:s30+$0x80]  }
0xa3: {  	v2 =	vld [tilespmem:s0+$0x7FC0];
	_ =	sdelay $0x4  }
0xa4: {  	v1 =	vadd.f32 v2, v1;
	_ =	sdelay $0x1  }
0xa5: {  	v1 =	vmax.f32 v1, $0.0e+00  }
0xa6: {  	[tilespmem:s30+$0x80] =	vst v1;
	v1 =	vld [tilespmem:s30+$0x90]  }
0xa7: {  	v2 =	vld [tilespmem:s0+$0x7FD0];
	_ =	sdelay $0x4  }
0xa8: {  	v1 =	vadd.f32 v2, v1;
	_ =	sdelay $0x1  }
0xa9: {  	v1 =	vmax.f32 v1, $0.0e+00  }
0xaa: {  	[tilespmem:s30+$0x90] =	vst v1;
	v1 =	vld [tilespmem:s30+$0xA0]  }
0xab: {  	v2 =	vld [tilespmem:s0+$0x7FE0];
	_ =	sdelay $0x4  }
0xac: {  	v1 =	vadd.f32 v2, v1;
	_ =	sdelay $0x1  }
0xad: {  	v1 =	vmax.f32 v1, $0.0e+00  }
0xae: {  	[tilespmem:s30+$0xA0] =	vst v1;
	v1 =	vld [tilespmem:s30+$0xB0]  }
0xaf: {  	v2 =	vld [tilespmem:s0+$0x7FF0];
	_ =	sdelay $0x4  }
0xb0: {  	v1 =	vadd.f32 v2, v1;
	_ =	sdelay $0x1  }
0xb1: {  	v1 =	vmax.f32 v1, $0.0e+00  }
0xb2: {  	[tilespmem:s30+$0xB0] =	vst v1;
	v1 =	vld [tilespmem:s30+$0xC0]  }
0xb3: {  	v2 =	vld [tilespmem:s0+$0x8000];
	_ =	sdelay $0x4  }
0xb4: {  	v1 =	vadd.f32 v2, v1;
	_ =	sdelay $0x1  }
0xb5: {  	v1 =	vmax.f32 v1, $0.0e+00  }
0xb6: {  	[tilespmem:s30+$0xC0] =	vst v1;
	v1 =	vld [tilespmem:s30+$0xD0]  }
0xb7: {  	v2 =	vld [tilespmem:s0+$0x8010];
	_ =	sdelay $0x4  }
0xb8: {  	v1 =	vadd.f32 v2, v1;
	_ =	sdelay $0x1  }
0xb9: {  	v1 =	vmax.f32 v1, $0.0e+00  }
0xba: {  	[tilespmem:s30+$0xD0] =	vst v1;
	v1 =	vld [tilespmem:s30+$0xE0]  }
0xbb: {  	v2 =	vld [tilespmem:s0+$0x8020];
	_ =	sdelay $0x4  }
0xbc: {  	v1 =	vadd.f32 v2, v1;
	_ =	sdelay $0x1  }
0xbd: {  	v1 =	vmax.f32 v1, $0.0e+00  }
0xbe: {  	[tilespmem:s30+$0xE0] =	vst v1;
	v1 =	vld [tilespmem:s30+$0xF0]  }
0xbf: {  	v2 =	vld [tilespmem:s0+$0x8030];
	_ =	sdelay $0x3  }
.Ltmp1:
0xc0: {  	(pc) =	sbr.rel @p0 .LBB2_5-.Ltmp1, $3  }
0xc1: {  	v1 =	vadd.f32 v2, v1;
	_ =	sdelay $0x1  }
0xc2: {  	s30 =	sadd.s32 $0x200, s30;
	v2 =	vmax.f32 v1, $0.0e+00  }
0xc3: {  	s0 =	sshra.s32 s17, $0x2;
	s17 =	sadd.s32 $0x200, s17;
	v1 =	vld [tilespmem:s30+$0xFFFFFF00];
	[tilespmem:s31+$0xF0] =	vst v2;
	s31 =	smov.u32 s30  }
0xc4: {  	v2 =	vld [tilespmem:s0+$0x67C0];
	_ =	sdelay $0x4  }
0xc5: {  	v1 =	vadd.f32 v2, v1;
	_ =	sdelay $0x1  }
0xc6: {  	v1 =	vmax.f32 v1, $0.0e+00  }
0xc7: {  	[tilespmem:s30+$0xFFFFFF00] =	vst v1;
	v1 =	vld [tilespmem:s30+$0xFFFFFF10]  }
0xc8: {  	v2 =	vld [tilespmem:s0+$0x67D0];
	_ =	sdelay $0x4  }
0xc9: {  	v1 =	vadd.f32 v2, v1;
	_ =	sdelay $0x1  }
0xca: {  	v1 =	vmax.f32 v1, $0.0e+00  }
0xcb: {  	[tilespmem:s30+$0xFFFFFF10] =	vst v1;
	v1 =	vld [tilespmem:s30+$0xFFFFFF20]  }
0xcc: {  	v2 =	vld [tilespmem:s0+$0x67E0];
	_ =	sdelay $0x4  }
0xcd: {  	v1 =	vadd.f32 v2, v1;
	_ =	sdelay $0x1  }
0xce: {  	v1 =	vmax.f32 v1, $0.0e+00  }
0xcf: {  	[tilespmem:s30+$0xFFFFFF20] =	vst v1;
	v1 =	vld [tilespmem:s30+$0xFFFFFF30]  }
0xd0: {  	v2 =	vld [tilespmem:s0+$0x67F0];
	_ =	sdelay $0x4  }
0xd1: {  	v1 =	vadd.f32 v2, v1;
	_ =	sdelay $0x1  }
0xd2: {  	v1 =	vmax.f32 v1, $0.0e+00  }
0xd3: {  	[tilespmem:s30+$0xFFFFFF30] =	vst v1;
	v1 =	vld [tilespmem:s30+$0xFFFFFF40]  }
0xd4: {  	v2 =	vld [tilespmem:s0+$0x6800];
	_ =	sdelay $0x4  }
0xd5: {  	v1 =	vadd.f32 v2, v1;
	_ =	sdelay $0x1  }
0xd6: {  	v1 =	vmax.f32 v1, $0.0e+00  }
0xd7: {  	[tilespmem:s30+$0xFFFFFF40] =	vst v1;
	v1 =	vld [tilespmem:s30+$0xFFFFFF50]  }
0xd8: {  	v2 =	vld [tilespmem:s0+$0x6810];
	_ =	sdelay $0x4  }
0xd9: {  	v1 =	vadd.f32 v2, v1;
	_ =	sdelay $0x1  }
0xda: {  	v1 =	vmax.f32 v1, $0.0e+00  }
0xdb: {  	[tilespmem:s30+$0xFFFFFF50] =	vst v1;
	v1 =	vld [tilespmem:s30+$0xFFFFFF60]  }
0xdc: {  	v2 =	vld [tilespmem:s0+$0x6820];
	_ =	sdelay $0x4  }
0xdd: {  	v1 =	vadd.f32 v2, v1;
	_ =	sdelay $0x1  }
0xde: {  	v1 =	vmax.f32 v1, $0.0e+00  }
0xdf: {  	[tilespmem:s30+$0xFFFFFF60] =	vst v1;
	v1 =	vld [tilespmem:s30+$0xFFFFFF70]  }
0xe0: {  	v2 =	vld [tilespmem:s0+$0x6830];
	_ =	sdelay $0x4  }
0xe1: {  	v1 =	vadd.f32 v2, v1;
	_ =	sdelay $0x1  }
0xe2: {  	v1 =	vmax.f32 v1, $0.0e+00  }
0xe3: {  	[tilespmem:s30+$0xFFFFFF70] =	vst v1;
	v1 =	vld [tilespmem:s30+$0xFFFFFF80]  }
0xe4: {  	v2 =	vld [tilespmem:s0+$0x6FC0];
	_ =	sdelay $0x4  }
0xe5: {  	v1 =	vadd.f32 v2, v1;
	_ =	sdelay $0x1  }
0xe6: {  	v1 =	vmax.f32 v1, $0.0e+00  }
0xe7: {  	[tilespmem:s30+$0xFFFFFF80] =	vst v1;
	v1 =	vld [tilespmem:s30+$0xFFFFFF90]  }
0xe8: {  	v2 =	vld [tilespmem:s0+$0x6FD0];
	_ =	sdelay $0x4  }
0xe9: {  	v1 =	vadd.f32 v2, v1;
	_ =	sdelay $0x1  }
0xea: {  	v1 =	vmax.f32 v1, $0.0e+00  }
0xeb: {  	[tilespmem:s30+$0xFFFFFF90] =	vst v1;
	v1 =	vld [tilespmem:s30+$0xFFFFFFA0]  }
0xec: {  	v2 =	vld [tilespmem:s0+$0x6FE0];
	_ =	sdelay $0x4  }
0xed: {  	v1 =	vadd.f32 v2, v1;
	_ =	sdelay $0x1  }
0xee: {  	v1 =	vmax.f32 v1, $0.0e+00  }
0xef: {  	[tilespmem:s30+$0xFFFFFFA0] =	vst v1;
	v1 =	vld [tilespmem:s30+$0xFFFFFFB0]  }
0xf0: {  	v2 =	vld [tilespmem:s0+$0x6FF0];
	_ =	sdelay $0x4  }
0xf1: {  	v1 =	vadd.f32 v2, v1;
	_ =	sdelay $0x1  }
0xf2: {  	v1 =	vmax.f32 v1, $0.0e+00  }
0xf3: {  	[tilespmem:s30+$0xFFFFFFB0] =	vst v1;
	v1 =	vld [tilespmem:s30+$0xFFFFFFC0]  }
0xf4: {  	v2 =	vld [tilespmem:s0+$0x7000];
	_ =	sdelay $0x4  }
0xf5: {  	v1 =	vadd.f32 v2, v1;
	_ =	sdelay $0x1  }
0xf6: {  	v1 =	vmax.f32 v1, $0.0e+00  }
0xf7: {  	[tilespmem:s30+$0xFFFFFFC0] =	vst v1;
	v1 =	vld [tilespmem:s30+$0xFFFFFFD0]  }
0xf8: {  	v2 =	vld [tilespmem:s0+$0x7010];
	_ =	sdelay $0x4  }
0xf9: {  	v1 =	vadd.f32 v2, v1;
	_ =	sdelay $0x1  }
0xfa: {  	v1 =	vmax.f32 v1, $0.0e+00  }
0xfb: {  	[tilespmem:s30+$0xFFFFFFD0] =	vst v1;
	v1 =	vld [tilespmem:s30+$0xFFFFFFE0]  }
0xfc: {  	v2 =	vld [tilespmem:s0+$0x7020];
	_ =	sdelay $0x4  }
0xfd: {  	v1 =	vadd.f32 v2, v1;
	_ =	sdelay $0x1  }
0xfe: {  	v1 =	vmax.f32 v1, $0.0e+00  }
0xff: {  	[tilespmem:s30+$0xFFFFFFE0] =	vst v1;
	v1 =	vld [tilespmem:s30+$0xFFFFFFF0]  }
0x100: {  	v2 =	vld [tilespmem:s0+$0x7030];
	_ =	sdelay $0x4  }
0x101: {  	v1 =	vadd.f32 v2, v1;
	_ =	sdelay $0x1  }
0x102: {  	v1 =	vmax.f32 v1, $0.0e+00  }
0x103: {  	[tilespmem:s30+$0xFFFFFFF0] =	vst v1;
	v1 =	vld [tilespmem:s30+$0x0]  }
0x104: {  	v2 =	vld [tilespmem:s0+$0x77C0];
	_ =	sdelay $0x4  }
0x105: {  	v1 =	vadd.f32 v2, v1;
	_ =	sdelay $0x1  }
0x106: {  	v1 =	vmax.f32 v1, $0.0e+00  }
0x107: {  	[tilespmem:s30+$0x0] =	vst v1;
	v1 =	vld [tilespmem:s30+$0x10]  }
0x108: {  	v2 =	vld [tilespmem:s0+$0x77D0];
	_ =	sdelay $0x4  }
0x109: {  	v1 =	vadd.f32 v2, v1;
	_ =	sdelay $0x1  }
0x10a: {  	v1 =	vmax.f32 v1, $0.0e+00  }
0x10b: {  	[tilespmem:s30+$0x10] =	vst v1;
	v1 =	vld [tilespmem:s30+$0x20]  }
0x10c: {  	v2 =	vld [tilespmem:s0+$0x77E0];
	_ =	sdelay $0x4  }
0x10d: {  	v1 =	vadd.f32 v2, v1;
	_ =	sdelay $0x1  }
0x10e: {  	v1 =	vmax.f32 v1, $0.0e+00  }
0x10f: {  	[tilespmem:s30+$0x20] =	vst v1;
	v1 =	vld [tilespmem:s30+$0x30]  }
0x110: {  	v2 =	vld [tilespmem:s0+$0x77F0];
	_ =	sdelay $0x4  }
0x111: {  	v1 =	vadd.f32 v2, v1;
	_ =	sdelay $0x1  }
0x112: {  	v1 =	vmax.f32 v1, $0.0e+00  }
0x113: {  	[tilespmem:s30+$0x30] =	vst v1;
	v1 =	vld [tilespmem:s30+$0x40]  }
0x114: {  	v2 =	vld [tilespmem:s0+$0x7800];
	_ =	sdelay $0x4  }
0x115: {  	v1 =	vadd.f32 v2, v1;
	_ =	sdelay $0x1  }
0x116: {  	v1 =	vmax.f32 v1, $0.0e+00  }
0x117: {  	[tilespmem:s30+$0x40] =	vst v1;
	v1 =	vld [tilespmem:s30+$0x50]  }
0x118: {  	v2 =	vld [tilespmem:s0+$0x7810];
	_ =	sdelay $0x4  }
0x119: {  	v1 =	vadd.f32 v2, v1;
	_ =	sdelay $0x1  }
0x11a: {  	v1 =	vmax.f32 v1, $0.0e+00  }
0x11b: {  	[tilespmem:s30+$0x50] =	vst v1;
	v1 =	vld [tilespmem:s30+$0x60]  }
0x11c: {  	v2 =	vld [tilespmem:s0+$0x7820];
	_ =	sdelay $0x4  }
0x11d: {  	v1 =	vadd.f32 v2, v1;
	_ =	sdelay $0x1  }
0x11e: {  	v1 =	vmax.f32 v1, $0.0e+00  }
0x11f: {  	[tilespmem:s30+$0x60] =	vst v1;
	v1 =	vld [tilespmem:s30+$0x70]  }
0x120: {  	v2 =	vld [tilespmem:s0+$0x7830];
	_ =	sdelay $0x4  }
0x121: {  	v1 =	vadd.f32 v2, v1;
	_ =	sdelay $0x1  }
0x122: {  	v1 =	vmax.f32 v1, $0.0e+00  }
0x123: {  	[tilespmem:s30+$0x70] =	vst v1;
	v1 =	vld [tilespmem:s30+$0x80]  }
0x124: {  	v2 =	vld [tilespmem:s0+$0x7FC0];
	_ =	sdelay $0x4  }
0x125: {  	v1 =	vadd.f32 v2, v1;
	_ =	sdelay $0x1  }
0x126: {  	v1 =	vmax.f32 v1, $0.0e+00  }
0x127: {  	[tilespmem:s30+$0x80] =	vst v1;
	v1 =	vld [tilespmem:s30+$0x90]  }
0x128: {  	v2 =	vld [tilespmem:s0+$0x7FD0];
	_ =	sdelay $0x4  }
0x129: {  	v1 =	vadd.f32 v2, v1;
	_ =	sdelay $0x1  }
0x12a: {  	v1 =	vmax.f32 v1, $0.0e+00  }
0x12b: {  	[tilespmem:s30+$0x90] =	vst v1;
	v1 =	vld [tilespmem:s30+$0xA0]  }
0x12c: {  	v2 =	vld [tilespmem:s0+$0x7FE0];
	_ =	sdelay $0x4  }
0x12d: {  	v1 =	vadd.f32 v2, v1;
	_ =	sdelay $0x1  }
0x12e: {  	v1 =	vmax.f32 v1, $0.0e+00  }
0x12f: {  	[tilespmem:s30+$0xA0] =	vst v1;
	v1 =	vld [tilespmem:s30+$0xB0]  }
0x130: {  	v2 =	vld [tilespmem:s0+$0x7FF0];
	_ =	sdelay $0x4  }
0x131: {  	v1 =	vadd.f32 v2, v1;
	_ =	sdelay $0x1  }
0x132: {  	v1 =	vmax.f32 v1, $0.0e+00  }
0x133: {  	[tilespmem:s30+$0xB0] =	vst v1;
	v1 =	vld [tilespmem:s30+$0xC0]  }
0x134: {  	v2 =	vld [tilespmem:s0+$0x8000];
	_ =	sdelay $0x4  }
0x135: {  	v1 =	vadd.f32 v2, v1;
	_ =	sdelay $0x1  }
0x136: {  	v1 =	vmax.f32 v1, $0.0e+00  }
0x137: {  	[tilespmem:s30+$0xC0] =	vst v1;
	v1 =	vld [tilespmem:s30+$0xD0]  }
0x138: {  	v2 =	vld [tilespmem:s0+$0x8010];
	_ =	sdelay $0x4  }
0x139: {  	v1 =	vadd.f32 v2, v1;
	_ =	sdelay $0x1  }
0x13a: {  	v1 =	vmax.f32 v1, $0.0e+00  }
0x13b: {  	[tilespmem:s30+$0xD0] =	vst v1;
	v1 =	vld [tilespmem:s30+$0xE0]  }
0x13c: {  	v2 =	vld [tilespmem:s0+$0x8020];
	_ =	sdelay $0x4  }
0x13d: {  	v1 =	vadd.f32 v2, v1;
	_ =	sdelay $0x1  }
0x13e: {  	v1 =	vmax.f32 v1, $0.0e+00  }
0x13f: {  	[tilespmem:s30+$0xE0] =	vst v1;
	v1 =	vld [tilespmem:s30+$0xF0]  }
0x140: {  	v2 =	vld [tilespmem:s0+$0x8030];
	_ =	sdelay $0x4  }
0x141: {  	v1 =	vadd.f32 v2, v1  }
0x142: {  	s28 =	sadd.s32 $0x1, s28  }
0x143: {  	p0 =	sne.s32 s28, $0x50;
	v1 =	vmax.f32 v1, $0.0e+00  }
.Ltmp2:
0x144: {  	[tilespmem:s31+$0xF0] =	vst v1;
	s31 =	sadd.s32 $0x2800, s29;
	(pc) =	sbr.rel @p0 .LBB2_4-.Ltmp2, $4  }
0x145: {  	[spmem:s1] =	stream.indirect.scatter.add.f32 [tilespmem:s18], [sflag:$0x3], $0x40, s31, s19, $0xb8;
	[tilespmem:$0x13000] =	vst v63  }
0x146: {  	_ =	swait.ge [sflag:s16], $0x2000  }
0x147: {  	[sflag:s16] =	ssyncset.done $0x0  }
0x148: {  	[sflag:s16] =	ssyncadd.s32 $0xFFFFE000  }
0x149: {  	s26 =	sadd.s32 $0x1, s26  }
0x14a: {  	s0 =	sshll.u32 s2, $0x6;
	p0 =	sne.s32 s26, s11  }
.Ltmp3:
0x14b: {  	[bflag:$0x0] =	sbarrier.arrive $0xFFFF;
	s0 =	sor.u32 $0x1C03, s0;
	(pc) =	sbr.rel @p0 .LBB2_1-.Ltmp3, $4  }
0x14c: {  	[hbm:s10], [sflag:s0] =	dma.local [spmem:s25], $0x1400  }
0x14d: {  	_ =	swait.ge [sflag:s16], $0x1400  }
0x14e: {  	[sflag:s16] =	ssyncset.done $0x0  }
0x14f: {  	[sflag:s16] =	ssyncadd.s32 $0xFFFFEC00  }
0x150: {  	_ =	sfence.sel $0x180000  }
0x151: {  	[bflag:$0x0] =	sbarrier.arrive $0xFFFF  }
0x152: {  	_ =	strace $0x9000004A  }
0x153: {  	[bflag:$0x2] =	sbarrier.arrive $0xFFFF  }
0x154: {  	p0 =	sne.s32 s2, $0x0;
	s0 =	rddreg [dreg:$0x2]  }
0x155: {  	s0 =	sadd.s32 @!p0 $0x100000, s0  }
0x156: {  	[sflag:s0] =	ssyncadd.tile.s32 @!p0 $0x1;
	_ =	shalt  }
.Lfunc_end2:
_tile_overlayer_lowered:
.L_overlay_start_2:
0x157: {  	(tag) =	ssettag $0x2  }
0x158: {  	s0 =	rddreg [dreg:$0x0];
	s2 =	stileid.u32  }
0x159: {  	s1 =	rddreg [dreg:$0x1];
	p0 =	sne.s32 s2, $0x0  }
0x15a: {  	s3 =	rddreg [dreg:$0x2];
	[bflag:$0x3] =	sbarrier.arrive $0xFFFF;
	s2 =	simm.s32 @!p0 $0x1C03  }
0x15b: {  	[timem:s3], [sflag:s2] =	dma.local @!p0 [hbm:s0], s1  }
0x15c: {  	s0 =	simm.s32 @!p0 $0x3  }
0x15d: {  	_ =	swait.ge @!p0 [sflag:s0], s1  }
0x15e: {  	s1 =	ssub.s32 @!p0 $0x0, s1;
	[sflag:s0] =	ssyncset.done @!p0 $0x0  }
0x15f: {  	[sflag:s0] =	ssyncadd.s32 @!p0 s1  }
0x160: {  	[bflag:$0x3] =	sbarrier.arrive $0xFFFF  }
0x161: {  	_ =	shalt  }

</sc_bundles>
